<compile_context>
chip_gen: v7x
topology: tpu7x:2x2x1
jax: 0.10.2.dev20260603
libtpu: 0.0.44.dev20260713+nightly
codegen_flags: <defaults>
</compile_context>

<pallas_src>
import functools

import jax
import jax.numpy as jnp
from jax import lax
from jax.experimental import pallas as pl
from jax.experimental.pallas import tpu as pltpu
from jax.experimental.pallas import tpu_sc as plsc

VOCAB = 100000
DIM = 300
DIMP = 304
BATCH = 16384
HIST = 50

NW = 32
JW = 64
DT = DIMP // 8
BT = BATCH // 128
UNITS = HIST * BT * 2
C2 = UNITS // NW
Q = C2 // 2


def _make_gather():
    mesh = plsc.VectorSubcoreMesh(core_axis_name="c", subcore_axis_name="s")

    @functools.partial(
        pl.kernel,
        mesh=mesh,
        compiler_params=pltpu.CompilerParams(
            use_tc_tiling_on_sc=False, needs_layout_passes=False),
        out_type=jax.ShapeDtypeStruct((HIST, DT, BT, 8, 128), jnp.float32),
        scratch_types=[
            pltpu.VMEM((C2, JW), jnp.int32),
            pltpu.VMEM((JW, DIMP), jnp.float32),
            pltpu.VMEM((JW, DIMP), jnp.float32),
            pltpu.VMEM((DT, 8, JW), jnp.float32),
            pltpu.VMEM((DT, 8, JW), jnp.float32),
            pltpu.SemaphoreType.DMA,
            pltpu.SemaphoreType.DMA,
            pltpu.SemaphoreType.DMA,
            pltpu.SemaphoreType.DMA,
        ],
    )
    def gather_kernel(table_hbm, idx_hbm, out_hbm, idx_v,
                      rows0, rows1, tile0, tile1, g0, g1, s0, s1):
        wid = lax.axis_index("s") * 2 + lax.axis_index("c")

        pltpu.sync_copy(idx_hbm.at[wid], idx_v)

        iotas = [lax.iota(jnp.int32, 16) + 16 * k for k in range(4)]

        def unit_dst(c2):
            u = wid * C2 + c2
            uu = u // 2
            h = uu // BT
            bt = uu % BT
            j0 = (u % 2) * JW
            return out_hbm.at[h, :, bt, :, pl.ds(j0, JW)]

        def issue_gather(c2, rows_b, gsem):
            pltpu.async_copy(table_hbm.at[idx_v.at[c2]], rows_b, gsem)

        def wait_gather(rows_b, gsem):
            pltpu.make_async_copy(
                table_hbm.at[pl.ds(0, JW)], rows_b, gsem).wait()

        def transpose(rows_b, tile_b):
            @plsc.parallel_loop(0, DIMP, unroll=4)
            def d_body(d):
                d_vec = jnp.zeros((16,), jnp.int32) + d
                dt = d // 8
                i = d % 8
                for k in range(4):
                    vals = plsc.load_gather(rows_b, [iotas[k], d_vec])
                    tile_b[dt, i, pl.ds(16 * k, 16)] = vals

        def issue_store(c2, tile_b, ssem):
            pltpu.async_copy(tile_b, unit_dst(c2), ssem)

        def wait_store(c2, tile_b, ssem):
            pltpu.make_async_copy(tile_b, unit_dst(c2), ssem).wait()

        bufs = ((rows0, tile0, g0, s0), (rows1, tile1, g1, s1))

        issue_gather(0, rows0, g0)
        issue_gather(1, rows1, g1)
        for b, (rows_b, tile_b, gsem, ssem) in enumerate(bufs):
            wait_gather(rows_b, gsem)
            transpose(rows_b, tile_b)
            issue_store(b, tile_b, ssem)
            issue_gather(2 + b, rows_b, gsem)

        def q_body(q, carry):
            for b, (rows_b, tile_b, gsem, ssem) in enumerate(bufs):
                c2 = 2 * q + b
                wait_gather(rows_b, gsem)
                wait_store(c2 - 2, tile_b, ssem)
                transpose(rows_b, tile_b)
                issue_store(c2, tile_b, ssem)
                issue_gather(c2 + 2, rows_b, gsem)
            return carry
        lax.fori_loop(1, Q - 1, q_body, 0)

        for b, (rows_b, tile_b, gsem, ssem) in enumerate(bufs):
            c2 = C2 - 2 + b
            wait_gather(rows_b, gsem)
            wait_store(c2 - 2, tile_b, ssem)
            transpose(rows_b, tile_b)
            issue_store(c2, tile_b, ssem)
            wait_store(c2, tile_b, ssem)

    return gather_kernel


_gather = _make_gather()


def kernel(x, table):
    idx3 = x.astype(jnp.int32).T.reshape(NW, C2, JW)
    tablep = jnp.pad(table, ((0, 0), (0, DIMP - DIM)))
    p = _gather(tablep, idx3)
    q = p.transpose((2, 4, 0, 1, 3))
    out = q.reshape(BATCH, HIST, DIMP)[..., :DIM]
    return out

# --- scband reference (transcript-rebuilt; emitter-appended) ---
"""Pipeline reference for scband-glove-embedding-1503238553703 (READ-ONLY COPY).

The authoritative reference and input builder live on the scoring server;
editing this copy changes nothing except your own understanding.
"""

import jax, jax.numpy as jnp
import numpy as np

VOCAB = 100000
DIM = 300
BATCH = 16384
HIST = 50

def setup_inputs(seed: int = 0) -> dict:
    key = jax.random.key(seed)
    k_idx, k_tab = jax.random.split(key)
    x = jax.random.randint(k_idx, (BATCH, HIST), 0, VOCAB, dtype=jnp.int64 if jax.config.jax_enable_x64 else jnp.int32)
    # Pretrained GloVe-like embedding table (from_pretrained weights).
    table = jax.random.normal(k_tab, (VOCAB, DIM), dtype=jnp.float32)
    return {"x": x, "table": table}

def reference(x, table):
    # torch.nn.Embedding(x) == row gather from the weight table
    return jnp.take(table, x, axis=0)

if __name__ == "__main__":
    import jax
    _d = setup_inputs()
    print(jax.jit(kernel)(*tuple(_d.values())))

</pallas_src>

<mosaic_0001>
#map = affine_map<(d0, d1) -> (0, 0)>
#map1 = affine_map<(d0, d1) -> (0, 0, 0)>
#map2 = affine_map<(d0, d1) -> (0, 0, 0, 0, 0)>
module attributes {stable_mosaic.version = 14 : i64} {
  func.func @gather_kernel(%arg0: i32, %arg1: i32, %arg2: memref<100000x304xf32, #tpu.memory_space<hbm>>, %arg3: memref<32x400x64xi32, #tpu.memory_space<hbm>>, %arg4: memref<50x38x128x8x128xf32, #tpu.memory_space<hbm>>, %arg5: memref<400x64xi32, #tpu.memory_space<vmem>>, %arg6: memref<64x304xf32, #tpu.memory_space<vmem>>, %arg7: memref<64x304xf32, #tpu.memory_space<vmem>>, %arg8: memref<38x8x64xf32, #tpu.memory_space<vmem>>, %arg9: memref<38x8x64xf32, #tpu.memory_space<vmem>>, %arg10: memref<!tpu.dma_semaphore, #tpu.memory_space<semaphore_mem>>, %arg11: memref<!tpu.dma_semaphore, #tpu.memory_space<semaphore_mem>>, %arg12: memref<!tpu.dma_semaphore, #tpu.memory_space<semaphore_mem>>, %arg13: memref<!tpu.dma_semaphore, #tpu.memory_space<semaphore_mem>>) attributes {dimension_semantics = [#tpu.dimension_semantics<core_parallel>, #tpu.dimension_semantics<subcore_parallel>], iteration_bounds = array<i64: 2, 16>, scalar_prefetch = 0 : i64, scratch_operands = 9 : i64, tpu.core_type = #tpu.core_type<sc_vector_subcore>, window_params = [{transform_indices = #map}, {transform_indices = #map1}, {transform_indices = #map2}]} {
    %mul3A = arith.constant 2 : i32
    %mul3A_0 = arith.muli %arg1, %mul3A : i32
    %add3A = arith.addi %mul3A_0, %arg0 : i32
    "tpu.region"() ({
      %run_scoped3A = tpu.sem_alloc : memref<!tpu.dma_semaphore, #tpu.memory_space<semaphore_mem>>
      %dma_start3A_824 = arith.constant 0 : i32
      %dma_start3A_825 = arith.constant 0 : i32
      %dma_start3A_826 = tpu.memref_slice %arg3[%add3A, %dma_start3A_824, %dma_start3A_825] : memref<32x400x64xi32, #tpu.memory_space<hbm>> -> memref<1x400x64xi32, #tpu.memory_space<hbm>>
      %dma_start3A_827 = tpu.memref_squeeze %dma_start3A_826 : memref<1x400x64xi32, #tpu.memory_space<hbm>> -> memref<400x64xi32, #tpu.memory_space<hbm>>
      %dma_start3A_828 = arith.constant 0 : i32
      %dma_start3A_829 = arith.constant 0 : i32
      %dma_start3A_830 = tpu.memref_slice %arg3[%add3A, %dma_start3A_828, %dma_start3A_829] : memref<32x400x64xi32, #tpu.memory_space<hbm>> -> memref<1x400x64xi32, #tpu.memory_space<hbm>>
      %dma_start3A_831 = tpu.memref_squeeze %dma_start3A_830 : memref<1x400x64xi32, #tpu.memory_space<hbm>> -> memref<400x64xi32, #tpu.memory_space<hbm>>
      tpu.enqueue_dma source(%dma_start3A_831 : memref<400x64xi32, #tpu.memory_space<hbm>>) target(%arg5 : memref<400x64xi32, #tpu.memory_space<vmem>>) target_semaphore(%run_scoped3A : memref<!tpu.dma_semaphore, #tpu.memory_space<semaphore_mem>>)
      %dma_wait3A_832 = arith.constant 0 : i32
      %dma_wait3A_833 = arith.constant 0 : i32
      %dma_wait3A_834 = tpu.memref_slice %arg3[%add3A, %dma_wait3A_832, %dma_wait3A_833] : memref<32x400x64xi32, #tpu.memory_space<hbm>> -> memref<1x400x64xi32, #tpu.memory_space<hbm>>
      %dma_wait3A_835 = tpu.memref_squeeze %dma_wait3A_834 : memref<1x400x64xi32, #tpu.memory_space<hbm>> -> memref<400x64xi32, #tpu.memory_space<hbm>>
      %dma_wait3A_836 = arith.constant 0 : i32
      %dma_wait3A_837 = arith.constant 0 : i32
      %dma_wait3A_838 = tpu.memref_slice %arg3[%add3A, %dma_wait3A_836, %dma_wait3A_837] : memref<32x400x64xi32, #tpu.memory_space<hbm>> -> memref<1x400x64xi32, #tpu.memory_space<hbm>>
      %dma_wait3A_839 = tpu.memref_squeeze %dma_wait3A_838 : memref<1x400x64xi32, #tpu.memory_space<hbm>> -> memref<400x64xi32, #tpu.memory_space<hbm>>
      tpu.wait_dma2 semaphore(%run_scoped3A : memref<!tpu.dma_semaphore, #tpu.memory_space<semaphore_mem>>) src(%dma_wait3A_839 : memref<400x64xi32, #tpu.memory_space<hbm>>) dst(%arg5 : memref<400x64xi32, #tpu.memory_space<vmem>>)
      tpu.yield
    }) : () -> ()
    %iota3A = tpu.iota {dimensions = array<i32: 0>} : vector<16xi32>
    %add3A_1 = arith.constant 0 : i32
    %add3A_2 = vector.broadcast %add3A_1 : i32 to vector<16xi32>
    %add3A_3 = arith.addi %iota3A, %add3A_2 : vector<16xi32>
    %iota3A_4 = tpu.iota {dimensions = array<i32: 0>} : vector<16xi32>
    %add3A_5 = arith.constant 16 : i32
    %add3A_6 = vector.broadcast %add3A_5 : i32 to vector<16xi32>
    %add3A_7 = arith.addi %iota3A_4, %add3A_6 : vector<16xi32>
    %iota3A_8 = tpu.iota {dimensions = array<i32: 0>} : vector<16xi32>
    %add3A_9 = arith.constant 32 : i32
    %add3A_10 = vector.broadcast %add3A_9 : i32 to vector<16xi32>
    %add3A_11 = arith.addi %iota3A_8, %add3A_10 : vector<16xi32>
    %iota3A_12 = tpu.iota {dimensions = array<i32: 0>} : vector<16xi32>
    %add3A_13 = arith.constant 48 : i32
    %add3A_14 = vector.broadcast %add3A_13 : i32 to vector<16xi32>
    %add3A_15 = arith.addi %iota3A_12, %add3A_14 : vector<16xi32>
    %dma_start3A = arith.constant 0 : i32
    %dma_start3A_16 = arith.constant 0 : i32
    %dma_start3A_17 = tpu.memref_slice %arg5[%dma_start3A, %dma_start3A_16] : memref<400x64xi32, #tpu.memory_space<vmem>> -> memref<1x64xi32, #tpu.memory_space<vmem>>
    %dma_start3A_18 = tpu.memref_squeeze %dma_start3A_17 : memref<1x64xi32, #tpu.memory_space<vmem>> -> memref<64xi32, #tpu.memory_space<vmem>>
    %dma_start3A_19 = arith.constant 0 : i32
    %dma_start3A_20 = arith.constant 0 : i32
    %dma_start3A_21 = tpu.memref_slice %arg2[%dma_start3A_19, %dma_start3A_20] : memref<100000x304xf32, #tpu.memory_space<hbm>> -> memref<100000x304xf32, #tpu.memory_space<hbm>>
    tpu.enqueue_indirect_dma source(%dma_start3A_21 : memref<100000x304xf32, #tpu.memory_space<hbm>>) target(%arg6 : memref<64x304xf32, #tpu.memory_space<vmem>>) offsets(%dma_start3A_18 : memref<64xi32, #tpu.memory_space<vmem>>) semaphore(%arg10 : memref<!tpu.dma_semaphore, #tpu.memory_space<semaphore_mem>>)
    %dma_start3A_22 = arith.constant 1 : i32
    %dma_start3A_23 = arith.constant 0 : i32
    %dma_start3A_24 = tpu.memref_slice %arg5[%dma_start3A_22, %dma_start3A_23] : memref<400x64xi32, #tpu.memory_space<vmem>> -> memref<1x64xi32, #tpu.memory_space<vmem>>
    %dma_start3A_25 = tpu.memref_squeeze %dma_start3A_24 : memref<1x64xi32, #tpu.memory_space<vmem>> -> memref<64xi32, #tpu.memory_space<vmem>>
    %dma_start3A_26 = arith.constant 0 : i32
    %dma_start3A_27 = arith.constant 0 : i32
    %dma_start3A_28 = tpu.memref_slice %arg2[%dma_start3A_26, %dma_start3A_27] : memref<100000x304xf32, #tpu.memory_space<hbm>> -> memref<100000x304xf32, #tpu.memory_space<hbm>>
    tpu.enqueue_indirect_dma source(%dma_start3A_28 : memref<100000x304xf32, #tpu.memory_space<hbm>>) target(%arg7 : memref<64x304xf32, #tpu.memory_space<vmem>>) offsets(%dma_start3A_25 : memref<64xi32, #tpu.memory_space<vmem>>) semaphore(%arg11 : memref<!tpu.dma_semaphore, #tpu.memory_space<semaphore_mem>>)
    %dma_wait3A = arith.constant 0 : i32
    %dma_wait3A_29 = arith.constant 0 : i32
    %dma_wait3A_30 = tpu.memref_slice %arg2[%dma_wait3A, %dma_wait3A_29] : memref<100000x304xf32, #tpu.memory_space<hbm>> -> memref<64x304xf32, #tpu.memory_space<hbm>>
    %dma_wait3A_31 = arith.constant 0 : i32
    %dma_wait3A_32 = arith.constant 0 : i32
    %dma_wait3A_33 = tpu.memref_slice %arg2[%dma_wait3A_31, %dma_wait3A_32] : memref<100000x304xf32, #tpu.memory_space<hbm>> -> memref<64x304xf32, #tpu.memory_space<hbm>>
    tpu.wait_dma2 semaphore(%arg10 : memref<!tpu.dma_semaphore, #tpu.memory_space<semaphore_mem>>) src(%dma_wait3A_33 : memref<64x304xf32, #tpu.memory_space<hbm>>) dst(%arg6 : memref<64x304xf32, #tpu.memory_space<vmem>>)
    %parallel_loop3A = arith.constant 0 : i32
    %parallel_loop3A_34 = arith.constant 304 : i32
    %parallel_loop3A_35 = arith.constant 1 : i32
    scf.for %parallel_loop3A_824 = %parallel_loop3A to %parallel_loop3A_34 step %parallel_loop3A_35  : i32 {
      %parallel_loop3A_825 = arith.constant 0 : i32
      %parallel_loop3A_826 = vector.broadcast %parallel_loop3A_825 : i32 to vector<16xi32>
      %parallel_loop3A_827 = vector.broadcast %parallel_loop3A_824 : i32 to vector<16xi32>
      %parallel_loop3A_828 = arith.addi %parallel_loop3A_826, %parallel_loop3A_827 : vector<16xi32>
      %parallel_loop3A_829 = arith.constant 8 : i32
      %parallel_loop3A_830 = arith.divsi %parallel_loop3A_824, %parallel_loop3A_829 : i32
      %parallel_loop3A_831 = arith.constant 0 : i32
      %parallel_loop3A_832 = arith.cmpi sgt, %parallel_loop3A_824, %parallel_loop3A_831 : i32
      %parallel_loop3A_833 = arith.extui %parallel_loop3A_832 : i1 to i32
      %parallel_loop3A_834 = arith.constant 0 : i32
      %parallel_loop3A_835 = arith.cmpi slt, %parallel_loop3A_824, %parallel_loop3A_834 : i32
      %parallel_loop3A_836 = arith.extui %parallel_loop3A_835 : i1 to i32
      %parallel_loop3A_837 = arith.subi %parallel_loop3A_833, %parallel_loop3A_836 : i32
      %parallel_loop3A_838 = arith.constant 0 : i32
      %parallel_loop3A_839 = arith.cmpi sgt, %parallel_loop3A_829, %parallel_loop3A_838 : i32
      %parallel_loop3A_840 = arith.extui %parallel_loop3A_839 : i1 to i32
      %parallel_loop3A_841 = arith.constant 0 : i32
      %parallel_loop3A_842 = arith.cmpi slt, %parallel_loop3A_829, %parallel_loop3A_841 : i32
      %parallel_loop3A_843 = arith.extui %parallel_loop3A_842 : i1 to i32
      %parallel_loop3A_844 = arith.subi %parallel_loop3A_840, %parallel_loop3A_843 : i32
      %parallel_loop3A_845 = arith.cmpi ne, %parallel_loop3A_837, %parallel_loop3A_844 : i32
      %parallel_loop3A_846 = arith.remsi %parallel_loop3A_824, %parallel_loop3A_829 : i32
      %parallel_loop3A_847 = arith.constant 0 : i32
      %parallel_loop3A_848 = arith.cmpi ne, %parallel_loop3A_846, %parallel_loop3A_847 : i32
      %parallel_loop3A_849 = arith.andi %parallel_loop3A_845, %parallel_loop3A_848 : i1
      %parallel_loop3A_850 = arith.constant 1 : i32
      %parallel_loop3A_851 = arith.subi %parallel_loop3A_830, %parallel_loop3A_850 : i32
      %parallel_loop3A_852 = arith.select %parallel_loop3A_849, %parallel_loop3A_851, %parallel_loop3A_830 : i32
      %parallel_loop3A_853 = arith.constant 8 : i32
      %parallel_loop3A_854 = arith.constant 0 : i32
      %parallel_loop3A_855 = arith.cmpi eq, %parallel_loop3A_853, %parallel_loop3A_854 : i32
      %parallel_loop3A_856 = arith.constant 1 : i32
      %parallel_loop3A_857 = arith.select %parallel_loop3A_855, %parallel_loop3A_856, %parallel_loop3A_853 : i32
      %parallel_loop3A_858 = arith.remsi %parallel_loop3A_824, %parallel_loop3A_857 : i32
      %parallel_loop3A_859 = arith.constant 0 : i32
      %parallel_loop3A_860 = arith.cmpi ne, %parallel_loop3A_858, %parallel_loop3A_859 : i32
      %parallel_loop3A_861 = arith.constant 0 : i32
      %parallel_loop3A_862 = arith.cmpi slt, %parallel_loop3A_858, %parallel_loop3A_861 : i32
      %parallel_loop3A_863 = arith.constant 0 : i32
      %parallel_loop3A_864 = arith.cmpi slt, %parallel_loop3A_857, %parallel_loop3A_863 : i32
      %parallel_loop3A_865 = arith.xori %parallel_loop3A_862, %parallel_loop3A_864 : i1
      %parallel_loop3A_866 = arith.andi %parallel_loop3A_865, %parallel_loop3A_860 : i1
      %parallel_loop3A_867 = arith.addi %parallel_loop3A_858, %parallel_loop3A_857 : i32
      %parallel_loop3A_868 = arith.select %parallel_loop3A_866, %parallel_loop3A_867, %parallel_loop3A_858 : i32
      %parallel_loop3A_869 = tpu.vector_load_idx %arg6[%add3A_3, %parallel_loop3A_828] : memref<64x304xf32, #tpu.memory_space<vmem>>[vector<16xi32>, vector<16xi32>], vector<16xf32>,
      %parallel_loop3A_870 = arith.index_cast %parallel_loop3A_852 : i32 to index
      %parallel_loop3A_871 = arith.index_cast %parallel_loop3A_868 : i32 to index
      %parallel_loop3A_872 = arith.constant 0 : index
      %parallel_loop3A_873 = tpu.vector_load %arg8[%parallel_loop3A_870, %parallel_loop3A_871, %parallel_loop3A_872] {strides = array<i32>} : memref<38x8x64xf32, #tpu.memory_space<vmem>>, vector<16xf32>,
      tpu.vector_store %arg8[%parallel_loop3A_870, %parallel_loop3A_871, %parallel_loop3A_872], %parallel_loop3A_869 {strides = array<i32>} : memref<38x8x64xf32, #tpu.memory_space<vmem>>, vector<16xf32>,
      %parallel_loop3A_874 = tpu.vector_load_idx %arg6[%add3A_7, %parallel_loop3A_828] : memref<64x304xf32, #tpu.memory_space<vmem>>[vector<16xi32>, vector<16xi32>], vector<16xf32>,
      %parallel_loop3A_875 = arith.index_cast %parallel_loop3A_852 : i32 to index
      %parallel_loop3A_876 = arith.index_cast %parallel_loop3A_868 : i32 to index
      %parallel_loop3A_877 = arith.constant 16 : index
      %parallel_loop3A_878 = tpu.vector_load %arg8[%parallel_loop3A_875, %parallel_loop3A_876, %parallel_loop3A_877] {strides = array<i32>} : memref<38x8x64xf32, #tpu.memory_space<vmem>>, vector<16xf32>,
      tpu.vector_store %arg8[%parallel_loop3A_875, %parallel_loop3A_876, %parallel_loop3A_877], %parallel_loop3A_874 {strides = array<i32>} : memref<38x8x64xf32, #tpu.memory_space<vmem>>, vector<16xf32>,
      %parallel_loop3A_879 = tpu.vector_load_idx %arg6[%add3A_11, %parallel_loop3A_828] : memref<64x304xf32, #tpu.memory_space<vmem>>[vector<16xi32>, vector<16xi32>], vector<16xf32>,
      %parallel_loop3A_880 = arith.index_cast %parallel_loop3A_852 : i32 to index
      %parallel_loop3A_881 = arith.index_cast %parallel_loop3A_868 : i32 to index
      %parallel_loop3A_882 = arith.constant 32 : index
      %parallel_loop3A_883 = tpu.vector_load %arg8[%parallel_loop3A_880, %parallel_loop3A_881, %parallel_loop3A_882] {strides = array<i32>} : memref<38x8x64xf32, #tpu.memory_space<vmem>>, vector<16xf32>,
      tpu.vector_store %arg8[%parallel_loop3A_880, %parallel_loop3A_881, %parallel_loop3A_882], %parallel_loop3A_879 {strides = array<i32>} : memref<38x8x64xf32, #tpu.memory_space<vmem>>, vector<16xf32>,
      %parallel_loop3A_884 = tpu.vector_load_idx %arg6[%add3A_15, %parallel_loop3A_828] : memref<64x304xf32, #tpu.memory_space<vmem>>[vector<16xi32>, vector<16xi32>], vector<16xf32>,
      %parallel_loop3A_885 = arith.index_cast %parallel_loop3A_852 : i32 to index
      %parallel_loop3A_886 = arith.index_cast %parallel_loop3A_868 : i32 to index
      %parallel_loop3A_887 = arith.constant 48 : index
      %parallel_loop3A_888 = tpu.vector_load %arg8[%parallel_loop3A_885, %parallel_loop3A_886, %parallel_loop3A_887] {strides = array<i32>} : memref<38x8x64xf32, #tpu.memory_space<vmem>>, vector<16xf32>,
      tpu.vector_store %arg8[%parallel_loop3A_885, %parallel_loop3A_886, %parallel_loop3A_887], %parallel_loop3A_884 {strides = array<i32>} : memref<38x8x64xf32, #tpu.memory_space<vmem>>, vector<16xf32>,
    } {sc.loop_unroll_factor = 4 : i64, sc.parallel_access}
    %mul3A_36 = arith.constant 400 : i32
    %mul3A_37 = arith.muli %add3A, %mul3A_36 : i32
    %add3A_38 = arith.constant 0 : i32
    %add3A_39 = arith.addi %mul3A_37, %add3A_38 : i32
    %jit3A = arith.constant 2 : i32
    %div3A = arith.divsi %add3A_39, %jit3A : i32
    %sign3A = arith.constant 0 : i32
    %sign3A_40 = arith.cmpi sgt, %add3A_39, %sign3A : i32
    %sign3A_41 = arith.extui %sign3A_40 : i1 to i32
    %sign3A_42 = arith.constant 0 : i32
    %sign3A_43 = arith.cmpi slt, %add3A_39, %sign3A_42 : i32
    %sign3A_44 = arith.extui %sign3A_43 : i1 to i32
    %sign3A_45 = arith.subi %sign3A_41, %sign3A_44 : i32
    %sign3A_46 = arith.constant 0 : i32
    %sign3A_47 = arith.cmpi sgt, %jit3A, %sign3A_46 : i32
    %sign3A_48 = arith.extui %sign3A_47 : i1 to i32
    %sign3A_49 = arith.constant 0 : i32
    %sign3A_50 = arith.cmpi slt, %jit3A, %sign3A_49 : i32
    %sign3A_51 = arith.extui %sign3A_50 : i1 to i32
    %sign3A_52 = arith.subi %sign3A_48, %sign3A_51 : i32
    %ne3A = arith.cmpi ne, %sign3A_45, %sign3A_52 : i32
    %rem3A = arith.remsi %add3A_39, %jit3A : i32
    %ne3A_53 = arith.constant 0 : i32
    %ne3A_54 = arith.cmpi ne, %rem3A, %ne3A_53 : i32
    %and3A = arith.andi %ne3A, %ne3A_54 : i1
    %sub3A = arith.constant 1 : i32
    %sub3A_55 = arith.subi %div3A, %sub3A : i32
    %select_n3A = arith.select %and3A, %sub3A_55, %div3A : i32
    %jit3A_56 = arith.constant 128 : i32
    %div3A_57 = arith.divsi %select_n3A, %jit3A_56 : i32
    %sign3A_58 = arith.constant 0 : i32
    %sign3A_59 = arith.cmpi sgt, %select_n3A, %sign3A_58 : i32
    %sign3A_60 = arith.extui %sign3A_59 : i1 to i32
    %sign3A_61 = arith.constant 0 : i32
    %sign3A_62 = arith.cmpi slt, %select_n3A, %sign3A_61 : i32
    %sign3A_63 = arith.extui %sign3A_62 : i1 to i32
    %sign3A_64 = arith.subi %sign3A_60, %sign3A_63 : i32
    %sign3A_65 = arith.constant 0 : i32
    %sign3A_66 = arith.cmpi sgt, %jit3A_56, %sign3A_65 : i32
    %sign3A_67 = arith.extui %sign3A_66 : i1 to i32
    %sign3A_68 = arith.constant 0 : i32
    %sign3A_69 = arith.cmpi slt, %jit3A_56, %sign3A_68 : i32
    %sign3A_70 = arith.extui %sign3A_69 : i1 to i32
    %sign3A_71 = arith.subi %sign3A_67, %sign3A_70 : i32
    %ne3A_72 = arith.cmpi ne, %sign3A_64, %sign3A_71 : i32
    %rem3A_73 = arith.remsi %select_n3A, %jit3A_56 : i32
    %ne3A_74 = arith.constant 0 : i32
    %ne3A_75 = arith.cmpi ne, %rem3A_73, %ne3A_74 : i32
    %and3A_76 = arith.andi %ne3A_72, %ne3A_75 : i1
    %sub3A_77 = arith.constant 1 : i32
    %sub3A_78 = arith.subi %div3A_57, %sub3A_77 : i32
    %select_n3A_79 = arith.select %and3A_76, %sub3A_78, %div3A_57 : i32
    %jit3A_80 = arith.constant 128 : i32
    %eq3A = arith.constant 0 : i32
    %eq3A_81 = arith.cmpi eq, %jit3A_80, %eq3A : i32
    %jit3A_82 = arith.constant 1 : i32
    %select_n3A_83 = arith.select %eq3A_81, %jit3A_82, %jit3A_80 : i32
    %rem3A_84 = arith.remsi %select_n3A, %select_n3A_83 : i32
    %ne3A_85 = arith.constant 0 : i32
    %ne3A_86 = arith.cmpi ne, %rem3A_84, %ne3A_85 : i32
    %lt3A = arith.constant 0 : i32
    %lt3A_87 = arith.cmpi slt, %rem3A_84, %lt3A : i32
    %lt3A_88 = arith.constant 0 : i32
    %lt3A_89 = arith.cmpi slt, %select_n3A_83, %lt3A_88 : i32
    %ne3A_90 = arith.xori %lt3A_87, %lt3A_89 : i1
    %and3A_91 = arith.andi %ne3A_90, %ne3A_86 : i1
    %add3A_92 = arith.addi %rem3A_84, %select_n3A_83 : i32
    %select_n3A_93 = arith.select %and3A_91, %add3A_92, %rem3A_84 : i32
    %jit3A_94 = arith.constant 2 : i32
    %eq3A_95 = arith.constant 0 : i32
    %eq3A_96 = arith.cmpi eq, %jit3A_94, %eq3A_95 : i32
    %jit3A_97 = arith.constant 1 : i32
    %select_n3A_98 = arith.select %eq3A_96, %jit3A_97, %jit3A_94 : i32
    %rem3A_99 = arith.remsi %add3A_39, %select_n3A_98 : i32
    %ne3A_100 = arith.constant 0 : i32
    %ne3A_101 = arith.cmpi ne, %rem3A_99, %ne3A_100 : i32
    %lt3A_102 = arith.constant 0 : i32
    %lt3A_103 = arith.cmpi slt, %rem3A_99, %lt3A_102 : i32
    %lt3A_104 = arith.constant 0 : i32
    %lt3A_105 = arith.cmpi slt, %select_n3A_98, %lt3A_104 : i32
    %ne3A_106 = arith.xori %lt3A_103, %lt3A_105 : i1
    %and3A_107 = arith.andi %ne3A_106, %ne3A_101 : i1
    %add3A_108 = arith.addi %rem3A_99, %select_n3A_98 : i32
    %select_n3A_109 = arith.select %and3A_107, %add3A_108, %rem3A_99 : i32
    %mul3A_110 = arith.constant 64 : i32
    %mul3A_111 = arith.muli %select_n3A_109, %mul3A_110 : i32
    %dma_start3A_112 = arith.constant 0 : i32
    %dma_start3A_113 = arith.constant 0 : i32
    %dma_start3A_114 = tpu.memref_slice %arg4[%select_n3A_79, %dma_start3A_112, %select_n3A_93, %dma_start3A_113, %mul3A_111] : memref<50x38x128x8x128xf32, #tpu.memory_space<hbm>> -> memref<1x38x1x8x64xf32, #tpu.memory_space<hbm>>
    %dma_start3A_115 = tpu.memref_squeeze %dma_start3A_114 : memref<1x38x1x8x64xf32, #tpu.memory_space<hbm>> -> memref<38x8x64xf32, #tpu.memory_space<hbm>>
    %dma_start3A_116 = arith.constant 0 : i32
    %dma_start3A_117 = arith.constant 0 : i32
    %dma_start3A_118 = tpu.memref_slice %arg4[%select_n3A_79, %dma_start3A_116, %select_n3A_93, %dma_start3A_117, %mul3A_111] : memref<50x38x128x8x128xf32, #tpu.memory_space<hbm>> -> memref<1x38x1x8x64xf32, #tpu.memory_space<hbm>>
    %dma_start3A_119 = tpu.memref_squeeze %dma_start3A_118 : memref<1x38x1x8x64xf32, #tpu.memory_space<hbm>> -> memref<38x8x64xf32, #tpu.memory_space<hbm>>
    tpu.enqueue_dma source(%arg8 : memref<38x8x64xf32, #tpu.memory_space<vmem>>) target(%dma_start3A_119 : memref<38x8x64xf32, #tpu.memory_space<hbm>>) target_semaphore(%arg12 : memref<!tpu.dma_semaphore, #tpu.memory_space<semaphore_mem>>)
    %dma_start3A_120 = arith.constant 2 : i32
    %dma_start3A_121 = arith.constant 0 : i32
    %dma_start3A_122 = tpu.memref_slice %arg5[%dma_start3A_120, %dma_start3A_121] : memref<400x64xi32, #tpu.memory_space<vmem>> -> memref<1x64xi32, #tpu.memory_space<vmem>>
    %dma_start3A_123 = tpu.memref_squeeze %dma_start3A_122 : memref<1x64xi32, #tpu.memory_space<vmem>> -> memref<64xi32, #tpu.memory_space<vmem>>
    %dma_start3A_124 = arith.constant 0 : i32
    %dma_start3A_125 = arith.constant 0 : i32
    %dma_start3A_126 = tpu.memref_slice %arg2[%dma_start3A_124, %dma_start3A_125] : memref<100000x304xf32, #tpu.memory_space<hbm>> -> memref<100000x304xf32, #tpu.memory_space<hbm>>
    tpu.enqueue_indirect_dma source(%dma_start3A_126 : memref<100000x304xf32, #tpu.memory_space<hbm>>) target(%arg6 : memref<64x304xf32, #tpu.memory_space<vmem>>) offsets(%dma_start3A_123 : memref<64xi32, #tpu.memory_space<vmem>>) semaphore(%arg10 : memref<!tpu.dma_semaphore, #tpu.memory_space<semaphore_mem>>)
    %dma_wait3A_127 = arith.constant 0 : i32
    %dma_wait3A_128 = arith.constant 0 : i32
    %dma_wait3A_129 = tpu.memref_slice %arg2[%dma_wait3A_127, %dma_wait3A_128] : memref<100000x304xf32, #tpu.memory_space<hbm>> -> memref<64x304xf32, #tpu.memory_space<hbm>>
    %dma_wait3A_130 = arith.constant 0 : i32
    %dma_wait3A_131 = arith.constant 0 : i32
    %dma_wait3A_132 = tpu.memref_slice %arg2[%dma_wait3A_130, %dma_wait3A_131] : memref<100000x304xf32, #tpu.memory_space<hbm>> -> memref<64x304xf32, #tpu.memory_space<hbm>>
    tpu.wait_dma2 semaphore(%arg11 : memref<!tpu.dma_semaphore, #tpu.memory_space<semaphore_mem>>) src(%dma_wait3A_132 : memref<64x304xf32, #tpu.memory_space<hbm>>) dst(%arg7 : memref<64x304xf32, #tpu.memory_space<vmem>>)
    %parallel_loop3A_133 = arith.constant 0 : i32
    %parallel_loop3A_134 = arith.constant 304 : i32
    %parallel_loop3A_135 = arith.constant 1 : i32
    scf.for %parallel_loop3A_824 = %parallel_loop3A_133 to %parallel_loop3A_134 step %parallel_loop3A_135  : i32 {
      %parallel_loop3A_825 = arith.constant 0 : i32
      %parallel_loop3A_826 = vector.broadcast %parallel_loop3A_825 : i32 to vector<16xi32>
      %parallel_loop3A_827 = vector.broadcast %parallel_loop3A_824 : i32 to vector<16xi32>
      %parallel_loop3A_828 = arith.addi %parallel_loop3A_826, %parallel_loop3A_827 : vector<16xi32>
      %parallel_loop3A_829 = arith.constant 8 : i32
      %parallel_loop3A_830 = arith.divsi %parallel_loop3A_824, %parallel_loop3A_829 : i32
      %parallel_loop3A_831 = arith.constant 0 : i32
      %parallel_loop3A_832 = arith.cmpi sgt, %parallel_loop3A_824, %parallel_loop3A_831 : i32
      %parallel_loop3A_833 = arith.extui %parallel_loop3A_832 : i1 to i32
      %parallel_loop3A_834 = arith.constant 0 : i32
      %parallel_loop3A_835 = arith.cmpi slt, %parallel_loop3A_824, %parallel_loop3A_834 : i32
      %parallel_loop3A_836 = arith.extui %parallel_loop3A_835 : i1 to i32
      %parallel_loop3A_837 = arith.subi %parallel_loop3A_833, %parallel_loop3A_836 : i32
      %parallel_loop3A_838 = arith.constant 0 : i32
      %parallel_loop3A_839 = arith.cmpi sgt, %parallel_loop3A_829, %parallel_loop3A_838 : i32
      %parallel_loop3A_840 = arith.extui %parallel_loop3A_839 : i1 to i32
      %parallel_loop3A_841 = arith.constant 0 : i32
      %parallel_loop3A_842 = arith.cmpi slt, %parallel_loop3A_829, %parallel_loop3A_841 : i32
      %parallel_loop3A_843 = arith.extui %parallel_loop3A_842 : i1 to i32
      %parallel_loop3A_844 = arith.subi %parallel_loop3A_840, %parallel_loop3A_843 : i32
      %parallel_loop3A_845 = arith.cmpi ne, %parallel_loop3A_837, %parallel_loop3A_844 : i32
      %parallel_loop3A_846 = arith.remsi %parallel_loop3A_824, %parallel_loop3A_829 : i32
      %parallel_loop3A_847 = arith.constant 0 : i32
      %parallel_loop3A_848 = arith.cmpi ne, %parallel_loop3A_846, %parallel_loop3A_847 : i32
      %parallel_loop3A_849 = arith.andi %parallel_loop3A_845, %parallel_loop3A_848 : i1
      %parallel_loop3A_850 = arith.constant 1 : i32
      %parallel_loop3A_851 = arith.subi %parallel_loop3A_830, %parallel_loop3A_850 : i32
      %parallel_loop3A_852 = arith.select %parallel_loop3A_849, %parallel_loop3A_851, %parallel_loop3A_830 : i32
      %parallel_loop3A_853 = arith.constant 8 : i32
      %parallel_loop3A_854 = arith.constant 0 : i32
      %parallel_loop3A_855 = arith.cmpi eq, %parallel_loop3A_853, %parallel_loop3A_854 : i32
      %parallel_loop3A_856 = arith.constant 1 : i32
      %parallel_loop3A_857 = arith.select %parallel_loop3A_855, %parallel_loop3A_856, %parallel_loop3A_853 : i32
      %parallel_loop3A_858 = arith.remsi %parallel_loop3A_824, %parallel_loop3A_857 : i32
      %parallel_loop3A_859 = arith.constant 0 : i32
      %parallel_loop3A_860 = arith.cmpi ne, %parallel_loop3A_858, %parallel_loop3A_859 : i32
      %parallel_loop3A_861 = arith.constant 0 : i32
      %parallel_loop3A_862 = arith.cmpi slt, %parallel_loop3A_858, %parallel_loop3A_861 : i32
      %parallel_loop3A_863 = arith.constant 0 : i32
      %parallel_loop3A_864 = arith.cmpi slt, %parallel_loop3A_857, %parallel_loop3A_863 : i32
      %parallel_loop3A_865 = arith.xori %parallel_loop3A_862, %parallel_loop3A_864 : i1
      %parallel_loop3A_866 = arith.andi %parallel_loop3A_865, %parallel_loop3A_860 : i1
      %parallel_loop3A_867 = arith.addi %parallel_loop3A_858, %parallel_loop3A_857 : i32
      %parallel_loop3A_868 = arith.select %parallel_loop3A_866, %parallel_loop3A_867, %parallel_loop3A_858 : i32
      %parallel_loop3A_869 = tpu.vector_load_idx %arg7[%add3A_3, %parallel_loop3A_828] : memref<64x304xf32, #tpu.memory_space<vmem>>[vector<16xi32>, vector<16xi32>], vector<16xf32>,
      %parallel_loop3A_870 = arith.index_cast %parallel_loop3A_852 : i32 to index
      %parallel_loop3A_871 = arith.index_cast %parallel_loop3A_868 : i32 to index
      %parallel_loop3A_872 = arith.constant 0 : index
      %parallel_loop3A_873 = tpu.vector_load %arg9[%parallel_loop3A_870, %parallel_loop3A_871, %parallel_loop3A_872] {strides = array<i32>} : memref<38x8x64xf32, #tpu.memory_space<vmem>>, vector<16xf32>,
      tpu.vector_store %arg9[%parallel_loop3A_870, %parallel_loop3A_871, %parallel_loop3A_872], %parallel_loop3A_869 {strides = array<i32>} : memref<38x8x64xf32, #tpu.memory_space<vmem>>, vector<16xf32>,
      %parallel_loop3A_874 = tpu.vector_load_idx %arg7[%add3A_7, %parallel_loop3A_828] : memref<64x304xf32, #tpu.memory_space<vmem>>[vector<16xi32>, vector<16xi32>], vector<16xf32>,
      %parallel_loop3A_875 = arith.index_cast %parallel_loop3A_852 : i32 to index
      %parallel_loop3A_876 = arith.index_cast %parallel_loop3A_868 : i32 to index
      %parallel_loop3A_877 = arith.constant 16 : index
      %parallel_loop3A_878 = tpu.vector_load %arg9[%parallel_loop3A_875, %parallel_loop3A_876, %parallel_loop3A_877] {strides = array<i32>} : memref<38x8x64xf32, #tpu.memory_space<vmem>>, vector<16xf32>,
      tpu.vector_store %arg9[%parallel_loop3A_875, %parallel_loop3A_876, %parallel_loop3A_877], %parallel_loop3A_874 {strides = array<i32>} : memref<38x8x64xf32, #tpu.memory_space<vmem>>, vector<16xf32>,
      %parallel_loop3A_879 = tpu.vector_load_idx %arg7[%add3A_11, %parallel_loop3A_828] : memref<64x304xf32, #tpu.memory_space<vmem>>[vector<16xi32>, vector<16xi32>], vector<16xf32>,
      %parallel_loop3A_880 = arith.index_cast %parallel_loop3A_852 : i32 to index
      %parallel_loop3A_881 = arith.index_cast %parallel_loop3A_868 : i32 to index
      %parallel_loop3A_882 = arith.constant 32 : index
      %parallel_loop3A_883 = tpu.vector_load %arg9[%parallel_loop3A_880, %parallel_loop3A_881, %parallel_loop3A_882] {strides = array<i32>} : memref<38x8x64xf32, #tpu.memory_space<vmem>>, vector<16xf32>,
      tpu.vector_store %arg9[%parallel_loop3A_880, %parallel_loop3A_881, %parallel_loop3A_882], %parallel_loop3A_879 {strides = array<i32>} : memref<38x8x64xf32, #tpu.memory_space<vmem>>, vector<16xf32>,
      %parallel_loop3A_884 = tpu.vector_load_idx %arg7[%add3A_15, %parallel_loop3A_828] : memref<64x304xf32, #tpu.memory_space<vmem>>[vector<16xi32>, vector<16xi32>], vector<16xf32>,
      %parallel_loop3A_885 = arith.index_cast %parallel_loop3A_852 : i32 to index
      %parallel_loop3A_886 = arith.index_cast %parallel_loop3A_868 : i32 to index
      %parallel_loop3A_887 = arith.constant 48 : index
      %parallel_loop3A_888 = tpu.vector_load %arg9[%parallel_loop3A_885, %parallel_loop3A_886, %parallel_loop3A_887] {strides = array<i32>} : memref<38x8x64xf32, #tpu.memory_space<vmem>>, vector<16xf32>,
      tpu.vector_store %arg9[%parallel_loop3A_885, %parallel_loop3A_886, %parallel_loop3A_887], %parallel_loop3A_884 {strides = array<i32>} : memref<38x8x64xf32, #tpu.memory_space<vmem>>, vector<16xf32>,
    } {sc.loop_unroll_factor = 4 : i64, sc.parallel_access}
    %mul3A_136 = arith.constant 400 : i32
    %mul3A_137 = arith.muli %add3A, %mul3A_136 : i32
    %add3A_138 = arith.constant 1 : i32
    %add3A_139 = arith.addi %mul3A_137, %add3A_138 : i32
    %jit3A_140 = arith.constant 2 : i32
    %div3A_141 = arith.divsi %add3A_139, %jit3A_140 : i32
    %sign3A_142 = arith.constant 0 : i32
    %sign3A_143 = arith.cmpi sgt, %add3A_139, %sign3A_142 : i32
    %sign3A_144 = arith.extui %sign3A_143 : i1 to i32
    %sign3A_145 = arith.constant 0 : i32
    %sign3A_146 = arith.cmpi slt, %add3A_139, %sign3A_145 : i32
    %sign3A_147 = arith.extui %sign3A_146 : i1 to i32
    %sign3A_148 = arith.subi %sign3A_144, %sign3A_147 : i32
    %sign3A_149 = arith.constant 0 : i32
    %sign3A_150 = arith.cmpi sgt, %jit3A_140, %sign3A_149 : i32
    %sign3A_151 = arith.extui %sign3A_150 : i1 to i32
    %sign3A_152 = arith.constant 0 : i32
    %sign3A_153 = arith.cmpi slt, %jit3A_140, %sign3A_152 : i32
    %sign3A_154 = arith.extui %sign3A_153 : i1 to i32
    %sign3A_155 = arith.subi %sign3A_151, %sign3A_154 : i32
    %ne3A_156 = arith.cmpi ne, %sign3A_148, %sign3A_155 : i32
    %rem3A_157 = arith.remsi %add3A_139, %jit3A_140 : i32
    %ne3A_158 = arith.constant 0 : i32
    %ne3A_159 = arith.cmpi ne, %rem3A_157, %ne3A_158 : i32
    %and3A_160 = arith.andi %ne3A_156, %ne3A_159 : i1
    %sub3A_161 = arith.constant 1 : i32
    %sub3A_162 = arith.subi %div3A_141, %sub3A_161 : i32
    %select_n3A_163 = arith.select %and3A_160, %sub3A_162, %div3A_141 : i32
    %jit3A_164 = arith.constant 128 : i32
    %div3A_165 = arith.divsi %select_n3A_163, %jit3A_164 : i32
    %sign3A_166 = arith.constant 0 : i32
    %sign3A_167 = arith.cmpi sgt, %select_n3A_163, %sign3A_166 : i32
    %sign3A_168 = arith.extui %sign3A_167 : i1 to i32
    %sign3A_169 = arith.constant 0 : i32
    %sign3A_170 = arith.cmpi slt, %select_n3A_163, %sign3A_169 : i32
    %sign3A_171 = arith.extui %sign3A_170 : i1 to i32
    %sign3A_172 = arith.subi %sign3A_168, %sign3A_171 : i32
    %sign3A_173 = arith.constant 0 : i32
    %sign3A_174 = arith.cmpi sgt, %jit3A_164, %sign3A_173 : i32
    %sign3A_175 = arith.extui %sign3A_174 : i1 to i32
    %sign3A_176 = arith.constant 0 : i32
    %sign3A_177 = arith.cmpi slt, %jit3A_164, %sign3A_176 : i32
    %sign3A_178 = arith.extui %sign3A_177 : i1 to i32
    %sign3A_179 = arith.subi %sign3A_175, %sign3A_178 : i32
    %ne3A_180 = arith.cmpi ne, %sign3A_172, %sign3A_179 : i32
    %rem3A_181 = arith.remsi %select_n3A_163, %jit3A_164 : i32
    %ne3A_182 = arith.constant 0 : i32
    %ne3A_183 = arith.cmpi ne, %rem3A_181, %ne3A_182 : i32
    %and3A_184 = arith.andi %ne3A_180, %ne3A_183 : i1
    %sub3A_185 = arith.constant 1 : i32
    %sub3A_186 = arith.subi %div3A_165, %sub3A_185 : i32
    %select_n3A_187 = arith.select %and3A_184, %sub3A_186, %div3A_165 : i32
    %jit3A_188 = arith.constant 128 : i32
    %eq3A_189 = arith.constant 0 : i32
    %eq3A_190 = arith.cmpi eq, %jit3A_188, %eq3A_189 : i32
    %jit3A_191 = arith.constant 1 : i32
    %select_n3A_192 = arith.select %eq3A_190, %jit3A_191, %jit3A_188 : i32
    %rem3A_193 = arith.remsi %select_n3A_163, %select_n3A_192 : i32
    %ne3A_194 = arith.constant 0 : i32
    %ne3A_195 = arith.cmpi ne, %rem3A_193, %ne3A_194 : i32
    %lt3A_196 = arith.constant 0 : i32
    %lt3A_197 = arith.cmpi slt, %rem3A_193, %lt3A_196 : i32
    %lt3A_198 = arith.constant 0 : i32
    %lt3A_199 = arith.cmpi slt, %select_n3A_192, %lt3A_198 : i32
    %ne3A_200 = arith.xori %lt3A_197, %lt3A_199 : i1
    %and3A_201 = arith.andi %ne3A_200, %ne3A_195 : i1
    %add3A_202 = arith.addi %rem3A_193, %select_n3A_192 : i32
    %select_n3A_203 = arith.select %and3A_201, %add3A_202, %rem3A_193 : i32
    %jit3A_204 = arith.constant 2 : i32
    %eq3A_205 = arith.constant 0 : i32
    %eq3A_206 = arith.cmpi eq, %jit3A_204, %eq3A_205 : i32
    %jit3A_207 = arith.constant 1 : i32
    %select_n3A_208 = arith.select %eq3A_206, %jit3A_207, %jit3A_204 : i32
    %rem3A_209 = arith.remsi %add3A_139, %select_n3A_208 : i32
    %ne3A_210 = arith.constant 0 : i32
    %ne3A_211 = arith.cmpi ne, %rem3A_209, %ne3A_210 : i32
    %lt3A_212 = arith.constant 0 : i32
    %lt3A_213 = arith.cmpi slt, %rem3A_209, %lt3A_212 : i32
    %lt3A_214 = arith.constant 0 : i32
    %lt3A_215 = arith.cmpi slt, %select_n3A_208, %lt3A_214 : i32
    %ne3A_216 = arith.xori %lt3A_213, %lt3A_215 : i1
    %and3A_217 = arith.andi %ne3A_216, %ne3A_211 : i1
    %add3A_218 = arith.addi %rem3A_209, %select_n3A_208 : i32
    %select_n3A_219 = arith.select %and3A_217, %add3A_218, %rem3A_209 : i32
    %mul3A_220 = arith.constant 64 : i32
    %mul3A_221 = arith.muli %select_n3A_219, %mul3A_220 : i32
    %dma_start3A_222 = arith.constant 0 : i32
    %dma_start3A_223 = arith.constant 0 : i32
    %dma_start3A_224 = tpu.memref_slice %arg4[%select_n3A_187, %dma_start3A_222, %select_n3A_203, %dma_start3A_223, %mul3A_221] : memref<50x38x128x8x128xf32, #tpu.memory_space<hbm>> -> memref<1x38x1x8x64xf32, #tpu.memory_space<hbm>>
    %dma_start3A_225 = tpu.memref_squeeze %dma_start3A_224 : memref<1x38x1x8x64xf32, #tpu.memory_space<hbm>> -> memref<38x8x64xf32, #tpu.memory_space<hbm>>
    %dma_start3A_226 = arith.constant 0 : i32
    %dma_start3A_227 = arith.constant 0 : i32
    %dma_start3A_228 = tpu.memref_slice %arg4[%select_n3A_187, %dma_start3A_226, %select_n3A_203, %dma_start3A_227, %mul3A_221] : memref<50x38x128x8x128xf32, #tpu.memory_space<hbm>> -> memref<1x38x1x8x64xf32, #tpu.memory_space<hbm>>
    %dma_start3A_229 = tpu.memref_squeeze %dma_start3A_228 : memref<1x38x1x8x64xf32, #tpu.memory_space<hbm>> -> memref<38x8x64xf32, #tpu.memory_space<hbm>>
    tpu.enqueue_dma source(%arg9 : memref<38x8x64xf32, #tpu.memory_space<vmem>>) target(%dma_start3A_229 : memref<38x8x64xf32, #tpu.memory_space<hbm>>) target_semaphore(%arg13 : memref<!tpu.dma_semaphore, #tpu.memory_space<semaphore_mem>>)
    %dma_start3A_230 = arith.constant 3 : i32
    %dma_start3A_231 = arith.constant 0 : i32
    %dma_start3A_232 = tpu.memref_slice %arg5[%dma_start3A_230, %dma_start3A_231] : memref<400x64xi32, #tpu.memory_space<vmem>> -> memref<1x64xi32, #tpu.memory_space<vmem>>
    %dma_start3A_233 = tpu.memref_squeeze %dma_start3A_232 : memref<1x64xi32, #tpu.memory_space<vmem>> -> memref<64xi32, #tpu.memory_space<vmem>>
    %dma_start3A_234 = arith.constant 0 : i32
    %dma_start3A_235 = arith.constant 0 : i32
    %dma_start3A_236 = tpu.memref_slice %arg2[%dma_start3A_234, %dma_start3A_235] : memref<100000x304xf32, #tpu.memory_space<hbm>> -> memref<100000x304xf32, #tpu.memory_space<hbm>>
    tpu.enqueue_indirect_dma source(%dma_start3A_236 : memref<100000x304xf32, #tpu.memory_space<hbm>>) target(%arg7 : memref<64x304xf32, #tpu.memory_space<vmem>>) offsets(%dma_start3A_233 : memref<64xi32, #tpu.memory_space<vmem>>) semaphore(%arg11 : memref<!tpu.dma_semaphore, #tpu.memory_space<semaphore_mem>>)
    %scan3A = arith.constant 0 : i32
    %scan3A_237 = arith.constant 1 : i32
    %scan3A_238 = arith.constant 198 : i32
    %scan3A_239 = arith.addi %scan3A_237, %scan3A_238 : i32
    %scan3A_240 = arith.constant 1 : i32
    scf.for %scan3A_824 = %scan3A_237 to %scan3A_239 step %scan3A_240  : i32 {
      %mul3A_825 = arith.constant 2 : i32
      %mul3A_826 = arith.muli %mul3A_825, %scan3A_824 : i32
      %add3A_827 = arith.constant 0 : i32
      %add3A_828 = arith.addi %mul3A_826, %add3A_827 : i32
      %dma_wait3A_829 = arith.constant 0 : i32
      %dma_wait3A_830 = arith.constant 0 : i32
      %dma_wait3A_831 = tpu.memref_slice %arg2[%dma_wait3A_829, %dma_wait3A_830] : memref<100000x304xf32, #tpu.memory_space<hbm>> -> memref<64x304xf32, #tpu.memory_space<hbm>>
      %dma_wait3A_832 = arith.constant 0 : i32
      %dma_wait3A_833 = arith.constant 0 : i32
      %dma_wait3A_834 = tpu.memref_slice %arg2[%dma_wait3A_832, %dma_wait3A_833] : memref<100000x304xf32, #tpu.memory_space<hbm>> -> memref<64x304xf32, #tpu.memory_space<hbm>>
      tpu.wait_dma2 semaphore(%arg10 : memref<!tpu.dma_semaphore, #tpu.memory_space<semaphore_mem>>) src(%dma_wait3A_834 : memref<64x304xf32, #tpu.memory_space<hbm>>) dst(%arg6 : memref<64x304xf32, #tpu.memory_space<vmem>>)
      %sub3A_835 = arith.constant 2 : i32
      %sub3A_836 = arith.subi %add3A_828, %sub3A_835 : i32
      %mul3A_837 = arith.constant 400 : i32
      %mul3A_838 = arith.muli %add3A, %mul3A_837 : i32
      %add3A_839 = arith.addi %mul3A_838, %sub3A_836 : i32
      %jit3A_840 = arith.constant 2 : i32
      %div3A_841 = arith.divsi %add3A_839, %jit3A_840 : i32
      %sign3A_842 = arith.constant 0 : i32
      %sign3A_843 = arith.cmpi sgt, %add3A_839, %sign3A_842 : i32
      %sign3A_844 = arith.extui %sign3A_843 : i1 to i32
      %sign3A_845 = arith.constant 0 : i32
      %sign3A_846 = arith.cmpi slt, %add3A_839, %sign3A_845 : i32
      %sign3A_847 = arith.extui %sign3A_846 : i1 to i32
      %sign3A_848 = arith.subi %sign3A_844, %sign3A_847 : i32
      %sign3A_849 = arith.constant 0 : i32
      %sign3A_850 = arith.cmpi sgt, %jit3A_840, %sign3A_849 : i32
      %sign3A_851 = arith.extui %sign3A_850 : i1 to i32
      %sign3A_852 = arith.constant 0 : i32
      %sign3A_853 = arith.cmpi slt, %jit3A_840, %sign3A_852 : i32
      %sign3A_854 = arith.extui %sign3A_853 : i1 to i32
      %sign3A_855 = arith.subi %sign3A_851, %sign3A_854 : i32
      %ne3A_856 = arith.cmpi ne, %sign3A_848, %sign3A_855 : i32
      %rem3A_857 = arith.remsi %add3A_839, %jit3A_840 : i32
      %ne3A_858 = arith.constant 0 : i32
      %ne3A_859 = arith.cmpi ne, %rem3A_857, %ne3A_858 : i32
      %and3A_860 = arith.andi %ne3A_856, %ne3A_859 : i1
      %sub3A_861 = arith.constant 1 : i32
      %sub3A_862 = arith.subi %div3A_841, %sub3A_861 : i32
      %select_n3A_863 = arith.select %and3A_860, %sub3A_862, %div3A_841 : i32
      %jit3A_864 = arith.constant 128 : i32
      %div3A_865 = arith.divsi %select_n3A_863, %jit3A_864 : i32
      %sign3A_866 = arith.constant 0 : i32
      %sign3A_867 = arith.cmpi sgt, %select_n3A_863, %sign3A_866 : i32
      %sign3A_868 = arith.extui %sign3A_867 : i1 to i32
      %sign3A_869 = arith.constant 0 : i32
      %sign3A_870 = arith.cmpi slt, %select_n3A_863, %sign3A_869 : i32
      %sign3A_871 = arith.extui %sign3A_870 : i1 to i32
      %sign3A_872 = arith.subi %sign3A_868, %sign3A_871 : i32
      %sign3A_873 = arith.constant 0 : i32
      %sign3A_874 = arith.cmpi sgt, %jit3A_864, %sign3A_873 : i32
      %sign3A_875 = arith.extui %sign3A_874 : i1 to i32
      %sign3A_876 = arith.constant 0 : i32
      %sign3A_877 = arith.cmpi slt, %jit3A_864, %sign3A_876 : i32
      %sign3A_878 = arith.extui %sign3A_877 : i1 to i32
      %sign3A_879 = arith.subi %sign3A_875, %sign3A_878 : i32
      %ne3A_880 = arith.cmpi ne, %sign3A_872, %sign3A_879 : i32
      %rem3A_881 = arith.remsi %select_n3A_863, %jit3A_864 : i32
      %ne3A_882 = arith.constant 0 : i32
      %ne3A_883 = arith.cmpi ne, %rem3A_881, %ne3A_882 : i32
      %and3A_884 = arith.andi %ne3A_880, %ne3A_883 : i1
      %sub3A_885 = arith.constant 1 : i32
      %sub3A_886 = arith.subi %div3A_865, %sub3A_885 : i32
      %select_n3A_887 = arith.select %and3A_884, %sub3A_886, %div3A_865 : i32
      %jit3A_888 = arith.constant 128 : i32
      %eq3A_889 = arith.constant 0 : i32
      %eq3A_890 = arith.cmpi eq, %jit3A_888, %eq3A_889 : i32
      %jit3A_891 = arith.constant 1 : i32
      %select_n3A_892 = arith.select %eq3A_890, %jit3A_891, %jit3A_888 : i32
      %rem3A_893 = arith.remsi %select_n3A_863, %select_n3A_892 : i32
      %ne3A_894 = arith.constant 0 : i32
      %ne3A_895 = arith.cmpi ne, %rem3A_893, %ne3A_894 : i32
      %lt3A_896 = arith.constant 0 : i32
      %lt3A_897 = arith.cmpi slt, %rem3A_893, %lt3A_896 : i32
      %lt3A_898 = arith.constant 0 : i32
      %lt3A_899 = arith.cmpi slt, %select_n3A_892, %lt3A_898 : i32
      %ne3A_900 = arith.xori %lt3A_897, %lt3A_899 : i1
      %and3A_901 = arith.andi %ne3A_900, %ne3A_895 : i1
      %add3A_902 = arith.addi %rem3A_893, %select_n3A_892 : i32
      %select_n3A_903 = arith.select %and3A_901, %add3A_902, %rem3A_893 : i32
      %jit3A_904 = arith.constant 2 : i32
      %eq3A_905 = arith.constant 0 : i32
      %eq3A_906 = arith.cmpi eq, %jit3A_904, %eq3A_905 : i32
      %jit3A_907 = arith.constant 1 : i32
      %select_n3A_908 = arith.select %eq3A_906, %jit3A_907, %jit3A_904 : i32
      %rem3A_909 = arith.remsi %add3A_839, %select_n3A_908 : i32
      %ne3A_910 = arith.constant 0 : i32
      %ne3A_911 = arith.cmpi ne, %rem3A_909, %ne3A_910 : i32
      %lt3A_912 = arith.constant 0 : i32
      %lt3A_913 = arith.cmpi slt, %rem3A_909, %lt3A_912 : i32
      %lt3A_914 = arith.constant 0 : i32
      %lt3A_915 = arith.cmpi slt, %select_n3A_908, %lt3A_914 : i32
      %ne3A_916 = arith.xori %lt3A_913, %lt3A_915 : i1
      %and3A_917 = arith.andi %ne3A_916, %ne3A_911 : i1
      %add3A_918 = arith.addi %rem3A_909, %select_n3A_908 : i32
      %select_n3A_919 = arith.select %and3A_917, %add3A_918, %rem3A_909 : i32
      %mul3A_920 = arith.constant 64 : i32
      %mul3A_921 = arith.muli %select_n3A_919, %mul3A_920 : i32
      %dma_wait3A_922 = arith.constant 0 : i32
      %dma_wait3A_923 = arith.constant 0 : i32
      %dma_wait3A_924 = tpu.memref_slice %arg4[%select_n3A_887, %dma_wait3A_922, %select_n3A_903, %dma_wait3A_923, %mul3A_921] : memref<50x38x128x8x128xf32, #tpu.memory_space<hbm>> -> memref<1x38x1x8x64xf32, #tpu.memory_space<hbm>>
      %dma_wait3A_925 = tpu.memref_squeeze %dma_wait3A_924 : memref<1x38x1x8x64xf32, #tpu.memory_space<hbm>> -> memref<38x8x64xf32, #tpu.memory_space<hbm>>
      %dma_wait3A_926 = arith.constant 0 : i32
      %dma_wait3A_927 = arith.constant 0 : i32
      %dma_wait3A_928 = tpu.memref_slice %arg4[%select_n3A_887, %dma_wait3A_926, %select_n3A_903, %dma_wait3A_927, %mul3A_921] : memref<50x38x128x8x128xf32, #tpu.memory_space<hbm>> -> memref<1x38x1x8x64xf32, #tpu.memory_space<hbm>>
      %dma_wait3A_929 = tpu.memref_squeeze %dma_wait3A_928 : memref<1x38x1x8x64xf32, #tpu.memory_space<hbm>> -> memref<38x8x64xf32, #tpu.memory_space<hbm>>
      tpu.wait_dma2 semaphore(%arg12 : memref<!tpu.dma_semaphore, #tpu.memory_space<semaphore_mem>>) src(%arg8 : memref<38x8x64xf32, #tpu.memory_space<vmem>>) dst(%dma_wait3A_929 : memref<38x8x64xf32, #tpu.memory_space<hbm>>)
      %parallel_loop3A_930 = arith.constant 0 : i32
      %parallel_loop3A_931 = arith.constant 304 : i32
      %parallel_loop3A_932 = arith.constant 1 : i32
      scf.for %parallel_loop3A_1243 = %parallel_loop3A_930 to %parallel_loop3A_931 step %parallel_loop3A_932  : i32 {
        %parallel_loop3A_1244 = arith.constant 0 : i32
        %parallel_loop3A_1245 = vector.broadcast %parallel_loop3A_1244 : i32 to vector<16xi32>
        %parallel_loop3A_1246 = vector.broadcast %parallel_loop3A_1243 : i32 to vector<16xi32>
        %parallel_loop3A_1247 = arith.addi %parallel_loop3A_1245, %parallel_loop3A_1246 : vector<16xi32>
        %parallel_loop3A_1248 = arith.constant 8 : i32
        %parallel_loop3A_1249 = arith.divsi %parallel_loop3A_1243, %parallel_loop3A_1248 : i32
        %parallel_loop3A_1250 = arith.constant 0 : i32
        %parallel_loop3A_1251 = arith.cmpi sgt, %parallel_loop3A_1243, %parallel_loop3A_1250 : i32
        %parallel_loop3A_1252 = arith.extui %parallel_loop3A_1251 : i1 to i32
        %parallel_loop3A_1253 = arith.constant 0 : i32
        %parallel_loop3A_1254 = arith.cmpi slt, %parallel_loop3A_1243, %parallel_loop3A_1253 : i32
        %parallel_loop3A_1255 = arith.extui %parallel_loop3A_1254 : i1 to i32
        %parallel_loop3A_1256 = arith.subi %parallel_loop3A_1252, %parallel_loop3A_1255 : i32
        %parallel_loop3A_1257 = arith.constant 0 : i32
        %parallel_loop3A_1258 = arith.cmpi sgt, %parallel_loop3A_1248, %parallel_loop3A_1257 : i32
        %parallel_loop3A_1259 = arith.extui %parallel_loop3A_1258 : i1 to i32
        %parallel_loop3A_1260 = arith.constant 0 : i32
        %parallel_loop3A_1261 = arith.cmpi slt, %parallel_loop3A_1248, %parallel_loop3A_1260 : i32
        %parallel_loop3A_1262 = arith.extui %parallel_loop3A_1261 : i1 to i32
        %parallel_loop3A_1263 = arith.subi %parallel_loop3A_1259, %parallel_loop3A_1262 : i32
        %parallel_loop3A_1264 = arith.cmpi ne, %parallel_loop3A_1256, %parallel_loop3A_1263 : i32
        %parallel_loop3A_1265 = arith.remsi %parallel_loop3A_1243, %parallel_loop3A_1248 : i32
        %parallel_loop3A_1266 = arith.constant 0 : i32
        %parallel_loop3A_1267 = arith.cmpi ne, %parallel_loop3A_1265, %parallel_loop3A_1266 : i32
        %parallel_loop3A_1268 = arith.andi %parallel_loop3A_1264, %parallel_loop3A_1267 : i1
        %parallel_loop3A_1269 = arith.constant 1 : i32
        %parallel_loop3A_1270 = arith.subi %parallel_loop3A_1249, %parallel_loop3A_1269 : i32
        %parallel_loop3A_1271 = arith.select %parallel_loop3A_1268, %parallel_loop3A_1270, %parallel_loop3A_1249 : i32
        %parallel_loop3A_1272 = arith.constant 8 : i32
        %parallel_loop3A_1273 = arith.constant 0 : i32
        %parallel_loop3A_1274 = arith.cmpi eq, %parallel_loop3A_1272, %parallel_loop3A_1273 : i32
        %parallel_loop3A_1275 = arith.constant 1 : i32
        %parallel_loop3A_1276 = arith.select %parallel_loop3A_1274, %parallel_loop3A_1275, %parallel_loop3A_1272 : i32
        %parallel_loop3A_1277 = arith.remsi %parallel_loop3A_1243, %parallel_loop3A_1276 : i32
        %parallel_loop3A_1278 = arith.constant 0 : i32
        %parallel_loop3A_1279 = arith.cmpi ne, %parallel_loop3A_1277, %parallel_loop3A_1278 : i32
        %parallel_loop3A_1280 = arith.constant 0 : i32
        %parallel_loop3A_1281 = arith.cmpi slt, %parallel_loop3A_1277, %parallel_loop3A_1280 : i32
        %parallel_loop3A_1282 = arith.constant 0 : i32
        %parallel_loop3A_1283 = arith.cmpi slt, %parallel_loop3A_1276, %parallel_loop3A_1282 : i32
        %parallel_loop3A_1284 = arith.xori %parallel_loop3A_1281, %parallel_loop3A_1283 : i1
        %parallel_loop3A_1285 = arith.andi %parallel_loop3A_1284, %parallel_loop3A_1279 : i1
        %parallel_loop3A_1286 = arith.addi %parallel_loop3A_1277, %parallel_loop3A_1276 : i32
        %parallel_loop3A_1287 = arith.select %parallel_loop3A_1285, %parallel_loop3A_1286, %parallel_loop3A_1277 : i32
        %parallel_loop3A_1288 = tpu.vector_load_idx %arg6[%add3A_3, %parallel_loop3A_1247] : memref<64x304xf32, #tpu.memory_space<vmem>>[vector<16xi32>, vector<16xi32>], vector<16xf32>,
        %parallel_loop3A_1289 = arith.index_cast %parallel_loop3A_1271 : i32 to index
        %parallel_loop3A_1290 = arith.index_cast %parallel_loop3A_1287 : i32 to index
        %parallel_loop3A_1291 = arith.constant 0 : index
        %parallel_loop3A_1292 = tpu.vector_load %arg8[%parallel_loop3A_1289, %parallel_loop3A_1290, %parallel_loop3A_1291] {strides = array<i32>} : memref<38x8x64xf32, #tpu.memory_space<vmem>>, vector<16xf32>,
        tpu.vector_store %arg8[%parallel_loop3A_1289, %parallel_loop3A_1290, %parallel_loop3A_1291], %parallel_loop3A_1288 {strides = array<i32>} : memref<38x8x64xf32, #tpu.memory_space<vmem>>, vector<16xf32>,
        %parallel_loop3A_1293 = tpu.vector_load_idx %arg6[%add3A_7, %parallel_loop3A_1247] : memref<64x304xf32, #tpu.memory_space<vmem>>[vector<16xi32>, vector<16xi32>], vector<16xf32>,
        %parallel_loop3A_1294 = arith.index_cast %parallel_loop3A_1271 : i32 to index
        %parallel_loop3A_1295 = arith.index_cast %parallel_loop3A_1287 : i32 to index
        %parallel_loop3A_1296 = arith.constant 16 : index
        %parallel_loop3A_1297 = tpu.vector_load %arg8[%parallel_loop3A_1294, %parallel_loop3A_1295, %parallel_loop3A_1296] {strides = array<i32>} : memref<38x8x64xf32, #tpu.memory_space<vmem>>, vector<16xf32>,
        tpu.vector_store %arg8[%parallel_loop3A_1294, %parallel_loop3A_1295, %parallel_loop3A_1296], %parallel_loop3A_1293 {strides = array<i32>} : memref<38x8x64xf32, #tpu.memory_space<vmem>>, vector<16xf32>,
        %parallel_loop3A_1298 = tpu.vector_load_idx %arg6[%add3A_11, %parallel_loop3A_1247] : memref<64x304xf32, #tpu.memory_space<vmem>>[vector<16xi32>, vector<16xi32>], vector<16xf32>,
        %parallel_loop3A_1299 = arith.index_cast %parallel_loop3A_1271 : i32 to index
        %parallel_loop3A_1300 = arith.index_cast %parallel_loop3A_1287 : i32 to index
        %parallel_loop3A_1301 = arith.constant 32 : index
        %parallel_loop3A_1302 = tpu.vector_load %arg8[%parallel_loop3A_1299, %parallel_loop3A_1300, %parallel_loop3A_1301] {strides = array<i32>} : memref<38x8x64xf32, #tpu.memory_space<vmem>>, vector<16xf32>,
        tpu.vector_store %arg8[%parallel_loop3A_1299, %parallel_loop3A_1300, %parallel_loop3A_1301], %parallel_loop3A_1298 {strides = array<i32>} : memref<38x8x64xf32, #tpu.memory_space<vmem>>, vector<16xf32>,
        %parallel_loop3A_1303 = tpu.vector_load_idx %arg6[%add3A_15, %parallel_loop3A_1247] : memref<64x304xf32, #tpu.memory_space<vmem>>[vector<16xi32>, vector<16xi32>], vector<16xf32>,
        %parallel_loop3A_1304 = arith.index_cast %parallel_loop3A_1271 : i32 to index
        %parallel_loop3A_1305 = arith.index_cast %parallel_loop3A_1287 : i32 to index
        %parallel_loop3A_1306 = arith.constant 48 : index
        %parallel_loop3A_1307 = tpu.vector_load %arg8[%parallel_loop3A_1304, %parallel_loop3A_1305, %parallel_loop3A_1306] {strides = array<i32>} : memref<38x8x64xf32, #tpu.memory_space<vmem>>, vector<16xf32>,
        tpu.vector_store %arg8[%parallel_loop3A_1304, %parallel_loop3A_1305, %parallel_loop3A_1306], %parallel_loop3A_1303 {strides = array<i32>} : memref<38x8x64xf32, #tpu.memory_space<vmem>>, vector<16xf32>,
      } {sc.loop_unroll_factor = 4 : i64, sc.parallel_access}
      %mul3A_933 = arith.constant 400 : i32
      %mul3A_934 = arith.muli %add3A, %mul3A_933 : i32
      %add3A_935 = arith.addi %mul3A_934, %add3A_828 : i32
      %jit3A_936 = arith.constant 2 : i32
      %div3A_937 = arith.divsi %add3A_935, %jit3A_936 : i32
      %sign3A_938 = arith.constant 0 : i32
      %sign3A_939 = arith.cmpi sgt, %add3A_935, %sign3A_938 : i32
      %sign3A_940 = arith.extui %sign3A_939 : i1 to i32
      %sign3A_941 = arith.constant 0 : i32
      %sign3A_942 = arith.cmpi slt, %add3A_935, %sign3A_941 : i32
      %sign3A_943 = arith.extui %sign3A_942 : i1 to i32
      %sign3A_944 = arith.subi %sign3A_940, %sign3A_943 : i32
      %sign3A_945 = arith.constant 0 : i32
      %sign3A_946 = arith.cmpi sgt, %jit3A_936, %sign3A_945 : i32
      %sign3A_947 = arith.extui %sign3A_946 : i1 to i32
      %sign3A_948 = arith.constant 0 : i32
      %sign3A_949 = arith.cmpi slt, %jit3A_936, %sign3A_948 : i32
      %sign3A_950 = arith.extui %sign3A_949 : i1 to i32
      %sign3A_951 = arith.subi %sign3A_947, %sign3A_950 : i32
      %ne3A_952 = arith.cmpi ne, %sign3A_944, %sign3A_951 : i32
      %rem3A_953 = arith.remsi %add3A_935, %jit3A_936 : i32
      %ne3A_954 = arith.constant 0 : i32
      %ne3A_955 = arith.cmpi ne, %rem3A_953, %ne3A_954 : i32
      %and3A_956 = arith.andi %ne3A_952, %ne3A_955 : i1
      %sub3A_957 = arith.constant 1 : i32
      %sub3A_958 = arith.subi %div3A_937, %sub3A_957 : i32
      %select_n3A_959 = arith.select %and3A_956, %sub3A_958, %div3A_937 : i32
      %jit3A_960 = arith.constant 128 : i32
      %div3A_961 = arith.divsi %select_n3A_959, %jit3A_960 : i32
      %sign3A_962 = arith.constant 0 : i32
      %sign3A_963 = arith.cmpi sgt, %select_n3A_959, %sign3A_962 : i32
      %sign3A_964 = arith.extui %sign3A_963 : i1 to i32
      %sign3A_965 = arith.constant 0 : i32
      %sign3A_966 = arith.cmpi slt, %select_n3A_959, %sign3A_965 : i32
      %sign3A_967 = arith.extui %sign3A_966 : i1 to i32
      %sign3A_968 = arith.subi %sign3A_964, %sign3A_967 : i32
      %sign3A_969 = arith.constant 0 : i32
      %sign3A_970 = arith.cmpi sgt, %jit3A_960, %sign3A_969 : i32
      %sign3A_971 = arith.extui %sign3A_970 : i1 to i32
      %sign3A_972 = arith.constant 0 : i32
      %sign3A_973 = arith.cmpi slt, %jit3A_960, %sign3A_972 : i32
      %sign3A_974 = arith.extui %sign3A_973 : i1 to i32
      %sign3A_975 = arith.subi %sign3A_971, %sign3A_974 : i32
      %ne3A_976 = arith.cmpi ne, %sign3A_968, %sign3A_975 : i32
      %rem3A_977 = arith.remsi %select_n3A_959, %jit3A_960 : i32
      %ne3A_978 = arith.constant 0 : i32
      %ne3A_979 = arith.cmpi ne, %rem3A_977, %ne3A_978 : i32
      %and3A_980 = arith.andi %ne3A_976, %ne3A_979 : i1
      %sub3A_981 = arith.constant 1 : i32
      %sub3A_982 = arith.subi %div3A_961, %sub3A_981 : i32
      %select_n3A_983 = arith.select %and3A_980, %sub3A_982, %div3A_961 : i32
      %jit3A_984 = arith.constant 128 : i32
      %eq3A_985 = arith.constant 0 : i32
      %eq3A_986 = arith.cmpi eq, %jit3A_984, %eq3A_985 : i32
      %jit3A_987 = arith.constant 1 : i32
      %select_n3A_988 = arith.select %eq3A_986, %jit3A_987, %jit3A_984 : i32
      %rem3A_989 = arith.remsi %select_n3A_959, %select_n3A_988 : i32
      %ne3A_990 = arith.constant 0 : i32
      %ne3A_991 = arith.cmpi ne, %rem3A_989, %ne3A_990 : i32
      %lt3A_992 = arith.constant 0 : i32
      %lt3A_993 = arith.cmpi slt, %rem3A_989, %lt3A_992 : i32
      %lt3A_994 = arith.constant 0 : i32
      %lt3A_995 = arith.cmpi slt, %select_n3A_988, %lt3A_994 : i32
      %ne3A_996 = arith.xori %lt3A_993, %lt3A_995 : i1
      %and3A_997 = arith.andi %ne3A_996, %ne3A_991 : i1
      %add3A_998 = arith.addi %rem3A_989, %select_n3A_988 : i32
      %select_n3A_999 = arith.select %and3A_997, %add3A_998, %rem3A_989 : i32
      %jit3A_1000 = arith.constant 2 : i32
      %eq3A_1001 = arith.constant 0 : i32
      %eq3A_1002 = arith.cmpi eq, %jit3A_1000, %eq3A_1001 : i32
      %jit3A_1003 = arith.constant 1 : i32
      %select_n3A_1004 = arith.select %eq3A_1002, %jit3A_1003, %jit3A_1000 : i32
      %rem3A_1005 = arith.remsi %add3A_935, %select_n3A_1004 : i32
      %ne3A_1006 = arith.constant 0 : i32
      %ne3A_1007 = arith.cmpi ne, %rem3A_1005, %ne3A_1006 : i32
      %lt3A_1008 = arith.constant 0 : i32
      %lt3A_1009 = arith.cmpi slt, %rem3A_1005, %lt3A_1008 : i32
      %lt3A_1010 = arith.constant 0 : i32
      %lt3A_1011 = arith.cmpi slt, %select_n3A_1004, %lt3A_1010 : i32
      %ne3A_1012 = arith.xori %lt3A_1009, %lt3A_1011 : i1
      %and3A_1013 = arith.andi %ne3A_1012, %ne3A_1007 : i1
      %add3A_1014 = arith.addi %rem3A_1005, %select_n3A_1004 : i32
      %select_n3A_1015 = arith.select %and3A_1013, %add3A_1014, %rem3A_1005 : i32
      %mul3A_1016 = arith.constant 64 : i32
      %mul3A_1017 = arith.muli %select_n3A_1015, %mul3A_1016 : i32
      %dma_start3A_1018 = arith.constant 0 : i32
      %dma_start3A_1019 = arith.constant 0 : i32
      %dma_start3A_1020 = tpu.memref_slice %arg4[%select_n3A_983, %dma_start3A_1018, %select_n3A_999, %dma_start3A_1019, %mul3A_1017] : memref<50x38x128x8x128xf32, #tpu.memory_space<hbm>> -> memref<1x38x1x8x64xf32, #tpu.memory_space<hbm>>
      %dma_start3A_1021 = tpu.memref_squeeze %dma_start3A_1020 : memref<1x38x1x8x64xf32, #tpu.memory_space<hbm>> -> memref<38x8x64xf32, #tpu.memory_space<hbm>>
      %dma_start3A_1022 = arith.constant 0 : i32
      %dma_start3A_1023 = arith.constant 0 : i32
      %dma_start3A_1024 = tpu.memref_slice %arg4[%select_n3A_983, %dma_start3A_1022, %select_n3A_999, %dma_start3A_1023, %mul3A_1017] : memref<50x38x128x8x128xf32, #tpu.memory_space<hbm>> -> memref<1x38x1x8x64xf32, #tpu.memory_space<hbm>>
      %dma_start3A_1025 = tpu.memref_squeeze %dma_start3A_1024 : memref<1x38x1x8x64xf32, #tpu.memory_space<hbm>> -> memref<38x8x64xf32, #tpu.memory_space<hbm>>
      tpu.enqueue_dma source(%arg8 : memref<38x8x64xf32, #tpu.memory_space<vmem>>) target(%dma_start3A_1025 : memref<38x8x64xf32, #tpu.memory_space<hbm>>) target_semaphore(%arg12 : memref<!tpu.dma_semaphore, #tpu.memory_space<semaphore_mem>>)
      %add3A_1026 = arith.constant 2 : i32
      %add3A_1027 = arith.addi %add3A_828, %add3A_1026 : i32
      %dma_start3A_1028 = arith.constant 0 : i32
      %dma_start3A_1029 = tpu.memref_slice %arg5[%add3A_1027, %dma_start3A_1028] : memref<400x64xi32, #tpu.memory_space<vmem>> -> memref<1x64xi32, #tpu.memory_space<vmem>>
      %dma_start3A_1030 = tpu.memref_squeeze %dma_start3A_1029 : memref<1x64xi32, #tpu.memory_space<vmem>> -> memref<64xi32, #tpu.memory_space<vmem>>
      %dma_start3A_1031 = arith.constant 0 : i32
      %dma_start3A_1032 = arith.constant 0 : i32
      %dma_start3A_1033 = tpu.memref_slice %arg2[%dma_start3A_1031, %dma_start3A_1032] : memref<100000x304xf32, #tpu.memory_space<hbm>> -> memref<100000x304xf32, #tpu.memory_space<hbm>>
      tpu.enqueue_indirect_dma source(%dma_start3A_1033 : memref<100000x304xf32, #tpu.memory_space<hbm>>) target(%arg6 : memref<64x304xf32, #tpu.memory_space<vmem>>) offsets(%dma_start3A_1030 : memref<64xi32, #tpu.memory_space<vmem>>) semaphore(%arg10 : memref<!tpu.dma_semaphore, #tpu.memory_space<semaphore_mem>>)
      %mul3A_1034 = arith.constant 2 : i32
      %mul3A_1035 = arith.muli %mul3A_1034, %scan3A_824 : i32
      %add3A_1036 = arith.constant 1 : i32
      %add3A_1037 = arith.addi %mul3A_1035, %add3A_1036 : i32
      %dma_wait3A_1038 = arith.constant 0 : i32
      %dma_wait3A_1039 = arith.constant 0 : i32
      %dma_wait3A_1040 = tpu.memref_slice %arg2[%dma_wait3A_1038, %dma_wait3A_1039] : memref<100000x304xf32, #tpu.memory_space<hbm>> -> memref<64x304xf32, #tpu.memory_space<hbm>>
      %dma_wait3A_1041 = arith.constant 0 : i32
      %dma_wait3A_1042 = arith.constant 0 : i32
      %dma_wait3A_1043 = tpu.memref_slice %arg2[%dma_wait3A_1041, %dma_wait3A_1042] : memref<100000x304xf32, #tpu.memory_space<hbm>> -> memref<64x304xf32, #tpu.memory_space<hbm>>
      tpu.wait_dma2 semaphore(%arg11 : memref<!tpu.dma_semaphore, #tpu.memory_space<semaphore_mem>>) src(%dma_wait3A_1043 : memref<64x304xf32, #tpu.memory_space<hbm>>) dst(%arg7 : memref<64x304xf32, #tpu.memory_space<vmem>>)
      %sub3A_1044 = arith.constant 2 : i32
      %sub3A_1045 = arith.subi %add3A_1037, %sub3A_1044 : i32
      %mul3A_1046 = arith.constant 400 : i32
      %mul3A_1047 = arith.muli %add3A, %mul3A_1046 : i32
      %add3A_1048 = arith.addi %mul3A_1047, %sub3A_1045 : i32
      %jit3A_1049 = arith.constant 2 : i32
      %div3A_1050 = arith.divsi %add3A_1048, %jit3A_1049 : i32
      %sign3A_1051 = arith.constant 0 : i32
      %sign3A_1052 = arith.cmpi sgt, %add3A_1048, %sign3A_1051 : i32
      %sign3A_1053 = arith.extui %sign3A_1052 : i1 to i32
      %sign3A_1054 = arith.constant 0 : i32
      %sign3A_1055 = arith.cmpi slt, %add3A_1048, %sign3A_1054 : i32
      %sign3A_1056 = arith.extui %sign3A_1055 : i1 to i32
      %sign3A_1057 = arith.subi %sign3A_1053, %sign3A_1056 : i32
      %sign3A_1058 = arith.constant 0 : i32
      %sign3A_1059 = arith.cmpi sgt, %jit3A_1049, %sign3A_1058 : i32
      %sign3A_1060 = arith.extui %sign3A_1059 : i1 to i32
      %sign3A_1061 = arith.constant 0 : i32
      %sign3A_1062 = arith.cmpi slt, %jit3A_1049, %sign3A_1061 : i32
      %sign3A_1063 = arith.extui %sign3A_1062 : i1 to i32
      %sign3A_1064 = arith.subi %sign3A_1060, %sign3A_1063 : i32
      %ne3A_1065 = arith.cmpi ne, %sign3A_1057, %sign3A_1064 : i32
      %rem3A_1066 = arith.remsi %add3A_1048, %jit3A_1049 : i32
      %ne3A_1067 = arith.constant 0 : i32
      %ne3A_1068 = arith.cmpi ne, %rem3A_1066, %ne3A_1067 : i32
      %and3A_1069 = arith.andi %ne3A_1065, %ne3A_1068 : i1
      %sub3A_1070 = arith.constant 1 : i32
      %sub3A_1071 = arith.subi %div3A_1050, %sub3A_1070 : i32
      %select_n3A_1072 = arith.select %and3A_1069, %sub3A_1071, %div3A_1050 : i32
      %jit3A_1073 = arith.constant 128 : i32
      %div3A_1074 = arith.divsi %select_n3A_1072, %jit3A_1073 : i32
      %sign3A_1075 = arith.constant 0 : i32
      %sign3A_1076 = arith.cmpi sgt, %select_n3A_1072, %sign3A_1075 : i32
      %sign3A_1077 = arith.extui %sign3A_1076 : i1 to i32
      %sign3A_1078 = arith.constant 0 : i32
      %sign3A_1079 = arith.cmpi slt, %select_n3A_1072, %sign3A_1078 : i32
      %sign3A_1080 = arith.extui %sign3A_1079 : i1 to i32
      %sign3A_1081 = arith.subi %sign3A_1077, %sign3A_1080 : i32
      %sign3A_1082 = arith.constant 0 : i32
      %sign3A_1083 = arith.cmpi sgt, %jit3A_1073, %sign3A_1082 : i32
      %sign3A_1084 = arith.extui %sign3A_1083 : i1 to i32
      %sign3A_1085 = arith.constant 0 : i32
      %sign3A_1086 = arith.cmpi slt, %jit3A_1073, %sign3A_1085 : i32
      %sign3A_1087 = arith.extui %sign3A_1086 : i1 to i32
      %sign3A_1088 = arith.subi %sign3A_1084, %sign3A_1087 : i32
      %ne3A_1089 = arith.cmpi ne, %sign3A_1081, %sign3A_1088 : i32
      %rem3A_1090 = arith.remsi %select_n3A_1072, %jit3A_1073 : i32
      %ne3A_1091 = arith.constant 0 : i32
      %ne3A_1092 = arith.cmpi ne, %rem3A_1090, %ne3A_1091 : i32
      %and3A_1093 = arith.andi %ne3A_1089, %ne3A_1092 : i1
      %sub3A_1094 = arith.constant 1 : i32
      %sub3A_1095 = arith.subi %div3A_1074, %sub3A_1094 : i32
      %select_n3A_1096 = arith.select %and3A_1093, %sub3A_1095, %div3A_1074 : i32
      %jit3A_1097 = arith.constant 128 : i32
      %eq3A_1098 = arith.constant 0 : i32
      %eq3A_1099 = arith.cmpi eq, %jit3A_1097, %eq3A_1098 : i32
      %jit3A_1100 = arith.constant 1 : i32
      %select_n3A_1101 = arith.select %eq3A_1099, %jit3A_1100, %jit3A_1097 : i32
      %rem3A_1102 = arith.remsi %select_n3A_1072, %select_n3A_1101 : i32
      %ne3A_1103 = arith.constant 0 : i32
      %ne3A_1104 = arith.cmpi ne, %rem3A_1102, %ne3A_1103 : i32
      %lt3A_1105 = arith.constant 0 : i32
      %lt3A_1106 = arith.cmpi slt, %rem3A_1102, %lt3A_1105 : i32
      %lt3A_1107 = arith.constant 0 : i32
      %lt3A_1108 = arith.cmpi slt, %select_n3A_1101, %lt3A_1107 : i32
      %ne3A_1109 = arith.xori %lt3A_1106, %lt3A_1108 : i1
      %and3A_1110 = arith.andi %ne3A_1109, %ne3A_1104 : i1
      %add3A_1111 = arith.addi %rem3A_1102, %select_n3A_1101 : i32
      %select_n3A_1112 = arith.select %and3A_1110, %add3A_1111, %rem3A_1102 : i32
      %jit3A_1113 = arith.constant 2 : i32
      %eq3A_1114 = arith.constant 0 : i32
      %eq3A_1115 = arith.cmpi eq, %jit3A_1113, %eq3A_1114 : i32
      %jit3A_1116 = arith.constant 1 : i32
      %select_n3A_1117 = arith.select %eq3A_1115, %jit3A_1116, %jit3A_1113 : i32
      %rem3A_1118 = arith.remsi %add3A_1048, %select_n3A_1117 : i32
      %ne3A_1119 = arith.constant 0 : i32
      %ne3A_1120 = arith.cmpi ne, %rem3A_1118, %ne3A_1119 : i32
      %lt3A_1121 = arith.constant 0 : i32
      %lt3A_1122 = arith.cmpi slt, %rem3A_1118, %lt3A_1121 : i32
      %lt3A_1123 = arith.constant 0 : i32
      %lt3A_1124 = arith.cmpi slt, %select_n3A_1117, %lt3A_1123 : i32
      %ne3A_1125 = arith.xori %lt3A_1122, %lt3A_1124 : i1
      %and3A_1126 = arith.andi %ne3A_1125, %ne3A_1120 : i1
      %add3A_1127 = arith.addi %rem3A_1118, %select_n3A_1117 : i32
      %select_n3A_1128 = arith.select %and3A_1126, %add3A_1127, %rem3A_1118 : i32
      %mul3A_1129 = arith.constant 64 : i32
      %mul3A_1130 = arith.muli %select_n3A_1128, %mul3A_1129 : i32
      %dma_wait3A_1131 = arith.constant 0 : i32
      %dma_wait3A_1132 = arith.constant 0 : i32
      %dma_wait3A_1133 = tpu.memref_slice %arg4[%select_n3A_1096, %dma_wait3A_1131, %select_n3A_1112, %dma_wait3A_1132, %mul3A_1130] : memref<50x38x128x8x128xf32, #tpu.memory_space<hbm>> -> memref<1x38x1x8x64xf32, #tpu.memory_space<hbm>>
      %dma_wait3A_1134 = tpu.memref_squeeze %dma_wait3A_1133 : memref<1x38x1x8x64xf32, #tpu.memory_space<hbm>> -> memref<38x8x64xf32, #tpu.memory_space<hbm>>
      %dma_wait3A_1135 = arith.constant 0 : i32
      %dma_wait3A_1136 = arith.constant 0 : i32
      %dma_wait3A_1137 = tpu.memref_slice %arg4[%select_n3A_1096, %dma_wait3A_1135, %select_n3A_1112, %dma_wait3A_1136, %mul3A_1130] : memref<50x38x128x8x128xf32, #tpu.memory_space<hbm>> -> memref<1x38x1x8x64xf32, #tpu.memory_space<hbm>>
      %dma_wait3A_1138 = tpu.memref_squeeze %dma_wait3A_1137 : memref<1x38x1x8x64xf32, #tpu.memory_space<hbm>> -> memref<38x8x64xf32, #tpu.memory_space<hbm>>
      tpu.wait_dma2 semaphore(%arg13 : memref<!tpu.dma_semaphore, #tpu.memory_space<semaphore_mem>>) src(%arg9 : memref<38x8x64xf32, #tpu.memory_space<vmem>>) dst(%dma_wait3A_1138 : memref<38x8x64xf32, #tpu.memory_space<hbm>>)
      %parallel_loop3A_1139 = arith.constant 0 : i32
      %parallel_loop3A_1140 = arith.constant 304 : i32
      %parallel_loop3A_1141 = arith.constant 1 : i32
      scf.for %parallel_loop3A_1243 = %parallel_loop3A_1139 to %parallel_loop3A_1140 step %parallel_loop3A_1141  : i32 {
        %parallel_loop3A_1244 = arith.constant 0 : i32
        %parallel_loop3A_1245 = vector.broadcast %parallel_loop3A_1244 : i32 to vector<16xi32>
        %parallel_loop3A_1246 = vector.broadcast %parallel_loop3A_1243 : i32 to vector<16xi32>
        %parallel_loop3A_1247 = arith.addi %parallel_loop3A_1245, %parallel_loop3A_1246 : vector<16xi32>
        %parallel_loop3A_1248 = arith.constant 8 : i32
        %parallel_loop3A_1249 = arith.divsi %parallel_loop3A_1243, %parallel_loop3A_1248 : i32
        %parallel_loop3A_1250 = arith.constant 0 : i32
        %parallel_loop3A_1251 = arith.cmpi sgt, %parallel_loop3A_1243, %parallel_loop3A_1250 : i32
        %parallel_loop3A_1252 = arith.extui %parallel_loop3A_1251 : i1 to i32
        %parallel_loop3A_1253 = arith.constant 0 : i32
        %parallel_loop3A_1254 = arith.cmpi slt, %parallel_loop3A_1243, %parallel_loop3A_1253 : i32
        %parallel_loop3A_1255 = arith.extui %parallel_loop3A_1254 : i1 to i32
        %parallel_loop3A_1256 = arith.subi %parallel_loop3A_1252, %parallel_loop3A_1255 : i32
        %parallel_loop3A_1257 = arith.constant 0 : i32
        %parallel_loop3A_1258 = arith.cmpi sgt, %parallel_loop3A_1248, %parallel_loop3A_1257 : i32
        %parallel_loop3A_1259 = arith.extui %parallel_loop3A_1258 : i1 to i32
        %parallel_loop3A_1260 = arith.constant 0 : i32
        %parallel_loop3A_1261 = arith.cmpi slt, %parallel_loop3A_1248, %parallel_loop3A_1260 : i32
        %parallel_loop3A_1262 = arith.extui %parallel_loop3A_1261 : i1 to i32
        %parallel_loop3A_1263 = arith.subi %parallel_loop3A_1259, %parallel_loop3A_1262 : i32
        %parallel_loop3A_1264 = arith.cmpi ne, %parallel_loop3A_1256, %parallel_loop3A_1263 : i32
        %parallel_loop3A_1265 = arith.remsi %parallel_loop3A_1243, %parallel_loop3A_1248 : i32
        %parallel_loop3A_1266 = arith.constant 0 : i32
        %parallel_loop3A_1267 = arith.cmpi ne, %parallel_loop3A_1265, %parallel_loop3A_1266 : i32
        %parallel_loop3A_1268 = arith.andi %parallel_loop3A_1264, %parallel_loop3A_1267 : i1
        %parallel_loop3A_1269 = arith.constant 1 : i32
        %parallel_loop3A_1270 = arith.subi %parallel_loop3A_1249, %parallel_loop3A_1269 : i32
        %parallel_loop3A_1271 = arith.select %parallel_loop3A_1268, %parallel_loop3A_1270, %parallel_loop3A_1249 : i32
        %parallel_loop3A_1272 = arith.constant 8 : i32
        %parallel_loop3A_1273 = arith.constant 0 : i32
        %parallel_loop3A_1274 = arith.cmpi eq, %parallel_loop3A_1272, %parallel_loop3A_1273 : i32
        %parallel_loop3A_1275 = arith.constant 1 : i32
        %parallel_loop3A_1276 = arith.select %parallel_loop3A_1274, %parallel_loop3A_1275, %parallel_loop3A_1272 : i32
        %parallel_loop3A_1277 = arith.remsi %parallel_loop3A_1243, %parallel_loop3A_1276 : i32
        %parallel_loop3A_1278 = arith.constant 0 : i32
        %parallel_loop3A_1279 = arith.cmpi ne, %parallel_loop3A_1277, %parallel_loop3A_1278 : i32
        %parallel_loop3A_1280 = arith.constant 0 : i32
        %parallel_loop3A_1281 = arith.cmpi slt, %parallel_loop3A_1277, %parallel_loop3A_1280 : i32
        %parallel_loop3A_1282 = arith.constant 0 : i32
        %parallel_loop3A_1283 = arith.cmpi slt, %parallel_loop3A_1276, %parallel_loop3A_1282 : i32
        %parallel_loop3A_1284 = arith.xori %parallel_loop3A_1281, %parallel_loop3A_1283 : i1
        %parallel_loop3A_1285 = arith.andi %parallel_loop3A_1284, %parallel_loop3A_1279 : i1
        %parallel_loop3A_1286 = arith.addi %parallel_loop3A_1277, %parallel_loop3A_1276 : i32
        %parallel_loop3A_1287 = arith.select %parallel_loop3A_1285, %parallel_loop3A_1286, %parallel_loop3A_1277 : i32
        %parallel_loop3A_1288 = tpu.vector_load_idx %arg7[%add3A_3, %parallel_loop3A_1247] : memref<64x304xf32, #tpu.memory_space<vmem>>[vector<16xi32>, vector<16xi32>], vector<16xf32>,
        %parallel_loop3A_1289 = arith.index_cast %parallel_loop3A_1271 : i32 to index
        %parallel_loop3A_1290 = arith.index_cast %parallel_loop3A_1287 : i32 to index
        %parallel_loop3A_1291 = arith.constant 0 : index
        %parallel_loop3A_1292 = tpu.vector_load %arg9[%parallel_loop3A_1289, %parallel_loop3A_1290, %parallel_loop3A_1291] {strides = array<i32>} : memref<38x8x64xf32, #tpu.memory_space<vmem>>, vector<16xf32>,
        tpu.vector_store %arg9[%parallel_loop3A_1289, %parallel_loop3A_1290, %parallel_loop3A_1291], %parallel_loop3A_1288 {strides = array<i32>} : memref<38x8x64xf32, #tpu.memory_space<vmem>>, vector<16xf32>,
        %parallel_loop3A_1293 = tpu.vector_load_idx %arg7[%add3A_7, %parallel_loop3A_1247] : memref<64x304xf32, #tpu.memory_space<vmem>>[vector<16xi32>, vector<16xi32>], vector<16xf32>,
        %parallel_loop3A_1294 = arith.index_cast %parallel_loop3A_1271 : i32 to index
        %parallel_loop3A_1295 = arith.index_cast %parallel_loop3A_1287 : i32 to index
        %parallel_loop3A_1296 = arith.constant 16 : index
        %parallel_loop3A_1297 = tpu.vector_load %arg9[%parallel_loop3A_1294, %parallel_loop3A_1295, %parallel_loop3A_1296] {strides = array<i32>} : memref<38x8x64xf32, #tpu.memory_space<vmem>>, vector<16xf32>,
        tpu.vector_store %arg9[%parallel_loop3A_1294, %parallel_loop3A_1295, %parallel_loop3A_1296], %parallel_loop3A_1293 {strides = array<i32>} : memref<38x8x64xf32, #tpu.memory_space<vmem>>, vector<16xf32>,
        %parallel_loop3A_1298 = tpu.vector_load_idx %arg7[%add3A_11, %parallel_loop3A_1247] : memref<64x304xf32, #tpu.memory_space<vmem>>[vector<16xi32>, vector<16xi32>], vector<16xf32>,
        %parallel_loop3A_1299 = arith.index_cast %parallel_loop3A_1271 : i32 to index
        %parallel_loop3A_1300 = arith.index_cast %parallel_loop3A_1287 : i32 to index
        %parallel_loop3A_1301 = arith.constant 32 : index
        %parallel_loop3A_1302 = tpu.vector_load %arg9[%parallel_loop3A_1299, %parallel_loop3A_1300, %parallel_loop3A_1301] {strides = array<i32>} : memref<38x8x64xf32, #tpu.memory_space<vmem>>, vector<16xf32>,
        tpu.vector_store %arg9[%parallel_loop3A_1299, %parallel_loop3A_1300, %parallel_loop3A_1301], %parallel_loop3A_1298 {strides = array<i32>} : memref<38x8x64xf32, #tpu.memory_space<vmem>>, vector<16xf32>,
        %parallel_loop3A_1303 = tpu.vector_load_idx %arg7[%add3A_15, %parallel_loop3A_1247] : memref<64x304xf32, #tpu.memory_space<vmem>>[vector<16xi32>, vector<16xi32>], vector<16xf32>,
        %parallel_loop3A_1304 = arith.index_cast %parallel_loop3A_1271 : i32 to index
        %parallel_loop3A_1305 = arith.index_cast %parallel_loop3A_1287 : i32 to index
        %parallel_loop3A_1306 = arith.constant 48 : index
        %parallel_loop3A_1307 = tpu.vector_load %arg9[%parallel_loop3A_1304, %parallel_loop3A_1305, %parallel_loop3A_1306] {strides = array<i32>} : memref<38x8x64xf32, #tpu.memory_space<vmem>>, vector<16xf32>,
        tpu.vector_store %arg9[%parallel_loop3A_1304, %parallel_loop3A_1305, %parallel_loop3A_1306], %parallel_loop3A_1303 {strides = array<i32>} : memref<38x8x64xf32, #tpu.memory_space<vmem>>, vector<16xf32>,
      } {sc.loop_unroll_factor = 4 : i64, sc.parallel_access}
      %mul3A_1142 = arith.constant 400 : i32
      %mul3A_1143 = arith.muli %add3A, %mul3A_1142 : i32
      %add3A_1144 = arith.addi %mul3A_1143, %add3A_1037 : i32
      %jit3A_1145 = arith.constant 2 : i32
      %div3A_1146 = arith.divsi %add3A_1144, %jit3A_1145 : i32
      %sign3A_1147 = arith.constant 0 : i32
      %sign3A_1148 = arith.cmpi sgt, %add3A_1144, %sign3A_1147 : i32
      %sign3A_1149 = arith.extui %sign3A_1148 : i1 to i32
      %sign3A_1150 = arith.constant 0 : i32
      %sign3A_1151 = arith.cmpi slt, %add3A_1144, %sign3A_1150 : i32
      %sign3A_1152 = arith.extui %sign3A_1151 : i1 to i32
      %sign3A_1153 = arith.subi %sign3A_1149, %sign3A_1152 : i32
      %sign3A_1154 = arith.constant 0 : i32
      %sign3A_1155 = arith.cmpi sgt, %jit3A_1145, %sign3A_1154 : i32
      %sign3A_1156 = arith.extui %sign3A_1155 : i1 to i32
      %sign3A_1157 = arith.constant 0 : i32
      %sign3A_1158 = arith.cmpi slt, %jit3A_1145, %sign3A_1157 : i32
      %sign3A_1159 = arith.extui %sign3A_1158 : i1 to i32
      %sign3A_1160 = arith.subi %sign3A_1156, %sign3A_1159 : i32
      %ne3A_1161 = arith.cmpi ne, %sign3A_1153, %sign3A_1160 : i32
      %rem3A_1162 = arith.remsi %add3A_1144, %jit3A_1145 : i32
      %ne3A_1163 = arith.constant 0 : i32
      %ne3A_1164 = arith.cmpi ne, %rem3A_1162, %ne3A_1163 : i32
      %and3A_1165 = arith.andi %ne3A_1161, %ne3A_1164 : i1
      %sub3A_1166 = arith.constant 1 : i32
      %sub3A_1167 = arith.subi %div3A_1146, %sub3A_1166 : i32
      %select_n3A_1168 = arith.select %and3A_1165, %sub3A_1167, %div3A_1146 : i32
      %jit3A_1169 = arith.constant 128 : i32
      %div3A_1170 = arith.divsi %select_n3A_1168, %jit3A_1169 : i32
      %sign3A_1171 = arith.constant 0 : i32
      %sign3A_1172 = arith.cmpi sgt, %select_n3A_1168, %sign3A_1171 : i32
      %sign3A_1173 = arith.extui %sign3A_1172 : i1 to i32
      %sign3A_1174 = arith.constant 0 : i32
      %sign3A_1175 = arith.cmpi slt, %select_n3A_1168, %sign3A_1174 : i32
      %sign3A_1176 = arith.extui %sign3A_1175 : i1 to i32
      %sign3A_1177 = arith.subi %sign3A_1173, %sign3A_1176 : i32
      %sign3A_1178 = arith.constant 0 : i32
      %sign3A_1179 = arith.cmpi sgt, %jit3A_1169, %sign3A_1178 : i32
      %sign3A_1180 = arith.extui %sign3A_1179 : i1 to i32
      %sign3A_1181 = arith.constant 0 : i32
      %sign3A_1182 = arith.cmpi slt, %jit3A_1169, %sign3A_1181 : i32
      %sign3A_1183 = arith.extui %sign3A_1182 : i1 to i32
      %sign3A_1184 = arith.subi %sign3A_1180, %sign3A_1183 : i32
      %ne3A_1185 = arith.cmpi ne, %sign3A_1177, %sign3A_1184 : i32
      %rem3A_1186 = arith.remsi %select_n3A_1168, %jit3A_1169 : i32
      %ne3A_1187 = arith.constant 0 : i32
      %ne3A_1188 = arith.cmpi ne, %rem3A_1186, %ne3A_1187 : i32
      %and3A_1189 = arith.andi %ne3A_1185, %ne3A_1188 : i1
      %sub3A_1190 = arith.constant 1 : i32
      %sub3A_1191 = arith.subi %div3A_1170, %sub3A_1190 : i32
      %select_n3A_1192 = arith.select %and3A_1189, %sub3A_1191, %div3A_1170 : i32
      %jit3A_1193 = arith.constant 128 : i32
      %eq3A_1194 = arith.constant 0 : i32
      %eq3A_1195 = arith.cmpi eq, %jit3A_1193, %eq3A_1194 : i32
      %jit3A_1196 = arith.constant 1 : i32
      %select_n3A_1197 = arith.select %eq3A_1195, %jit3A_1196, %jit3A_1193 : i32
      %rem3A_1198 = arith.remsi %select_n3A_1168, %select_n3A_1197 : i32
      %ne3A_1199 = arith.constant 0 : i32
      %ne3A_1200 = arith.cmpi ne, %rem3A_1198, %ne3A_1199 : i32
      %lt3A_1201 = arith.constant 0 : i32
      %lt3A_1202 = arith.cmpi slt, %rem3A_1198, %lt3A_1201 : i32
      %lt3A_1203 = arith.constant 0 : i32
      %lt3A_1204 = arith.cmpi slt, %select_n3A_1197, %lt3A_1203 : i32
      %ne3A_1205 = arith.xori %lt3A_1202, %lt3A_1204 : i1
      %and3A_1206 = arith.andi %ne3A_1205, %ne3A_1200 : i1
      %add3A_1207 = arith.addi %rem3A_1198, %select_n3A_1197 : i32
      %select_n3A_1208 = arith.select %and3A_1206, %add3A_1207, %rem3A_1198 : i32
      %jit3A_1209 = arith.constant 2 : i32
      %eq3A_1210 = arith.constant 0 : i32
      %eq3A_1211 = arith.cmpi eq, %jit3A_1209, %eq3A_1210 : i32
      %jit3A_1212 = arith.constant 1 : i32
      %select_n3A_1213 = arith.select %eq3A_1211, %jit3A_1212, %jit3A_1209 : i32
      %rem3A_1214 = arith.remsi %add3A_1144, %select_n3A_1213 : i32
      %ne3A_1215 = arith.constant 0 : i32
      %ne3A_1216 = arith.cmpi ne, %rem3A_1214, %ne3A_1215 : i32
      %lt3A_1217 = arith.constant 0 : i32
      %lt3A_1218 = arith.cmpi slt, %rem3A_1214, %lt3A_1217 : i32
      %lt3A_1219 = arith.constant 0 : i32
      %lt3A_1220 = arith.cmpi slt, %select_n3A_1213, %lt3A_1219 : i32
      %ne3A_1221 = arith.xori %lt3A_1218, %lt3A_1220 : i1
      %and3A_1222 = arith.andi %ne3A_1221, %ne3A_1216 : i1
      %add3A_1223 = arith.addi %rem3A_1214, %select_n3A_1213 : i32
      %select_n3A_1224 = arith.select %and3A_1222, %add3A_1223, %rem3A_1214 : i32
      %mul3A_1225 = arith.constant 64 : i32
      %mul3A_1226 = arith.muli %select_n3A_1224, %mul3A_1225 : i32
      %dma_start3A_1227 = arith.constant 0 : i32
      %dma_start3A_1228 = arith.constant 0 : i32
      %dma_start3A_1229 = tpu.memref_slice %arg4[%select_n3A_1192, %dma_start3A_1227, %select_n3A_1208, %dma_start3A_1228, %mul3A_1226] : memref<50x38x128x8x128xf32, #tpu.memory_space<hbm>> -> memref<1x38x1x8x64xf32, #tpu.memory_space<hbm>>
      %dma_start3A_1230 = tpu.memref_squeeze %dma_start3A_1229 : memref<1x38x1x8x64xf32, #tpu.memory_space<hbm>> -> memref<38x8x64xf32, #tpu.memory_space<hbm>>
      %dma_start3A_1231 = arith.constant 0 : i32
      %dma_start3A_1232 = arith.constant 0 : i32
      %dma_start3A_1233 = tpu.memref_slice %arg4[%select_n3A_1192, %dma_start3A_1231, %select_n3A_1208, %dma_start3A_1232, %mul3A_1226] : memref<50x38x128x8x128xf32, #tpu.memory_space<hbm>> -> memref<1x38x1x8x64xf32, #tpu.memory_space<hbm>>
      %dma_start3A_1234 = tpu.memref_squeeze %dma_start3A_1233 : memref<1x38x1x8x64xf32, #tpu.memory_space<hbm>> -> memref<38x8x64xf32, #tpu.memory_space<hbm>>
      tpu.enqueue_dma source(%arg9 : memref<38x8x64xf32, #tpu.memory_space<vmem>>) target(%dma_start3A_1234 : memref<38x8x64xf32, #tpu.memory_space<hbm>>) target_semaphore(%arg13 : memref<!tpu.dma_semaphore, #tpu.memory_space<semaphore_mem>>)
      %add3A_1235 = arith.constant 2 : i32
      %add3A_1236 = arith.addi %add3A_1037, %add3A_1235 : i32
      %dma_start3A_1237 = arith.constant 0 : i32
      %dma_start3A_1238 = tpu.memref_slice %arg5[%add3A_1236, %dma_start3A_1237] : memref<400x64xi32, #tpu.memory_space<vmem>> -> memref<1x64xi32, #tpu.memory_space<vmem>>
      %dma_start3A_1239 = tpu.memref_squeeze %dma_start3A_1238 : memref<1x64xi32, #tpu.memory_space<vmem>> -> memref<64xi32, #tpu.memory_space<vmem>>
      %dma_start3A_1240 = arith.constant 0 : i32
      %dma_start3A_1241 = arith.constant 0 : i32
      %dma_start3A_1242 = tpu.memref_slice %arg2[%dma_start3A_1240, %dma_start3A_1241] : memref<100000x304xf32, #tpu.memory_space<hbm>> -> memref<100000x304xf32, #tpu.memory_space<hbm>>
      tpu.enqueue_indirect_dma source(%dma_start3A_1242 : memref<100000x304xf32, #tpu.memory_space<hbm>>) target(%arg7 : memref<64x304xf32, #tpu.memory_space<vmem>>) offsets(%dma_start3A_1239 : memref<64xi32, #tpu.memory_space<vmem>>) semaphore(%arg11 : memref<!tpu.dma_semaphore, #tpu.memory_space<semaphore_mem>>)
    }
    %scan3A_241 = arith.constant 198 : i32
    %dma_wait3A_242 = arith.constant 0 : i32
    %dma_wait3A_243 = arith.constant 0 : i32
    %dma_wait3A_244 = tpu.memref_slice %arg2[%dma_wait3A_242, %dma_wait3A_243] : memref<100000x304xf32, #tpu.memory_space<hbm>> -> memref<64x304xf32, #tpu.memory_space<hbm>>
    %dma_wait3A_245 = arith.constant 0 : i32
    %dma_wait3A_246 = arith.constant 0 : i32
    %dma_wait3A_247 = tpu.memref_slice %arg2[%dma_wait3A_245, %dma_wait3A_246] : memref<100000x304xf32, #tpu.memory_space<hbm>> -> memref<64x304xf32, #tpu.memory_space<hbm>>
    tpu.wait_dma2 semaphore(%arg10 : memref<!tpu.dma_semaphore, #tpu.memory_space<semaphore_mem>>) src(%dma_wait3A_247 : memref<64x304xf32, #tpu.memory_space<hbm>>) dst(%arg6 : memref<64x304xf32, #tpu.memory_space<vmem>>)
    %mul3A_248 = arith.constant 400 : i32
    %mul3A_249 = arith.muli %add3A, %mul3A_248 : i32
    %add3A_250 = arith.constant 396 : i32
    %add3A_251 = arith.addi %mul3A_249, %add3A_250 : i32
    %jit3A_252 = arith.constant 2 : i32
    %div3A_253 = arith.divsi %add3A_251, %jit3A_252 : i32
    %sign3A_254 = arith.constant 0 : i32
    %sign3A_255 = arith.cmpi sgt, %add3A_251, %sign3A_254 : i32
    %sign3A_256 = arith.extui %sign3A_255 : i1 to i32
    %sign3A_257 = arith.constant 0 : i32
    %sign3A_258 = arith.cmpi slt, %add3A_251, %sign3A_257 : i32
    %sign3A_259 = arith.extui %sign3A_258 : i1 to i32
    %sign3A_260 = arith.subi %sign3A_256, %sign3A_259 : i32
    %sign3A_261 = arith.constant 0 : i32
    %sign3A_262 = arith.cmpi sgt, %jit3A_252, %sign3A_261 : i32
    %sign3A_263 = arith.extui %sign3A_262 : i1 to i32
    %sign3A_264 = arith.constant 0 : i32
    %sign3A_265 = arith.cmpi slt, %jit3A_252, %sign3A_264 : i32
    %sign3A_266 = arith.extui %sign3A_265 : i1 to i32
    %sign3A_267 = arith.subi %sign3A_263, %sign3A_266 : i32
    %ne3A_268 = arith.cmpi ne, %sign3A_260, %sign3A_267 : i32
    %rem3A_269 = arith.remsi %add3A_251, %jit3A_252 : i32
    %ne3A_270 = arith.constant 0 : i32
    %ne3A_271 = arith.cmpi ne, %rem3A_269, %ne3A_270 : i32
    %and3A_272 = arith.andi %ne3A_268, %ne3A_271 : i1
    %sub3A_273 = arith.constant 1 : i32
    %sub3A_274 = arith.subi %div3A_253, %sub3A_273 : i32
    %select_n3A_275 = arith.select %and3A_272, %sub3A_274, %div3A_253 : i32
    %jit3A_276 = arith.constant 128 : i32
    %div3A_277 = arith.divsi %select_n3A_275, %jit3A_276 : i32
    %sign3A_278 = arith.constant 0 : i32
    %sign3A_279 = arith.cmpi sgt, %select_n3A_275, %sign3A_278 : i32
    %sign3A_280 = arith.extui %sign3A_279 : i1 to i32
    %sign3A_281 = arith.constant 0 : i32
    %sign3A_282 = arith.cmpi slt, %select_n3A_275, %sign3A_281 : i32
    %sign3A_283 = arith.extui %sign3A_282 : i1 to i32
    %sign3A_284 = arith.subi %sign3A_280, %sign3A_283 : i32
    %sign3A_285 = arith.constant 0 : i32
    %sign3A_286 = arith.cmpi sgt, %jit3A_276, %sign3A_285 : i32
    %sign3A_287 = arith.extui %sign3A_286 : i1 to i32
    %sign3A_288 = arith.constant 0 : i32
    %sign3A_289 = arith.cmpi slt, %jit3A_276, %sign3A_288 : i32
    %sign3A_290 = arith.extui %sign3A_289 : i1 to i32
    %sign3A_291 = arith.subi %sign3A_287, %sign3A_290 : i32
    %ne3A_292 = arith.cmpi ne, %sign3A_284, %sign3A_291 : i32
    %rem3A_293 = arith.remsi %select_n3A_275, %jit3A_276 : i32
    %ne3A_294 = arith.constant 0 : i32
    %ne3A_295 = arith.cmpi ne, %rem3A_293, %ne3A_294 : i32
    %and3A_296 = arith.andi %ne3A_292, %ne3A_295 : i1
    %sub3A_297 = arith.constant 1 : i32
    %sub3A_298 = arith.subi %div3A_277, %sub3A_297 : i32
    %select_n3A_299 = arith.select %and3A_296, %sub3A_298, %div3A_277 : i32
    %jit3A_300 = arith.constant 128 : i32
    %eq3A_301 = arith.constant 0 : i32
    %eq3A_302 = arith.cmpi eq, %jit3A_300, %eq3A_301 : i32
    %jit3A_303 = arith.constant 1 : i32
    %select_n3A_304 = arith.select %eq3A_302, %jit3A_303, %jit3A_300 : i32
    %rem3A_305 = arith.remsi %select_n3A_275, %select_n3A_304 : i32
    %ne3A_306 = arith.constant 0 : i32
    %ne3A_307 = arith.cmpi ne, %rem3A_305, %ne3A_306 : i32
    %lt3A_308 = arith.constant 0 : i32
    %lt3A_309 = arith.cmpi slt, %rem3A_305, %lt3A_308 : i32
    %lt3A_310 = arith.constant 0 : i32
    %lt3A_311 = arith.cmpi slt, %select_n3A_304, %lt3A_310 : i32
    %ne3A_312 = arith.xori %lt3A_309, %lt3A_311 : i1
    %and3A_313 = arith.andi %ne3A_312, %ne3A_307 : i1
    %add3A_314 = arith.addi %rem3A_305, %select_n3A_304 : i32
    %select_n3A_315 = arith.select %and3A_313, %add3A_314, %rem3A_305 : i32
    %jit3A_316 = arith.constant 2 : i32
    %eq3A_317 = arith.constant 0 : i32
    %eq3A_318 = arith.cmpi eq, %jit3A_316, %eq3A_317 : i32
    %jit3A_319 = arith.constant 1 : i32
    %select_n3A_320 = arith.select %eq3A_318, %jit3A_319, %jit3A_316 : i32
    %rem3A_321 = arith.remsi %add3A_251, %select_n3A_320 : i32
    %ne3A_322 = arith.constant 0 : i32
    %ne3A_323 = arith.cmpi ne, %rem3A_321, %ne3A_322 : i32
    %lt3A_324 = arith.constant 0 : i32
    %lt3A_325 = arith.cmpi slt, %rem3A_321, %lt3A_324 : i32
    %lt3A_326 = arith.constant 0 : i32
    %lt3A_327 = arith.cmpi slt, %select_n3A_320, %lt3A_326 : i32
    %ne3A_328 = arith.xori %lt3A_325, %lt3A_327 : i1
    %and3A_329 = arith.andi %ne3A_328, %ne3A_323 : i1
    %add3A_330 = arith.addi %rem3A_321, %select_n3A_320 : i32
    %select_n3A_331 = arith.select %and3A_329, %add3A_330, %rem3A_321 : i32
    %mul3A_332 = arith.constant 64 : i32
    %mul3A_333 = arith.muli %select_n3A_331, %mul3A_332 : i32
    %dma_wait3A_334 = arith.constant 0 : i32
    %dma_wait3A_335 = arith.constant 0 : i32
    %dma_wait3A_336 = tpu.memref_slice %arg4[%select_n3A_299, %dma_wait3A_334, %select_n3A_315, %dma_wait3A_335, %mul3A_333] : memref<50x38x128x8x128xf32, #tpu.memory_space<hbm>> -> memref<1x38x1x8x64xf32, #tpu.memory_space<hbm>>
    %dma_wait3A_337 = tpu.memref_squeeze %dma_wait3A_336 : memref<1x38x1x8x64xf32, #tpu.memory_space<hbm>> -> memref<38x8x64xf32, #tpu.memory_space<hbm>>
    %dma_wait3A_338 = arith.constant 0 : i32
    %dma_wait3A_339 = arith.constant 0 : i32
    %dma_wait3A_340 = tpu.memref_slice %arg4[%select_n3A_299, %dma_wait3A_338, %select_n3A_315, %dma_wait3A_339, %mul3A_333] : memref<50x38x128x8x128xf32, #tpu.memory_space<hbm>> -> memref<1x38x1x8x64xf32, #tpu.memory_space<hbm>>
    %dma_wait3A_341 = tpu.memref_squeeze %dma_wait3A_340 : memref<1x38x1x8x64xf32, #tpu.memory_space<hbm>> -> memref<38x8x64xf32, #tpu.memory_space<hbm>>
    tpu.wait_dma2 semaphore(%arg12 : memref<!tpu.dma_semaphore, #tpu.memory_space<semaphore_mem>>) src(%arg8 : memref<38x8x64xf32, #tpu.memory_space<vmem>>) dst(%dma_wait3A_341 : memref<38x8x64xf32, #tpu.memory_space<hbm>>)
    %parallel_loop3A_342 = arith.constant 0 : i32
    %parallel_loop3A_343 = arith.constant 304 : i32
    %parallel_loop3A_344 = arith.constant 1 : i32
    scf.for %parallel_loop3A_824 = %parallel_loop3A_342 to %parallel_loop3A_343 step %parallel_loop3A_344  : i32 {
      %parallel_loop3A_825 = arith.constant 0 : i32
      %parallel_loop3A_826 = vector.broadcast %parallel_loop3A_825 : i32 to vector<16xi32>
      %parallel_loop3A_827 = vector.broadcast %parallel_loop3A_824 : i32 to vector<16xi32>
      %parallel_loop3A_828 = arith.addi %parallel_loop3A_826, %parallel_loop3A_827 : vector<16xi32>
      %parallel_loop3A_829 = arith.constant 8 : i32
      %parallel_loop3A_830 = arith.divsi %parallel_loop3A_824, %parallel_loop3A_829 : i32
      %parallel_loop3A_831 = arith.constant 0 : i32
      %parallel_loop3A_832 = arith.cmpi sgt, %parallel_loop3A_824, %parallel_loop3A_831 : i32
      %parallel_loop3A_833 = arith.extui %parallel_loop3A_832 : i1 to i32
      %parallel_loop3A_834 = arith.constant 0 : i32
      %parallel_loop3A_835 = arith.cmpi slt, %parallel_loop3A_824, %parallel_loop3A_834 : i32
      %parallel_loop3A_836 = arith.extui %parallel_loop3A_835 : i1 to i32
      %parallel_loop3A_837 = arith.subi %parallel_loop3A_833, %parallel_loop3A_836 : i32
      %parallel_loop3A_838 = arith.constant 0 : i32
      %parallel_loop3A_839 = arith.cmpi sgt, %parallel_loop3A_829, %parallel_loop3A_838 : i32
      %parallel_loop3A_840 = arith.extui %parallel_loop3A_839 : i1 to i32
      %parallel_loop3A_841 = arith.constant 0 : i32
      %parallel_loop3A_842 = arith.cmpi slt, %parallel_loop3A_829, %parallel_loop3A_841 : i32
      %parallel_loop3A_843 = arith.extui %parallel_loop3A_842 : i1 to i32
      %parallel_loop3A_844 = arith.subi %parallel_loop3A_840, %parallel_loop3A_843 : i32
      %parallel_loop3A_845 = arith.cmpi ne, %parallel_loop3A_837, %parallel_loop3A_844 : i32
      %parallel_loop3A_846 = arith.remsi %parallel_loop3A_824, %parallel_loop3A_829 : i32
      %parallel_loop3A_847 = arith.constant 0 : i32
      %parallel_loop3A_848 = arith.cmpi ne, %parallel_loop3A_846, %parallel_loop3A_847 : i32
      %parallel_loop3A_849 = arith.andi %parallel_loop3A_845, %parallel_loop3A_848 : i1
      %parallel_loop3A_850 = arith.constant 1 : i32
      %parallel_loop3A_851 = arith.subi %parallel_loop3A_830, %parallel_loop3A_850 : i32
      %parallel_loop3A_852 = arith.select %parallel_loop3A_849, %parallel_loop3A_851, %parallel_loop3A_830 : i32
      %parallel_loop3A_853 = arith.constant 8 : i32
      %parallel_loop3A_854 = arith.constant 0 : i32
      %parallel_loop3A_855 = arith.cmpi eq, %parallel_loop3A_853, %parallel_loop3A_854 : i32
      %parallel_loop3A_856 = arith.constant 1 : i32
      %parallel_loop3A_857 = arith.select %parallel_loop3A_855, %parallel_loop3A_856, %parallel_loop3A_853 : i32
      %parallel_loop3A_858 = arith.remsi %parallel_loop3A_824, %parallel_loop3A_857 : i32
      %parallel_loop3A_859 = arith.constant 0 : i32
      %parallel_loop3A_860 = arith.cmpi ne, %parallel_loop3A_858, %parallel_loop3A_859 : i32
      %parallel_loop3A_861 = arith.constant 0 : i32
      %parallel_loop3A_862 = arith.cmpi slt, %parallel_loop3A_858, %parallel_loop3A_861 : i32
      %parallel_loop3A_863 = arith.constant 0 : i32
      %parallel_loop3A_864 = arith.cmpi slt, %parallel_loop3A_857, %parallel_loop3A_863 : i32
      %parallel_loop3A_865 = arith.xori %parallel_loop3A_862, %parallel_loop3A_864 : i1
      %parallel_loop3A_866 = arith.andi %parallel_loop3A_865, %parallel_loop3A_860 : i1
      %parallel_loop3A_867 = arith.addi %parallel_loop3A_858, %parallel_loop3A_857 : i32
      %parallel_loop3A_868 = arith.select %parallel_loop3A_866, %parallel_loop3A_867, %parallel_loop3A_858 : i32
      %parallel_loop3A_869 = tpu.vector_load_idx %arg6[%add3A_3, %parallel_loop3A_828] : memref<64x304xf32, #tpu.memory_space<vmem>>[vector<16xi32>, vector<16xi32>], vector<16xf32>,
      %parallel_loop3A_870 = arith.index_cast %parallel_loop3A_852 : i32 to index
      %parallel_loop3A_871 = arith.index_cast %parallel_loop3A_868 : i32 to index
      %parallel_loop3A_872 = arith.constant 0 : index
      %parallel_loop3A_873 = tpu.vector_load %arg8[%parallel_loop3A_870, %parallel_loop3A_871, %parallel_loop3A_872] {strides = array<i32>} : memref<38x8x64xf32, #tpu.memory_space<vmem>>, vector<16xf32>,
      tpu.vector_store %arg8[%parallel_loop3A_870, %parallel_loop3A_871, %parallel_loop3A_872], %parallel_loop3A_869 {strides = array<i32>} : memref<38x8x64xf32, #tpu.memory_space<vmem>>, vector<16xf32>,
      %parallel_loop3A_874 = tpu.vector_load_idx %arg6[%add3A_7, %parallel_loop3A_828] : memref<64x304xf32, #tpu.memory_space<vmem>>[vector<16xi32>, vector<16xi32>], vector<16xf32>,
      %parallel_loop3A_875 = arith.index_cast %parallel_loop3A_852 : i32 to index
      %parallel_loop3A_876 = arith.index_cast %parallel_loop3A_868 : i32 to index
      %parallel_loop3A_877 = arith.constant 16 : index
      %parallel_loop3A_878 = tpu.vector_load %arg8[%parallel_loop3A_875, %parallel_loop3A_876, %parallel_loop3A_877] {strides = array<i32>} : memref<38x8x64xf32, #tpu.memory_space<vmem>>, vector<16xf32>,
      tpu.vector_store %arg8[%parallel_loop3A_875, %parallel_loop3A_876, %parallel_loop3A_877], %parallel_loop3A_874 {strides = array<i32>} : memref<38x8x64xf32, #tpu.memory_space<vmem>>, vector<16xf32>,
      %parallel_loop3A_879 = tpu.vector_load_idx %arg6[%add3A_11, %parallel_loop3A_828] : memref<64x304xf32, #tpu.memory_space<vmem>>[vector<16xi32>, vector<16xi32>], vector<16xf32>,
      %parallel_loop3A_880 = arith.index_cast %parallel_loop3A_852 : i32 to index
      %parallel_loop3A_881 = arith.index_cast %parallel_loop3A_868 : i32 to index
      %parallel_loop3A_882 = arith.constant 32 : index
      %parallel_loop3A_883 = tpu.vector_load %arg8[%parallel_loop3A_880, %parallel_loop3A_881, %parallel_loop3A_882] {strides = array<i32>} : memref<38x8x64xf32, #tpu.memory_space<vmem>>, vector<16xf32>,
      tpu.vector_store %arg8[%parallel_loop3A_880, %parallel_loop3A_881, %parallel_loop3A_882], %parallel_loop3A_879 {strides = array<i32>} : memref<38x8x64xf32, #tpu.memory_space<vmem>>, vector<16xf32>,
      %parallel_loop3A_884 = tpu.vector_load_idx %arg6[%add3A_15, %parallel_loop3A_828] : memref<64x304xf32, #tpu.memory_space<vmem>>[vector<16xi32>, vector<16xi32>], vector<16xf32>,
      %parallel_loop3A_885 = arith.index_cast %parallel_loop3A_852 : i32 to index
      %parallel_loop3A_886 = arith.index_cast %parallel_loop3A_868 : i32 to index
      %parallel_loop3A_887 = arith.constant 48 : index
      %parallel_loop3A_888 = tpu.vector_load %arg8[%parallel_loop3A_885, %parallel_loop3A_886, %parallel_loop3A_887] {strides = array<i32>} : memref<38x8x64xf32, #tpu.memory_space<vmem>>, vector<16xf32>,
      tpu.vector_store %arg8[%parallel_loop3A_885, %parallel_loop3A_886, %parallel_loop3A_887], %parallel_loop3A_884 {strides = array<i32>} : memref<38x8x64xf32, #tpu.memory_space<vmem>>, vector<16xf32>,
    } {sc.loop_unroll_factor = 4 : i64, sc.parallel_access}
    %mul3A_345 = arith.constant 400 : i32
    %mul3A_346 = arith.muli %add3A, %mul3A_345 : i32
    %add3A_347 = arith.constant 398 : i32
    %add3A_348 = arith.addi %mul3A_346, %add3A_347 : i32
    %jit3A_349 = arith.constant 2 : i32
    %div3A_350 = arith.divsi %add3A_348, %jit3A_349 : i32
    %sign3A_351 = arith.constant 0 : i32
    %sign3A_352 = arith.cmpi sgt, %add3A_348, %sign3A_351 : i32
    %sign3A_353 = arith.extui %sign3A_352 : i1 to i32
    %sign3A_354 = arith.constant 0 : i32
    %sign3A_355 = arith.cmpi slt, %add3A_348, %sign3A_354 : i32
    %sign3A_356 = arith.extui %sign3A_355 : i1 to i32
    %sign3A_357 = arith.subi %sign3A_353, %sign3A_356 : i32
    %sign3A_358 = arith.constant 0 : i32
    %sign3A_359 = arith.cmpi sgt, %jit3A_349, %sign3A_358 : i32
    %sign3A_360 = arith.extui %sign3A_359 : i1 to i32
    %sign3A_361 = arith.constant 0 : i32
    %sign3A_362 = arith.cmpi slt, %jit3A_349, %sign3A_361 : i32
    %sign3A_363 = arith.extui %sign3A_362 : i1 to i32
    %sign3A_364 = arith.subi %sign3A_360, %sign3A_363 : i32
    %ne3A_365 = arith.cmpi ne, %sign3A_357, %sign3A_364 : i32
    %rem3A_366 = arith.remsi %add3A_348, %jit3A_349 : i32
    %ne3A_367 = arith.constant 0 : i32
    %ne3A_368 = arith.cmpi ne, %rem3A_366, %ne3A_367 : i32
    %and3A_369 = arith.andi %ne3A_365, %ne3A_368 : i1
    %sub3A_370 = arith.constant 1 : i32
    %sub3A_371 = arith.subi %div3A_350, %sub3A_370 : i32
    %select_n3A_372 = arith.select %and3A_369, %sub3A_371, %div3A_350 : i32
    %jit3A_373 = arith.constant 128 : i32
    %div3A_374 = arith.divsi %select_n3A_372, %jit3A_373 : i32
    %sign3A_375 = arith.constant 0 : i32
    %sign3A_376 = arith.cmpi sgt, %select_n3A_372, %sign3A_375 : i32
    %sign3A_377 = arith.extui %sign3A_376 : i1 to i32
    %sign3A_378 = arith.constant 0 : i32
    %sign3A_379 = arith.cmpi slt, %select_n3A_372, %sign3A_378 : i32
    %sign3A_380 = arith.extui %sign3A_379 : i1 to i32
    %sign3A_381 = arith.subi %sign3A_377, %sign3A_380 : i32
    %sign3A_382 = arith.constant 0 : i32
    %sign3A_383 = arith.cmpi sgt, %jit3A_373, %sign3A_382 : i32
    %sign3A_384 = arith.extui %sign3A_383 : i1 to i32
    %sign3A_385 = arith.constant 0 : i32
    %sign3A_386 = arith.cmpi slt, %jit3A_373, %sign3A_385 : i32
    %sign3A_387 = arith.extui %sign3A_386 : i1 to i32
    %sign3A_388 = arith.subi %sign3A_384, %sign3A_387 : i32
    %ne3A_389 = arith.cmpi ne, %sign3A_381, %sign3A_388 : i32
    %rem3A_390 = arith.remsi %select_n3A_372, %jit3A_373 : i32
    %ne3A_391 = arith.constant 0 : i32
    %ne3A_392 = arith.cmpi ne, %rem3A_390, %ne3A_391 : i32
    %and3A_393 = arith.andi %ne3A_389, %ne3A_392 : i1
    %sub3A_394 = arith.constant 1 : i32
    %sub3A_395 = arith.subi %div3A_374, %sub3A_394 : i32
    %select_n3A_396 = arith.select %and3A_393, %sub3A_395, %div3A_374 : i32
    %jit3A_397 = arith.constant 128 : i32
    %eq3A_398 = arith.constant 0 : i32
    %eq3A_399 = arith.cmpi eq, %jit3A_397, %eq3A_398 : i32
    %jit3A_400 = arith.constant 1 : i32
    %select_n3A_401 = arith.select %eq3A_399, %jit3A_400, %jit3A_397 : i32
    %rem3A_402 = arith.remsi %select_n3A_372, %select_n3A_401 : i32
    %ne3A_403 = arith.constant 0 : i32
    %ne3A_404 = arith.cmpi ne, %rem3A_402, %ne3A_403 : i32
    %lt3A_405 = arith.constant 0 : i32
    %lt3A_406 = arith.cmpi slt, %rem3A_402, %lt3A_405 : i32
    %lt3A_407 = arith.constant 0 : i32
    %lt3A_408 = arith.cmpi slt, %select_n3A_401, %lt3A_407 : i32
    %ne3A_409 = arith.xori %lt3A_406, %lt3A_408 : i1
    %and3A_410 = arith.andi %ne3A_409, %ne3A_404 : i1
    %add3A_411 = arith.addi %rem3A_402, %select_n3A_401 : i32
    %select_n3A_412 = arith.select %and3A_410, %add3A_411, %rem3A_402 : i32
    %jit3A_413 = arith.constant 2 : i32
    %eq3A_414 = arith.constant 0 : i32
    %eq3A_415 = arith.cmpi eq, %jit3A_413, %eq3A_414 : i32
    %jit3A_416 = arith.constant 1 : i32
    %select_n3A_417 = arith.select %eq3A_415, %jit3A_416, %jit3A_413 : i32
    %rem3A_418 = arith.remsi %add3A_348, %select_n3A_417 : i32
    %ne3A_419 = arith.constant 0 : i32
    %ne3A_420 = arith.cmpi ne, %rem3A_418, %ne3A_419 : i32
    %lt3A_421 = arith.constant 0 : i32
    %lt3A_422 = arith.cmpi slt, %rem3A_418, %lt3A_421 : i32
    %lt3A_423 = arith.constant 0 : i32
    %lt3A_424 = arith.cmpi slt, %select_n3A_417, %lt3A_423 : i32
    %ne3A_425 = arith.xori %lt3A_422, %lt3A_424 : i1
    %and3A_426 = arith.andi %ne3A_425, %ne3A_420 : i1
    %add3A_427 = arith.addi %rem3A_418, %select_n3A_417 : i32
    %select_n3A_428 = arith.select %and3A_426, %add3A_427, %rem3A_418 : i32
    %mul3A_429 = arith.constant 64 : i32
    %mul3A_430 = arith.muli %select_n3A_428, %mul3A_429 : i32
    %dma_start3A_431 = arith.constant 0 : i32
    %dma_start3A_432 = arith.constant 0 : i32
    %dma_start3A_433 = tpu.memref_slice %arg4[%select_n3A_396, %dma_start3A_431, %select_n3A_412, %dma_start3A_432, %mul3A_430] : memref<50x38x128x8x128xf32, #tpu.memory_space<hbm>> -> memref<1x38x1x8x64xf32, #tpu.memory_space<hbm>>
    %dma_start3A_434 = tpu.memref_squeeze %dma_start3A_433 : memref<1x38x1x8x64xf32, #tpu.memory_space<hbm>> -> memref<38x8x64xf32, #tpu.memory_space<hbm>>
    %dma_start3A_435 = arith.constant 0 : i32
    %dma_start3A_436 = arith.constant 0 : i32
    %dma_start3A_437 = tpu.memref_slice %arg4[%select_n3A_396, %dma_start3A_435, %select_n3A_412, %dma_start3A_436, %mul3A_430] : memref<50x38x128x8x128xf32, #tpu.memory_space<hbm>> -> memref<1x38x1x8x64xf32, #tpu.memory_space<hbm>>
    %dma_start3A_438 = tpu.memref_squeeze %dma_start3A_437 : memref<1x38x1x8x64xf32, #tpu.memory_space<hbm>> -> memref<38x8x64xf32, #tpu.memory_space<hbm>>
    tpu.enqueue_dma source(%arg8 : memref<38x8x64xf32, #tpu.memory_space<vmem>>) target(%dma_start3A_438 : memref<38x8x64xf32, #tpu.memory_space<hbm>>) target_semaphore(%arg12 : memref<!tpu.dma_semaphore, #tpu.memory_space<semaphore_mem>>)
    %mul3A_439 = arith.constant 400 : i32
    %mul3A_440 = arith.muli %add3A, %mul3A_439 : i32
    %add3A_441 = arith.constant 398 : i32
    %add3A_442 = arith.addi %mul3A_440, %add3A_441 : i32
    %jit3A_443 = arith.constant 2 : i32
    %div3A_444 = arith.divsi %add3A_442, %jit3A_443 : i32
    %sign3A_445 = arith.constant 0 : i32
    %sign3A_446 = arith.cmpi sgt, %add3A_442, %sign3A_445 : i32
    %sign3A_447 = arith.extui %sign3A_446 : i1 to i32
    %sign3A_448 = arith.constant 0 : i32
    %sign3A_449 = arith.cmpi slt, %add3A_442, %sign3A_448 : i32
    %sign3A_450 = arith.extui %sign3A_449 : i1 to i32
    %sign3A_451 = arith.subi %sign3A_447, %sign3A_450 : i32
    %sign3A_452 = arith.constant 0 : i32
    %sign3A_453 = arith.cmpi sgt, %jit3A_443, %sign3A_452 : i32
    %sign3A_454 = arith.extui %sign3A_453 : i1 to i32
    %sign3A_455 = arith.constant 0 : i32
    %sign3A_456 = arith.cmpi slt, %jit3A_443, %sign3A_455 : i32
    %sign3A_457 = arith.extui %sign3A_456 : i1 to i32
    %sign3A_458 = arith.subi %sign3A_454, %sign3A_457 : i32
    %ne3A_459 = arith.cmpi ne, %sign3A_451, %sign3A_458 : i32
    %rem3A_460 = arith.remsi %add3A_442, %jit3A_443 : i32
    %ne3A_461 = arith.constant 0 : i32
    %ne3A_462 = arith.cmpi ne, %rem3A_460, %ne3A_461 : i32
    %and3A_463 = arith.andi %ne3A_459, %ne3A_462 : i1
    %sub3A_464 = arith.constant 1 : i32
    %sub3A_465 = arith.subi %div3A_444, %sub3A_464 : i32
    %select_n3A_466 = arith.select %and3A_463, %sub3A_465, %div3A_444 : i32
    %jit3A_467 = arith.constant 128 : i32
    %div3A_468 = arith.divsi %select_n3A_466, %jit3A_467 : i32
    %sign3A_469 = arith.constant 0 : i32
    %sign3A_470 = arith.cmpi sgt, %select_n3A_466, %sign3A_469 : i32
    %sign3A_471 = arith.extui %sign3A_470 : i1 to i32
    %sign3A_472 = arith.constant 0 : i32
    %sign3A_473 = arith.cmpi slt, %select_n3A_466, %sign3A_472 : i32
    %sign3A_474 = arith.extui %sign3A_473 : i1 to i32
    %sign3A_475 = arith.subi %sign3A_471, %sign3A_474 : i32
    %sign3A_476 = arith.constant 0 : i32
    %sign3A_477 = arith.cmpi sgt, %jit3A_467, %sign3A_476 : i32
    %sign3A_478 = arith.extui %sign3A_477 : i1 to i32
    %sign3A_479 = arith.constant 0 : i32
    %sign3A_480 = arith.cmpi slt, %jit3A_467, %sign3A_479 : i32
    %sign3A_481 = arith.extui %sign3A_480 : i1 to i32
    %sign3A_482 = arith.subi %sign3A_478, %sign3A_481 : i32
    %ne3A_483 = arith.cmpi ne, %sign3A_475, %sign3A_482 : i32
    %rem3A_484 = arith.remsi %select_n3A_466, %jit3A_467 : i32
    %ne3A_485 = arith.constant 0 : i32
    %ne3A_486 = arith.cmpi ne, %rem3A_484, %ne3A_485 : i32
    %and3A_487 = arith.andi %ne3A_483, %ne3A_486 : i1
    %sub3A_488 = arith.constant 1 : i32
    %sub3A_489 = arith.subi %div3A_468, %sub3A_488 : i32
    %select_n3A_490 = arith.select %and3A_487, %sub3A_489, %div3A_468 : i32
    %jit3A_491 = arith.constant 128 : i32
    %eq3A_492 = arith.constant 0 : i32
    %eq3A_493 = arith.cmpi eq, %jit3A_491, %eq3A_492 : i32
    %jit3A_494 = arith.constant 1 : i32
    %select_n3A_495 = arith.select %eq3A_493, %jit3A_494, %jit3A_491 : i32
    %rem3A_496 = arith.remsi %select_n3A_466, %select_n3A_495 : i32
    %ne3A_497 = arith.constant 0 : i32
    %ne3A_498 = arith.cmpi ne, %rem3A_496, %ne3A_497 : i32
    %lt3A_499 = arith.constant 0 : i32
    %lt3A_500 = arith.cmpi slt, %rem3A_496, %lt3A_499 : i32
    %lt3A_501 = arith.constant 0 : i32
    %lt3A_502 = arith.cmpi slt, %select_n3A_495, %lt3A_501 : i32
    %ne3A_503 = arith.xori %lt3A_500, %lt3A_502 : i1
    %and3A_504 = arith.andi %ne3A_503, %ne3A_498 : i1
    %add3A_505 = arith.addi %rem3A_496, %select_n3A_495 : i32
    %select_n3A_506 = arith.select %and3A_504, %add3A_505, %rem3A_496 : i32
    %jit3A_507 = arith.constant 2 : i32
    %eq3A_508 = arith.constant 0 : i32
    %eq3A_509 = arith.cmpi eq, %jit3A_507, %eq3A_508 : i32
    %jit3A_510 = arith.constant 1 : i32
    %select_n3A_511 = arith.select %eq3A_509, %jit3A_510, %jit3A_507 : i32
    %rem3A_512 = arith.remsi %add3A_442, %select_n3A_511 : i32
    %ne3A_513 = arith.constant 0 : i32
    %ne3A_514 = arith.cmpi ne, %rem3A_512, %ne3A_513 : i32
    %lt3A_515 = arith.constant 0 : i32
    %lt3A_516 = arith.cmpi slt, %rem3A_512, %lt3A_515 : i32
    %lt3A_517 = arith.constant 0 : i32
    %lt3A_518 = arith.cmpi slt, %select_n3A_511, %lt3A_517 : i32
    %ne3A_519 = arith.xori %lt3A_516, %lt3A_518 : i1
    %and3A_520 = arith.andi %ne3A_519, %ne3A_514 : i1
    %add3A_521 = arith.addi %rem3A_512, %select_n3A_511 : i32
    %select_n3A_522 = arith.select %and3A_520, %add3A_521, %rem3A_512 : i32
    %mul3A_523 = arith.constant 64 : i32
    %mul3A_524 = arith.muli %select_n3A_522, %mul3A_523 : i32
    %dma_wait3A_525 = arith.constant 0 : i32
    %dma_wait3A_526 = arith.constant 0 : i32
    %dma_wait3A_527 = tpu.memref_slice %arg4[%select_n3A_490, %dma_wait3A_525, %select_n3A_506, %dma_wait3A_526, %mul3A_524] : memref<50x38x128x8x128xf32, #tpu.memory_space<hbm>> -> memref<1x38x1x8x64xf32, #tpu.memory_space<hbm>>
    %dma_wait3A_528 = tpu.memref_squeeze %dma_wait3A_527 : memref<1x38x1x8x64xf32, #tpu.memory_space<hbm>> -> memref<38x8x64xf32, #tpu.memory_space<hbm>>
    %dma_wait3A_529 = arith.constant 0 : i32
    %dma_wait3A_530 = arith.constant 0 : i32
    %dma_wait3A_531 = tpu.memref_slice %arg4[%select_n3A_490, %dma_wait3A_529, %select_n3A_506, %dma_wait3A_530, %mul3A_524] : memref<50x38x128x8x128xf32, #tpu.memory_space<hbm>> -> memref<1x38x1x8x64xf32, #tpu.memory_space<hbm>>
    %dma_wait3A_532 = tpu.memref_squeeze %dma_wait3A_531 : memref<1x38x1x8x64xf32, #tpu.memory_space<hbm>> -> memref<38x8x64xf32, #tpu.memory_space<hbm>>
    tpu.wait_dma2 semaphore(%arg12 : memref<!tpu.dma_semaphore, #tpu.memory_space<semaphore_mem>>) src(%arg8 : memref<38x8x64xf32, #tpu.memory_space<vmem>>) dst(%dma_wait3A_532 : memref<38x8x64xf32, #tpu.memory_space<hbm>>)
    %dma_wait3A_533 = arith.constant 0 : i32
    %dma_wait3A_534 = arith.constant 0 : i32
    %dma_wait3A_535 = tpu.memref_slice %arg2[%dma_wait3A_533, %dma_wait3A_534] : memref<100000x304xf32, #tpu.memory_space<hbm>> -> memref<64x304xf32, #tpu.memory_space<hbm>>
    %dma_wait3A_536 = arith.constant 0 : i32
    %dma_wait3A_537 = arith.constant 0 : i32
    %dma_wait3A_538 = tpu.memref_slice %arg2[%dma_wait3A_536, %dma_wait3A_537] : memref<100000x304xf32, #tpu.memory_space<hbm>> -> memref<64x304xf32, #tpu.memory_space<hbm>>
    tpu.wait_dma2 semaphore(%arg11 : memref<!tpu.dma_semaphore, #tpu.memory_space<semaphore_mem>>) src(%dma_wait3A_538 : memref<64x304xf32, #tpu.memory_space<hbm>>) dst(%arg7 : memref<64x304xf32, #tpu.memory_space<vmem>>)
    %mul3A_539 = arith.constant 400 : i32
    %mul3A_540 = arith.muli %add3A, %mul3A_539 : i32
    %add3A_541 = arith.constant 397 : i32
    %add3A_542 = arith.addi %mul3A_540, %add3A_541 : i32
    %jit3A_543 = arith.constant 2 : i32
    %div3A_544 = arith.divsi %add3A_542, %jit3A_543 : i32
    %sign3A_545 = arith.constant 0 : i32
    %sign3A_546 = arith.cmpi sgt, %add3A_542, %sign3A_545 : i32
    %sign3A_547 = arith.extui %sign3A_546 : i1 to i32
    %sign3A_548 = arith.constant 0 : i32
    %sign3A_549 = arith.cmpi slt, %add3A_542, %sign3A_548 : i32
    %sign3A_550 = arith.extui %sign3A_549 : i1 to i32
    %sign3A_551 = arith.subi %sign3A_547, %sign3A_550 : i32
    %sign3A_552 = arith.constant 0 : i32
    %sign3A_553 = arith.cmpi sgt, %jit3A_543, %sign3A_552 : i32
    %sign3A_554 = arith.extui %sign3A_553 : i1 to i32
    %sign3A_555 = arith.constant 0 : i32
    %sign3A_556 = arith.cmpi slt, %jit3A_543, %sign3A_555 : i32
    %sign3A_557 = arith.extui %sign3A_556 : i1 to i32
    %sign3A_558 = arith.subi %sign3A_554, %sign3A_557 : i32
    %ne3A_559 = arith.cmpi ne, %sign3A_551, %sign3A_558 : i32
    %rem3A_560 = arith.remsi %add3A_542, %jit3A_543 : i32
    %ne3A_561 = arith.constant 0 : i32
    %ne3A_562 = arith.cmpi ne, %rem3A_560, %ne3A_561 : i32
    %and3A_563 = arith.andi %ne3A_559, %ne3A_562 : i1
    %sub3A_564 = arith.constant 1 : i32
    %sub3A_565 = arith.subi %div3A_544, %sub3A_564 : i32
    %select_n3A_566 = arith.select %and3A_563, %sub3A_565, %div3A_544 : i32
    %jit3A_567 = arith.constant 128 : i32
    %div3A_568 = arith.divsi %select_n3A_566, %jit3A_567 : i32
    %sign3A_569 = arith.constant 0 : i32
    %sign3A_570 = arith.cmpi sgt, %select_n3A_566, %sign3A_569 : i32
    %sign3A_571 = arith.extui %sign3A_570 : i1 to i32
    %sign3A_572 = arith.constant 0 : i32
    %sign3A_573 = arith.cmpi slt, %select_n3A_566, %sign3A_572 : i32
    %sign3A_574 = arith.extui %sign3A_573 : i1 to i32
    %sign3A_575 = arith.subi %sign3A_571, %sign3A_574 : i32
    %sign3A_576 = arith.constant 0 : i32
    %sign3A_577 = arith.cmpi sgt, %jit3A_567, %sign3A_576 : i32
    %sign3A_578 = arith.extui %sign3A_577 : i1 to i32
    %sign3A_579 = arith.constant 0 : i32
    %sign3A_580 = arith.cmpi slt, %jit3A_567, %sign3A_579 : i32
    %sign3A_581 = arith.extui %sign3A_580 : i1 to i32
    %sign3A_582 = arith.subi %sign3A_578, %sign3A_581 : i32
    %ne3A_583 = arith.cmpi ne, %sign3A_575, %sign3A_582 : i32
    %rem3A_584 = arith.remsi %select_n3A_566, %jit3A_567 : i32
    %ne3A_585 = arith.constant 0 : i32
    %ne3A_586 = arith.cmpi ne, %rem3A_584, %ne3A_585 : i32
    %and3A_587 = arith.andi %ne3A_583, %ne3A_586 : i1
    %sub3A_588 = arith.constant 1 : i32
    %sub3A_589 = arith.subi %div3A_568, %sub3A_588 : i32
    %select_n3A_590 = arith.select %and3A_587, %sub3A_589, %div3A_568 : i32
    %jit3A_591 = arith.constant 128 : i32
    %eq3A_592 = arith.constant 0 : i32
    %eq3A_593 = arith.cmpi eq, %jit3A_591, %eq3A_592 : i32
    %jit3A_594 = arith.constant 1 : i32
    %select_n3A_595 = arith.select %eq3A_593, %jit3A_594, %jit3A_591 : i32
    %rem3A_596 = arith.remsi %select_n3A_566, %select_n3A_595 : i32
    %ne3A_597 = arith.constant 0 : i32
    %ne3A_598 = arith.cmpi ne, %rem3A_596, %ne3A_597 : i32
    %lt3A_599 = arith.constant 0 : i32
    %lt3A_600 = arith.cmpi slt, %rem3A_596, %lt3A_599 : i32
    %lt3A_601 = arith.constant 0 : i32
    %lt3A_602 = arith.cmpi slt, %select_n3A_595, %lt3A_601 : i32
    %ne3A_603 = arith.xori %lt3A_600, %lt3A_602 : i1
    %and3A_604 = arith.andi %ne3A_603, %ne3A_598 : i1
    %add3A_605 = arith.addi %rem3A_596, %select_n3A_595 : i32
    %select_n3A_606 = arith.select %and3A_604, %add3A_605, %rem3A_596 : i32
    %jit3A_607 = arith.constant 2 : i32
    %eq3A_608 = arith.constant 0 : i32
    %eq3A_609 = arith.cmpi eq, %jit3A_607, %eq3A_608 : i32
    %jit3A_610 = arith.constant 1 : i32
    %select_n3A_611 = arith.select %eq3A_609, %jit3A_610, %jit3A_607 : i32
    %rem3A_612 = arith.remsi %add3A_542, %select_n3A_611 : i32
    %ne3A_613 = arith.constant 0 : i32
    %ne3A_614 = arith.cmpi ne, %rem3A_612, %ne3A_613 : i32
    %lt3A_615 = arith.constant 0 : i32
    %lt3A_616 = arith.cmpi slt, %rem3A_612, %lt3A_615 : i32
    %lt3A_617 = arith.constant 0 : i32
    %lt3A_618 = arith.cmpi slt, %select_n3A_611, %lt3A_617 : i32
    %ne3A_619 = arith.xori %lt3A_616, %lt3A_618 : i1
    %and3A_620 = arith.andi %ne3A_619, %ne3A_614 : i1
    %add3A_621 = arith.addi %rem3A_612, %select_n3A_611 : i32
    %select_n3A_622 = arith.select %and3A_620, %add3A_621, %rem3A_612 : i32
    %mul3A_623 = arith.constant 64 : i32
    %mul3A_624 = arith.muli %select_n3A_622, %mul3A_623 : i32
    %dma_wait3A_625 = arith.constant 0 : i32
    %dma_wait3A_626 = arith.constant 0 : i32
    %dma_wait3A_627 = tpu.memref_slice %arg4[%select_n3A_590, %dma_wait3A_625, %select_n3A_606, %dma_wait3A_626, %mul3A_624] : memref<50x38x128x8x128xf32, #tpu.memory_space<hbm>> -> memref<1x38x1x8x64xf32, #tpu.memory_space<hbm>>
    %dma_wait3A_628 = tpu.memref_squeeze %dma_wait3A_627 : memref<1x38x1x8x64xf32, #tpu.memory_space<hbm>> -> memref<38x8x64xf32, #tpu.memory_space<hbm>>
    %dma_wait3A_629 = arith.constant 0 : i32
    %dma_wait3A_630 = arith.constant 0 : i32
    %dma_wait3A_631 = tpu.memref_slice %arg4[%select_n3A_590, %dma_wait3A_629, %select_n3A_606, %dma_wait3A_630, %mul3A_624] : memref<50x38x128x8x128xf32, #tpu.memory_space<hbm>> -> memref<1x38x1x8x64xf32, #tpu.memory_space<hbm>>
    %dma_wait3A_632 = tpu.memref_squeeze %dma_wait3A_631 : memref<1x38x1x8x64xf32, #tpu.memory_space<hbm>> -> memref<38x8x64xf32, #tpu.memory_space<hbm>>
    tpu.wait_dma2 semaphore(%arg13 : memref<!tpu.dma_semaphore, #tpu.memory_space<semaphore_mem>>) src(%arg9 : memref<38x8x64xf32, #tpu.memory_space<vmem>>) dst(%dma_wait3A_632 : memref<38x8x64xf32, #tpu.memory_space<hbm>>)
    %parallel_loop3A_633 = arith.constant 0 : i32
    %parallel_loop3A_634 = arith.constant 304 : i32
    %parallel_loop3A_635 = arith.constant 1 : i32
    scf.for %parallel_loop3A_824 = %parallel_loop3A_633 to %parallel_loop3A_634 step %parallel_loop3A_635  : i32 {
      %parallel_loop3A_825 = arith.constant 0 : i32
      %parallel_loop3A_826 = vector.broadcast %parallel_loop3A_825 : i32 to vector<16xi32>
      %parallel_loop3A_827 = vector.broadcast %parallel_loop3A_824 : i32 to vector<16xi32>
      %parallel_loop3A_828 = arith.addi %parallel_loop3A_826, %parallel_loop3A_827 : vector<16xi32>
      %parallel_loop3A_829 = arith.constant 8 : i32
      %parallel_loop3A_830 = arith.divsi %parallel_loop3A_824, %parallel_loop3A_829 : i32
      %parallel_loop3A_831 = arith.constant 0 : i32
      %parallel_loop3A_832 = arith.cmpi sgt, %parallel_loop3A_824, %parallel_loop3A_831 : i32
      %parallel_loop3A_833 = arith.extui %parallel_loop3A_832 : i1 to i32
      %parallel_loop3A_834 = arith.constant 0 : i32
      %parallel_loop3A_835 = arith.cmpi slt, %parallel_loop3A_824, %parallel_loop3A_834 : i32
      %parallel_loop3A_836 = arith.extui %parallel_loop3A_835 : i1 to i32
      %parallel_loop3A_837 = arith.subi %parallel_loop3A_833, %parallel_loop3A_836 : i32
      %parallel_loop3A_838 = arith.constant 0 : i32
      %parallel_loop3A_839 = arith.cmpi sgt, %parallel_loop3A_829, %parallel_loop3A_838 : i32
      %parallel_loop3A_840 = arith.extui %parallel_loop3A_839 : i1 to i32
      %parallel_loop3A_841 = arith.constant 0 : i32
      %parallel_loop3A_842 = arith.cmpi slt, %parallel_loop3A_829, %parallel_loop3A_841 : i32
      %parallel_loop3A_843 = arith.extui %parallel_loop3A_842 : i1 to i32
      %parallel_loop3A_844 = arith.subi %parallel_loop3A_840, %parallel_loop3A_843 : i32
      %parallel_loop3A_845 = arith.cmpi ne, %parallel_loop3A_837, %parallel_loop3A_844 : i32
      %parallel_loop3A_846 = arith.remsi %parallel_loop3A_824, %parallel_loop3A_829 : i32
      %parallel_loop3A_847 = arith.constant 0 : i32
      %parallel_loop3A_848 = arith.cmpi ne, %parallel_loop3A_846, %parallel_loop3A_847 : i32
      %parallel_loop3A_849 = arith.andi %parallel_loop3A_845, %parallel_loop3A_848 : i1
      %parallel_loop3A_850 = arith.constant 1 : i32
      %parallel_loop3A_851 = arith.subi %parallel_loop3A_830, %parallel_loop3A_850 : i32
      %parallel_loop3A_852 = arith.select %parallel_loop3A_849, %parallel_loop3A_851, %parallel_loop3A_830 : i32
      %parallel_loop3A_853 = arith.constant 8 : i32
      %parallel_loop3A_854 = arith.constant 0 : i32
      %parallel_loop3A_855 = arith.cmpi eq, %parallel_loop3A_853, %parallel_loop3A_854 : i32
      %parallel_loop3A_856 = arith.constant 1 : i32
      %parallel_loop3A_857 = arith.select %parallel_loop3A_855, %parallel_loop3A_856, %parallel_loop3A_853 : i32
      %parallel_loop3A_858 = arith.remsi %parallel_loop3A_824, %parallel_loop3A_857 : i32
      %parallel_loop3A_859 = arith.constant 0 : i32
      %parallel_loop3A_860 = arith.cmpi ne, %parallel_loop3A_858, %parallel_loop3A_859 : i32
      %parallel_loop3A_861 = arith.constant 0 : i32
      %parallel_loop3A_862 = arith.cmpi slt, %parallel_loop3A_858, %parallel_loop3A_861 : i32
      %parallel_loop3A_863 = arith.constant 0 : i32
      %parallel_loop3A_864 = arith.cmpi slt, %parallel_loop3A_857, %parallel_loop3A_863 : i32
      %parallel_loop3A_865 = arith.xori %parallel_loop3A_862, %parallel_loop3A_864 : i1
      %parallel_loop3A_866 = arith.andi %parallel_loop3A_865, %parallel_loop3A_860 : i1
      %parallel_loop3A_867 = arith.addi %parallel_loop3A_858, %parallel_loop3A_857 : i32
      %parallel_loop3A_868 = arith.select %parallel_loop3A_866, %parallel_loop3A_867, %parallel_loop3A_858 : i32
      %parallel_loop3A_869 = tpu.vector_load_idx %arg7[%add3A_3, %parallel_loop3A_828] : memref<64x304xf32, #tpu.memory_space<vmem>>[vector<16xi32>, vector<16xi32>], vector<16xf32>,
      %parallel_loop3A_870 = arith.index_cast %parallel_loop3A_852 : i32 to index
      %parallel_loop3A_871 = arith.index_cast %parallel_loop3A_868 : i32 to index
      %parallel_loop3A_872 = arith.constant 0 : index
      %parallel_loop3A_873 = tpu.vector_load %arg9[%parallel_loop3A_870, %parallel_loop3A_871, %parallel_loop3A_872] {strides = array<i32>} : memref<38x8x64xf32, #tpu.memory_space<vmem>>, vector<16xf32>,
      tpu.vector_store %arg9[%parallel_loop3A_870, %parallel_loop3A_871, %parallel_loop3A_872], %parallel_loop3A_869 {strides = array<i32>} : memref<38x8x64xf32, #tpu.memory_space<vmem>>, vector<16xf32>,
      %parallel_loop3A_874 = tpu.vector_load_idx %arg7[%add3A_7, %parallel_loop3A_828] : memref<64x304xf32, #tpu.memory_space<vmem>>[vector<16xi32>, vector<16xi32>], vector<16xf32>,
      %parallel_loop3A_875 = arith.index_cast %parallel_loop3A_852 : i32 to index
      %parallel_loop3A_876 = arith.index_cast %parallel_loop3A_868 : i32 to index
      %parallel_loop3A_877 = arith.constant 16 : index
      %parallel_loop3A_878 = tpu.vector_load %arg9[%parallel_loop3A_875, %parallel_loop3A_876, %parallel_loop3A_877] {strides = array<i32>} : memref<38x8x64xf32, #tpu.memory_space<vmem>>, vector<16xf32>,
      tpu.vector_store %arg9[%parallel_loop3A_875, %parallel_loop3A_876, %parallel_loop3A_877], %parallel_loop3A_874 {strides = array<i32>} : memref<38x8x64xf32, #tpu.memory_space<vmem>>, vector<16xf32>,
      %parallel_loop3A_879 = tpu.vector_load_idx %arg7[%add3A_11, %parallel_loop3A_828] : memref<64x304xf32, #tpu.memory_space<vmem>>[vector<16xi32>, vector<16xi32>], vector<16xf32>,
      %parallel_loop3A_880 = arith.index_cast %parallel_loop3A_852 : i32 to index
      %parallel_loop3A_881 = arith.index_cast %parallel_loop3A_868 : i32 to index
      %parallel_loop3A_882 = arith.constant 32 : index
      %parallel_loop3A_883 = tpu.vector_load %arg9[%parallel_loop3A_880, %parallel_loop3A_881, %parallel_loop3A_882] {strides = array<i32>} : memref<38x8x64xf32, #tpu.memory_space<vmem>>, vector<16xf32>,
      tpu.vector_store %arg9[%parallel_loop3A_880, %parallel_loop3A_881, %parallel_loop3A_882], %parallel_loop3A_879 {strides = array<i32>} : memref<38x8x64xf32, #tpu.memory_space<vmem>>, vector<16xf32>,
      %parallel_loop3A_884 = tpu.vector_load_idx %arg7[%add3A_15, %parallel_loop3A_828] : memref<64x304xf32, #tpu.memory_space<vmem>>[vector<16xi32>, vector<16xi32>], vector<16xf32>,
      %parallel_loop3A_885 = arith.index_cast %parallel_loop3A_852 : i32 to index
      %parallel_loop3A_886 = arith.index_cast %parallel_loop3A_868 : i32 to index
      %parallel_loop3A_887 = arith.constant 48 : index
      %parallel_loop3A_888 = tpu.vector_load %arg9[%parallel_loop3A_885, %parallel_loop3A_886, %parallel_loop3A_887] {strides = array<i32>} : memref<38x8x64xf32, #tpu.memory_space<vmem>>, vector<16xf32>,
      tpu.vector_store %arg9[%parallel_loop3A_885, %parallel_loop3A_886, %parallel_loop3A_887], %parallel_loop3A_884 {strides = array<i32>} : memref<38x8x64xf32, #tpu.memory_space<vmem>>, vector<16xf32>,
    } {sc.loop_unroll_factor = 4 : i64, sc.parallel_access}
    %mul3A_636 = arith.constant 400 : i32
    %mul3A_637 = arith.muli %add3A, %mul3A_636 : i32
    %add3A_638 = arith.constant 399 : i32
    %add3A_639 = arith.addi %mul3A_637, %add3A_638 : i32
    %jit3A_640 = arith.constant 2 : i32
    %div3A_641 = arith.divsi %add3A_639, %jit3A_640 : i32
    %sign3A_642 = arith.constant 0 : i32
    %sign3A_643 = arith.cmpi sgt, %add3A_639, %sign3A_642 : i32
    %sign3A_644 = arith.extui %sign3A_643 : i1 to i32
    %sign3A_645 = arith.constant 0 : i32
    %sign3A_646 = arith.cmpi slt, %add3A_639, %sign3A_645 : i32
    %sign3A_647 = arith.extui %sign3A_646 : i1 to i32
    %sign3A_648 = arith.subi %sign3A_644, %sign3A_647 : i32
    %sign3A_649 = arith.constant 0 : i32
    %sign3A_650 = arith.cmpi sgt, %jit3A_640, %sign3A_649 : i32
    %sign3A_651 = arith.extui %sign3A_650 : i1 to i32
    %sign3A_652 = arith.constant 0 : i32
    %sign3A_653 = arith.cmpi slt, %jit3A_640, %sign3A_652 : i32
    %sign3A_654 = arith.extui %sign3A_653 : i1 to i32
    %sign3A_655 = arith.subi %sign3A_651, %sign3A_654 : i32
    %ne3A_656 = arith.cmpi ne, %sign3A_648, %sign3A_655 : i32
    %rem3A_657 = arith.remsi %add3A_639, %jit3A_640 : i32
    %ne3A_658 = arith.constant 0 : i32
    %ne3A_659 = arith.cmpi ne, %rem3A_657, %ne3A_658 : i32
    %and3A_660 = arith.andi %ne3A_656, %ne3A_659 : i1
    %sub3A_661 = arith.constant 1 : i32
    %sub3A_662 = arith.subi %div3A_641, %sub3A_661 : i32
    %select_n3A_663 = arith.select %and3A_660, %sub3A_662, %div3A_641 : i32
    %jit3A_664 = arith.constant 128 : i32
    %div3A_665 = arith.divsi %select_n3A_663, %jit3A_664 : i32
    %sign3A_666 = arith.constant 0 : i32
    %sign3A_667 = arith.cmpi sgt, %select_n3A_663, %sign3A_666 : i32
    %sign3A_668 = arith.extui %sign3A_667 : i1 to i32
    %sign3A_669 = arith.constant 0 : i32
    %sign3A_670 = arith.cmpi slt, %select_n3A_663, %sign3A_669 : i32
    %sign3A_671 = arith.extui %sign3A_670 : i1 to i32
    %sign3A_672 = arith.subi %sign3A_668, %sign3A_671 : i32
    %sign3A_673 = arith.constant 0 : i32
    %sign3A_674 = arith.cmpi sgt, %jit3A_664, %sign3A_673 : i32
    %sign3A_675 = arith.extui %sign3A_674 : i1 to i32
    %sign3A_676 = arith.constant 0 : i32
    %sign3A_677 = arith.cmpi slt, %jit3A_664, %sign3A_676 : i32
    %sign3A_678 = arith.extui %sign3A_677 : i1 to i32
    %sign3A_679 = arith.subi %sign3A_675, %sign3A_678 : i32
    %ne3A_680 = arith.cmpi ne, %sign3A_672, %sign3A_679 : i32
    %rem3A_681 = arith.remsi %select_n3A_663, %jit3A_664 : i32
    %ne3A_682 = arith.constant 0 : i32
    %ne3A_683 = arith.cmpi ne, %rem3A_681, %ne3A_682 : i32
    %and3A_684 = arith.andi %ne3A_680, %ne3A_683 : i1
    %sub3A_685 = arith.constant 1 : i32
    %sub3A_686 = arith.subi %div3A_665, %sub3A_685 : i32
    %select_n3A_687 = arith.select %and3A_684, %sub3A_686, %div3A_665 : i32
    %jit3A_688 = arith.constant 128 : i32
    %eq3A_689 = arith.constant 0 : i32
    %eq3A_690 = arith.cmpi eq, %jit3A_688, %eq3A_689 : i32
    %jit3A_691 = arith.constant 1 : i32
    %select_n3A_692 = arith.select %eq3A_690, %jit3A_691, %jit3A_688 : i32
    %rem3A_693 = arith.remsi %select_n3A_663, %select_n3A_692 : i32
    %ne3A_694 = arith.constant 0 : i32
    %ne3A_695 = arith.cmpi ne, %rem3A_693, %ne3A_694 : i32
    %lt3A_696 = arith.constant 0 : i32
    %lt3A_697 = arith.cmpi slt, %rem3A_693, %lt3A_696 : i32
    %lt3A_698 = arith.constant 0 : i32
    %lt3A_699 = arith.cmpi slt, %select_n3A_692, %lt3A_698 : i32
    %ne3A_700 = arith.xori %lt3A_697, %lt3A_699 : i1
    %and3A_701 = arith.andi %ne3A_700, %ne3A_695 : i1
    %add3A_702 = arith.addi %rem3A_693, %select_n3A_692 : i32
    %select_n3A_703 = arith.select %and3A_701, %add3A_702, %rem3A_693 : i32
    %jit3A_704 = arith.constant 2 : i32
    %eq3A_705 = arith.constant 0 : i32
    %eq3A_706 = arith.cmpi eq, %jit3A_704, %eq3A_705 : i32
    %jit3A_707 = arith.constant 1 : i32
    %select_n3A_708 = arith.select %eq3A_706, %jit3A_707, %jit3A_704 : i32
    %rem3A_709 = arith.remsi %add3A_639, %select_n3A_708 : i32
    %ne3A_710 = arith.constant 0 : i32
    %ne3A_711 = arith.cmpi ne, %rem3A_709, %ne3A_710 : i32
    %lt3A_712 = arith.constant 0 : i32
    %lt3A_713 = arith.cmpi slt, %rem3A_709, %lt3A_712 : i32
    %lt3A_714 = arith.constant 0 : i32
    %lt3A_715 = arith.cmpi slt, %select_n3A_708, %lt3A_714 : i32
    %ne3A_716 = arith.xori %lt3A_713, %lt3A_715 : i1
    %and3A_717 = arith.andi %ne3A_716, %ne3A_711 : i1
    %add3A_718 = arith.addi %rem3A_709, %select_n3A_708 : i32
    %select_n3A_719 = arith.select %and3A_717, %add3A_718, %rem3A_709 : i32
    %mul3A_720 = arith.constant 64 : i32
    %mul3A_721 = arith.muli %select_n3A_719, %mul3A_720 : i32
    %dma_start3A_722 = arith.constant 0 : i32
    %dma_start3A_723 = arith.constant 0 : i32
    %dma_start3A_724 = tpu.memref_slice %arg4[%select_n3A_687, %dma_start3A_722, %select_n3A_703, %dma_start3A_723, %mul3A_721] : memref<50x38x128x8x128xf32, #tpu.memory_space<hbm>> -> memref<1x38x1x8x64xf32, #tpu.memory_space<hbm>>
    %dma_start3A_725 = tpu.memref_squeeze %dma_start3A_724 : memref<1x38x1x8x64xf32, #tpu.memory_space<hbm>> -> memref<38x8x64xf32, #tpu.memory_space<hbm>>
    %dma_start3A_726 = arith.constant 0 : i32
    %dma_start3A_727 = arith.constant 0 : i32
    %dma_start3A_728 = tpu.memref_slice %arg4[%select_n3A_687, %dma_start3A_726, %select_n3A_703, %dma_start3A_727, %mul3A_721] : memref<50x38x128x8x128xf32, #tpu.memory_space<hbm>> -> memref<1x38x1x8x64xf32, #tpu.memory_space<hbm>>
    %dma_start3A_729 = tpu.memref_squeeze %dma_start3A_728 : memref<1x38x1x8x64xf32, #tpu.memory_space<hbm>> -> memref<38x8x64xf32, #tpu.memory_space<hbm>>
    tpu.enqueue_dma source(%arg9 : memref<38x8x64xf32, #tpu.memory_space<vmem>>) target(%dma_start3A_729 : memref<38x8x64xf32, #tpu.memory_space<hbm>>) target_semaphore(%arg13 : memref<!tpu.dma_semaphore, #tpu.memory_space<semaphore_mem>>)
    %mul3A_730 = arith.constant 400 : i32
    %mul3A_731 = arith.muli %add3A, %mul3A_730 : i32
    %add3A_732 = arith.constant 399 : i32
    %add3A_733 = arith.addi %mul3A_731, %add3A_732 : i32
    %jit3A_734 = arith.constant 2 : i32
    %div3A_735 = arith.divsi %add3A_733, %jit3A_734 : i32
    %sign3A_736 = arith.constant 0 : i32
    %sign3A_737 = arith.cmpi sgt, %add3A_733, %sign3A_736 : i32
    %sign3A_738 = arith.extui %sign3A_737 : i1 to i32
    %sign3A_739 = arith.constant 0 : i32
    %sign3A_740 = arith.cmpi slt, %add3A_733, %sign3A_739 : i32
    %sign3A_741 = arith.extui %sign3A_740 : i1 to i32
    %sign3A_742 = arith.subi %sign3A_738, %sign3A_741 : i32
    %sign3A_743 = arith.constant 0 : i32
    %sign3A_744 = arith.cmpi sgt, %jit3A_734, %sign3A_743 : i32
    %sign3A_745 = arith.extui %sign3A_744 : i1 to i32
    %sign3A_746 = arith.constant 0 : i32
    %sign3A_747 = arith.cmpi slt, %jit3A_734, %sign3A_746 : i32
    %sign3A_748 = arith.extui %sign3A_747 : i1 to i32
    %sign3A_749 = arith.subi %sign3A_745, %sign3A_748 : i32
    %ne3A_750 = arith.cmpi ne, %sign3A_742, %sign3A_749 : i32
    %rem3A_751 = arith.remsi %add3A_733, %jit3A_734 : i32
    %ne3A_752 = arith.constant 0 : i32
    %ne3A_753 = arith.cmpi ne, %rem3A_751, %ne3A_752 : i32
    %and3A_754 = arith.andi %ne3A_750, %ne3A_753 : i1
    %sub3A_755 = arith.constant 1 : i32
    %sub3A_756 = arith.subi %div3A_735, %sub3A_755 : i32
    %select_n3A_757 = arith.select %and3A_754, %sub3A_756, %div3A_735 : i32
    %jit3A_758 = arith.constant 128 : i32
    %div3A_759 = arith.divsi %select_n3A_757, %jit3A_758 : i32
    %sign3A_760 = arith.constant 0 : i32
    %sign3A_761 = arith.cmpi sgt, %select_n3A_757, %sign3A_760 : i32
    %sign3A_762 = arith.extui %sign3A_761 : i1 to i32
    %sign3A_763 = arith.constant 0 : i32
    %sign3A_764 = arith.cmpi slt, %select_n3A_757, %sign3A_763 : i32
    %sign3A_765 = arith.extui %sign3A_764 : i1 to i32
    %sign3A_766 = arith.subi %sign3A_762, %sign3A_765 : i32
    %sign3A_767 = arith.constant 0 : i32
    %sign3A_768 = arith.cmpi sgt, %jit3A_758, %sign3A_767 : i32
    %sign3A_769 = arith.extui %sign3A_768 : i1 to i32
    %sign3A_770 = arith.constant 0 : i32
    %sign3A_771 = arith.cmpi slt, %jit3A_758, %sign3A_770 : i32
    %sign3A_772 = arith.extui %sign3A_771 : i1 to i32
    %sign3A_773 = arith.subi %sign3A_769, %sign3A_772 : i32
    %ne3A_774 = arith.cmpi ne, %sign3A_766, %sign3A_773 : i32
    %rem3A_775 = arith.remsi %select_n3A_757, %jit3A_758 : i32
    %ne3A_776 = arith.constant 0 : i32
    %ne3A_777 = arith.cmpi ne, %rem3A_775, %ne3A_776 : i32
    %and3A_778 = arith.andi %ne3A_774, %ne3A_777 : i1
    %sub3A_779 = arith.constant 1 : i32
    %sub3A_780 = arith.subi %div3A_759, %sub3A_779 : i32
    %select_n3A_781 = arith.select %and3A_778, %sub3A_780, %div3A_759 : i32
    %jit3A_782 = arith.constant 128 : i32
    %eq3A_783 = arith.constant 0 : i32
    %eq3A_784 = arith.cmpi eq, %jit3A_782, %eq3A_783 : i32
    %jit3A_785 = arith.constant 1 : i32
    %select_n3A_786 = arith.select %eq3A_784, %jit3A_785, %jit3A_782 : i32
    %rem3A_787 = arith.remsi %select_n3A_757, %select_n3A_786 : i32
    %ne3A_788 = arith.constant 0 : i32
    %ne3A_789 = arith.cmpi ne, %rem3A_787, %ne3A_788 : i32
    %lt3A_790 = arith.constant 0 : i32
    %lt3A_791 = arith.cmpi slt, %rem3A_787, %lt3A_790 : i32
    %lt3A_792 = arith.constant 0 : i32
    %lt3A_793 = arith.cmpi slt, %select_n3A_786, %lt3A_792 : i32
    %ne3A_794 = arith.xori %lt3A_791, %lt3A_793 : i1
    %and3A_795 = arith.andi %ne3A_794, %ne3A_789 : i1
    %add3A_796 = arith.addi %rem3A_787, %select_n3A_786 : i32
    %select_n3A_797 = arith.select %and3A_795, %add3A_796, %rem3A_787 : i32
    %jit3A_798 = arith.constant 2 : i32
    %eq3A_799 = arith.constant 0 : i32
    %eq3A_800 = arith.cmpi eq, %jit3A_798, %eq3A_799 : i32
    %jit3A_801 = arith.constant 1 : i32
    %select_n3A_802 = arith.select %eq3A_800, %jit3A_801, %jit3A_798 : i32
    %rem3A_803 = arith.remsi %add3A_733, %select_n3A_802 : i32
    %ne3A_804 = arith.constant 0 : i32
    %ne3A_805 = arith.cmpi ne, %rem3A_803, %ne3A_804 : i32
    %lt3A_806 = arith.constant 0 : i32
    %lt3A_807 = arith.cmpi slt, %rem3A_803, %lt3A_806 : i32
    %lt3A_808 = arith.constant 0 : i32
    %lt3A_809 = arith.cmpi slt, %select_n3A_802, %lt3A_808 : i32
    %ne3A_810 = arith.xori %lt3A_807, %lt3A_809 : i1
    %and3A_811 = arith.andi %ne3A_810, %ne3A_805 : i1
    %add3A_812 = arith.addi %rem3A_803, %select_n3A_802 : i32
    %select_n3A_813 = arith.select %and3A_811, %add3A_812, %rem3A_803 : i32
    %mul3A_814 = arith.constant 64 : i32
    %mul3A_815 = arith.muli %select_n3A_813, %mul3A_814 : i32
    %dma_wait3A_816 = arith.constant 0 : i32
    %dma_wait3A_817 = arith.constant 0 : i32
    %dma_wait3A_818 = tpu.memref_slice %arg4[%select_n3A_781, %dma_wait3A_816, %select_n3A_797, %dma_wait3A_817, %mul3A_815] : memref<50x38x128x8x128xf32, #tpu.memory_space<hbm>> -> memref<1x38x1x8x64xf32, #tpu.memory_space<hbm>>
    %dma_wait3A_819 = tpu.memref_squeeze %dma_wait3A_818 : memref<1x38x1x8x64xf32, #tpu.memory_space<hbm>> -> memref<38x8x64xf32, #tpu.memory_space<hbm>>
    %dma_wait3A_820 = arith.constant 0 : i32
    %dma_wait3A_821 = arith.constant 0 : i32
    %dma_wait3A_822 = tpu.memref_slice %arg4[%select_n3A_781, %dma_wait3A_820, %select_n3A_797, %dma_wait3A_821, %mul3A_815] : memref<50x38x128x8x128xf32, #tpu.memory_space<hbm>> -> memref<1x38x1x8x64xf32, #tpu.memory_space<hbm>>
    %dma_wait3A_823 = tpu.memref_squeeze %dma_wait3A_822 : memref<1x38x1x8x64xf32, #tpu.memory_space<hbm>> -> memref<38x8x64xf32, #tpu.memory_space<hbm>>
    tpu.wait_dma2 semaphore(%arg13 : memref<!tpu.dma_semaphore, #tpu.memory_space<semaphore_mem>>) src(%arg9 : memref<38x8x64xf32, #tpu.memory_space<vmem>>) dst(%dma_wait3A_823 : memref<38x8x64xf32, #tpu.memory_space<hbm>>)
    return
  }
}

</mosaic_0001>

<sc_bundles>
// kernel: kernel.3.cloned.1.call-start
scs
__scs_entry_jumppad:
0x0: {  	(pc) =	sbr.rel $0x88, $3  }
0x1: {  	(tag) =	ssettag $0x0;
	lr =	simm.s32 $0x1  }
0x2: {  	[smem:$0x3F9F] =	sst lr;
	_ =	strace $0xD0000000  }
0x3: {  	_ = 	snop  }
0x4: {  	_ = 	snop  }
0x5: {  	_ = 	snop  }
0x6: {  	_ = 	snop  }
0x7: {  	_ = 	snop  }
__scs_overlays_trampoline_lowered:
0x8: {  	[smem:$0x3FAE] =	sst s0  }
0x9: {  	[smem:$0x3FAF] =	sst s1  }
0xa: {  	[smem:$0x3FB0] =	sst s2  }
0xb: {  	[smem:$0x3FB1] =	sst s3  }
0xc: {  	[smem:$0x3FB2] =	sst s4  }
0xd: {  	[smem:$0x3FB3] =	sst s5  }
0xe: {  	[smem:$0x3FB4] =	sst s6  }
0xf: {  	[smem:$0x3FB5] =	sst s7  }
0x10: {  	[smem:$0x3FB6] =	sst s8  }
0x11: {  	[smem:$0x3FB7] =	sst s9;
	s0 =	simm.s32 @!p0 $0x0  }
0x12: {  	s1 =	sld [smem:$0x3F9D];
	s0 =	simm.s32 @p0 $0x1  }
0x13: {  	[smem:$0x3FB8] =	sst s0;
	s0 =	simm.s32 @!p1 $0x0  }
0x14: {  	s2 =	sld [smem:$0x3F9C];
	s0 =	simm.s32 @p1 $0x1  }
0x15: {  	[smem:$0x3FB9] =	sst s0;
	s0 =	simm.s32 @!p2 $0x0  }
0x16: {  	s3 =	sld [smem:$0x3FDB];
	s0 =	simm.s32 @p2 $0x1  }
0x17: {  	s4 =	simm.s32 $0x1BF5;
	[smem:$0x3FBB] =	sst s0  }
0x18: {  	s0 =	sld [smem:$0x3F9E];
	_ =	swait.ge [sflag:s4], $0x0  }
0x19: {  	s7 =	sld [smem:$0x3F9F]  }
0x1a: {  	s8 =	sadd.s32 $0xFFFFE003, lr  }
0x1b: {  	s9 =	sadd.s32 $0xFFFFFEF7, lr;
	s5 =	simm.s32 $0xFFFFFFFF;
	p2 =	slt.u32 s8, $0xFFFFF086  }
0x1c: {  	p1 =	slt.u32 s9, $0xF7A;
	s5 =	simm.s32 @!p2 $0x0  }
0x1d: {  	s5 =	simm.s32 @p1 $0x1;
	p0 =	seq.s32 s7, s2  }
0x1e: {  	s7 =	smul.u32 @!p0 $0xF7A, s2;
	p2 =	seq.s32 @!p0 s5, $0x0  }
0x1f: {  	s9 =	smul.u32 $0xF7A, s1;
	s8 =	simm.s32 @!p0 $0x1BF5;
	p2 =	por !p2, p0  }
0x20: {  	[sflag:s8] =	ssyncset.s32 @!p0 $0xFFFFF086;
	s6 =	sadd.s32 @!p0 s3, s7;
	s7 =	simm.s32 @!p0 $0x108  }
0x21: {  	s3 =	sadd.s32 s3, s9;
	s6 =	sadd.s32 @!p0 $0x88, s6;
	s7 =	simm.s32 @p2 $0x1082  }
0x22: {  	[simem:s7], [sflag:s8] =	dma.local @!p0 [hbm:s6], $0xF7A  }
0x23: {  	s9 =	sor.u32 $0xD0000000, s2;
	s6 =	simm.s32 $0x108;
	_ =	swait.ge @!p0 [sflag:s8], $0x0  }
0x24: {  	s3 =	sadd.s32 $0x88, s3;
	s6 =	simm.s32 @!p1 $0x1082;
	[sflag:s4] =	ssyncset.s32 $0xFFFFF086  }
0x25: {  	[simem:s6], [sflag:s4] =	dma.local [hbm:s3], $0xF7A  }
0x26: {  	[smem:$0x3F9F] =	sst s1;
	(tag) =	ssettag s2;
	_ =	strace s9  }
0x27: {  	s1 =	sld [smem:$0x3FAF]  }
0x28: {  	s2 =	sld [smem:$0x3FB0]  }
0x29: {  	s4 =	sld [smem:$0x3FB2]  }
0x2a: {  	p0 =	seq.s32 s5, $0x0;
	s5 =	sld [smem:$0x3FB3]  }
0x2b: {  	s6 =	sld [smem:$0x3FB4]  }
0x2c: {  	s7 =	sld [smem:$0x3FB5]  }
0x2d: {  	s3 =	simm.s32 $0x108;
	s8 =	sld [smem:$0x3FB6]  }
0x2e: {  	s3 =	simm.s32 @!p0 $0x1082;
	s9 =	sld [smem:$0x3FB7]  }
0x2f: {  	lr =	sadd.s32 s0, s3;
	s0 =	sld [smem:$0x3FAE]  }
0x30: {  	s3 =	sld [smem:$0x3FB1]  }
0x31: {  	[smem:$0x3FBA] =	sst s10  }
0x32: {  	s10 =	sld [smem:$0x3FB8];
	_ =	sdelay $0x3  }
0x33: {  	p0 =	seq.s32 s10, $0x1;
	s10 =	sld [smem:$0x3FBA];
	_ =	sdelay $0x3  }
0x34: {  	[smem:$0x3FBA] =	sst s10  }
0x35: {  	s10 =	sld [smem:$0x3FB9];
	_ =	sdelay $0x3  }
0x36: {  	p1 =	seq.s32 s10, $0x1;
	s10 =	sld [smem:$0x3FBA];
	_ =	sdelay $0x3  }
0x37: {  	[smem:$0x3FBA] =	sst s10  }
0x38: {  	s10 =	sld [smem:$0x3FBB]  }
0x39: {  	_ = 	snop;
	(pc) =	sbr.ind lr, $3  }
0x3a: {  	_ = 	snop  }
0x3b: {  	_ = 	snop  }
0x3c: {  	p2 =	seq.s32 s10, $0x1;
	s10 =	sld [smem:$0x3FBA]  }
0x3d: {  	_ =	shalt  }
0x3e: {  	_ =	shalt  }
0x3f: {  	_ =	shalt  }
0x40: {  	_ =	shalt  }
0x41: {  	_ =	shalt  }
0x42: {  	_ =	shalt  }
0x43: {  	_ =	shalt  }
0x44: {  	_ =	shalt  }
0x45: {  	_ =	shalt  }
0x46: {  	_ =	shalt  }
0x47: {  	_ =	shalt  }
0x48: {  	_ =	shalt  }
0x49: {  	_ =	shalt  }
0x4a: {  	_ =	shalt  }
0x4b: {  	_ =	shalt  }
0x4c: {  	_ =	shalt  }
0x4d: {  	_ =	shalt  }
0x4e: {  	_ =	shalt  }
0x4f: {  	_ =	shalt  }
0x50: {  	_ =	shalt  }
0x51: {  	_ =	shalt  }
0x52: {  	_ =	shalt  }
0x53: {  	_ =	shalt  }
0x54: {  	_ =	shalt  }
0x55: {  	_ =	shalt  }
0x56: {  	_ =	shalt  }
0x57: {  	_ =	shalt  }
0x58: {  	_ =	shalt  }
0x59: {  	_ =	shalt  }
0x5a: {  	_ =	shalt  }
0x5b: {  	_ =	shalt  }
0x5c: {  	_ =	shalt  }
0x5d: {  	_ =	shalt  }
0x5e: {  	_ =	shalt  }
0x5f: {  	_ =	shalt  }
0x60: {  	_ =	shalt  }
0x61: {  	_ =	shalt  }
0x62: {  	_ =	shalt  }
0x63: {  	_ =	shalt  }
0x64: {  	_ =	shalt  }
0x65: {  	_ =	shalt  }
0x66: {  	_ =	shalt  }
0x67: {  	_ =	shalt  }
0x68: {  	_ =	shalt  }
0x69: {  	_ =	shalt  }
0x6a: {  	_ =	shalt  }
0x6b: {  	_ =	shalt  }
0x6c: {  	_ =	shalt  }
0x6d: {  	_ =	shalt  }
0x6e: {  	_ =	shalt  }
0x6f: {  	_ =	shalt  }
0x70: {  	_ =	shalt  }
0x71: {  	_ =	shalt  }
0x72: {  	_ =	shalt  }
0x73: {  	_ =	shalt  }
0x74: {  	_ =	shalt  }
0x75: {  	_ =	shalt  }
0x76: {  	_ =	shalt  }
0x77: {  	_ =	shalt  }
0x78: {  	_ =	shalt  }
0x79: {  	_ =	shalt  }
0x7a: {  	_ =	shalt  }
0x7b: {  	_ =	shalt  }
0x7c: {  	_ =	shalt  }
0x7d: {  	_ =	shalt  }
0x7e: {  	_ =	shalt  }
0x7f: {  	_ =	shalt  }
0x80: {  	_ =	shalt  }
0x81: {  	_ =	shalt  }
0x82: {  	_ =	shalt  }
0x83: {  	_ =	shalt  }
0x84: {  	_ =	shalt  }
0x85: {  	_ =	shalt  }
0x86: {  	_ =	shalt  }
0x87: {  	_ =	shalt  }
.Lfunc_end0:
.L_simem_size_0:
called_computation_lowered:
.L_overlay_start_0:
0x88: {  	s2 =	sld [smem:$0x3FD9]  }
0x89: {  	s3 =	sld [smem:$0x3FFE];
	_ =	sdelay $0x1  }
0x8a: {  	s1 =	srdreg.scid  }
0x8b: {  	s0 =	sand.u32 $0x1, s1  }
0x8c: {  	s17 =	sshll.u32 s0, $0xA;
	s2 =	sadd.s32 s3, s2  }
0x8d: {  	s2 =	sadd.s32 s2, s17  }
0x8e: {  	[smem:$0x3FC6] =	sst s2  }
0x8f: {  	_ = 	snop  }
0x90: {  	s2 =	sld [smem:$0x3FD0];
	(tm) =	ssettm $0x1  }
0x91: {  	s18 =	sld [smem:$0x3FFB];
	_ =	sdelay $0x3  }
0x92: {  	_ =	strace s18  }
0x93: {  	s3 =	sld [smem:$0x3FFC];
	_ =	sdelay $0x3  }
0x94: {  	_ =	strace s3  }
0x95: {  	s3 =	sld [smem:$0x3FFD];
	_ =	sdelay $0x3  }
0x96: {  	_ =	strace s3  }
0x97: {  	_ =	strace $0x8FFFFFFF  }
0x98: {  	s19 =	sld [smem:$0x3FDB];
	_ =	sdelay $0x1  }
0x99: {  	s4 =	simm.s32 $_scs_section_size  }
0x9a: {  	s5 =	simm.s32 $_size__tile_overlayer_lowered;
	s6 =	simm.s32 $_tile_overlayer_lowered  }
0x9b: {  	s22 =	simm.s32 $0x1BFF;
	s21 =	sshll.u32 s6, $0x1;
	s3 =	sadd.s32 s4, s19  }
0x9c: {  	s7 =	simm.s32 $0x0;
	s20 =	sshll.u32 s5, $0x1;
	s5 =	sadd.s32 s21, s3  }
0x9d: {  	[timem:s7], [sflag:s22] =	dma.local [hbm:s5], s20  }
0x9e: {  	_ =	swait.ge [sflag:s22], s20  }
0x9f: {  	s4 =	ssub.s32 $0x0, s20;
	[sflag:s22] =	ssyncset.done $0x0  }
0xa0: {  	[sflag:s22] =	ssyncadd.s32 s4;
	_ =	sdelay $0x1  }
0xa1: {  	s23 =	simm.s32 $0x1B8B  }
0xa2: {  	_ =	swait.ge [sflag:s23], $0x1  }
0xa3: {  	[sflag:s23] =	ssyncset.done $0x0  }
0xa4: {  	s25 =	simm.s32 $0x1B8E;
	s24 =	sld [smem:$0x3FFE];
	[sflag:s23] =	ssyncadd.s32 $0xFFFFFFFF  }
0xa5: {  	s26 =	simm.s32 $execute0_lowered;
	[smem:$0x3FD2] =	sst s25  }
0xa6: {  	s5 =	sshll.u32 s26, $0x1;
	_ =	strace $0x80000046;
	[dreg:$0x1] =	wrdreg $0xFFFFFFFF  }
0xa7: {  	s28 =	simm.s32 $_size_execute0_lowered;
	s3 =	sadd.s32 s3, s5;
	[dreg:$0x0] =	wrdreg $0x0  }
0xa8: {  	s5 =	sshll.u32 s28, $0x1;
	[dreg:$0x2] =	wrdreg s3  }
0xa9: {  	[dreg:$0x3] =	wrdreg s5  }
0xaa: {  	[dreg:$0x4] =	wrdreg $0xC0  }
0xab: {  	_ =	task [dreg:s7], $0x5FFFF  }
0xac: {  	[dreg:$0x1] =	wrdreg $0xFFFFFFFF  }
0xad: {  	[dreg:$0x0] =	wrdreg $0x60  }
0xae: {  	[dreg:$0x2] =	wrdreg s24  }
0xaf: {  	[dreg:$0x3] =	wrdreg s2  }
0xb0: {  	[dreg:$0x4] =	wrdreg $0x9  }
0xb1: {  	_ =	task.clear_ibuf [dreg:s7], $0x5FFFF;
	_ =	strace $0x90000046  }
0xb2: {  	s29 =	simm.s32 $0x9;
	_ =	strace $0x80000048  }
0xb3: {  	_ =	swait.ge [sflag:s29], $0x1  }
0xb4: {  	[sflag:s29] =	ssyncadd.s32 $0xFFFFFFFF  }
0xb5: {  	_ =	strace $0x90000048  }
0xb6: {  	_ =	sfence  }
0xb7: {  	s30 =	sld [smem:$0x0];
	_ =	sdelay $0x2  }
0xb8: {  	s31 =	sshll.u32 s1, $0xD;
	s1 =	sshrl.u32 s1, $0x2  }
0xb9: {  	s3 =	sand.u32 $0x4000, s31;
	s1 =	sadd.s32 s1, s30  }
0xba: {  	s0 =	sor.u32 s3, s0;
	s1 =	sshll.u32 s1, $0x11  }
0xbb: {  	s0 =	sor.u32 s1, s0  }
0xbc: {  	s0 =	sadd.s32 $0x8F2B, s0  }
0xbd: {  	[sflag:s0] =	ssyncadd.remote.s32 $0x1  }
0xbe: {  	_ =	sfence.sel $0xFFFF  }
0xbf: {  	[dreg:$0x0] =	wrdreg $0xFFFFFFFF;
	(pc) =	sbr.abs _section_cstart, $3  }
0xc0: {  	[dreg:$0x1] =	wrdreg $0xFFFFFFFF  }
0xc1: {  	_ =	task.clear_ibuf [dreg:s7], $0x2FFFF;
	_ =	strace $0x9FFFFFFF  }
0xc2: {  	(tm) =	ssettm $0x7FFFFFFF  }
0xc3: {  	_ =	shalt  }
tec
execute0_lowered:
.L_overlay_start_1:
0x0: {  	(tag) =	ssettag $0x1  }
0x1: {  	s0 =	srdreg.scid;
	s4 =	rddreg [dreg:$0x0]  }
0x2: {  	s1 =	stileid.u32;
	s3 =	rddreg [dreg:$0x1];
	s6 =	simm.s32 $0x0  }
0x3: {  	s8 =	simm.s32 $0x1;
	s15 =	simm.s32 $0x40;
	s16 =	simm.s32 $0x6400  }
0x4: {  	s17 =	simm.s32 $0xB000;
	s0 =	sand.u32 $0x1, s0;
	s1 =	sshll.u32 s1, $0x1  }
0x5: {  	s18 =	simm.s32 $0x80;
	s19 =	simm.s32 $0x2;
	s1 =	sor.u32 s0, s1  }
0x6: {  	s11 =	simm.s32 $0xC0;
	[smem:$0x7FF] =	sst s6;
	s2 =	smul.u32 $0x190, s1  }
0x7: {  	_ =	strace $0x80000047;
	s0 =	ssub.s32 $0x2, s0;
	s7 =	smul.u32 $0xC80, s1  }
0x8: {  	p0 =	seq.s32 s1, $0x0;
	s10 =	smul.u32 $0xC8, s1;
	s22 =	sshrl.u32 s0, $0x1  }
0x9: {  	s1 =	smul.u32 $0x12000, s1;
	s0 =	ssub.s32 s0, s22;
	s5 =	sshrl.u32 s2, $0x1  }
0xa: {  	s9 =	sshrl.u32 s2, $0x8;
	s23 =	sshrl.u32 s10, $0x7;
	s21 =	sand.u32 $0x78, s5  }
0xb: {  	s25 =	sadd.s32 $0x18E, s2;
	s1 =	sand.u32 $0x1E000, s1;
	p1 =	sne.s32 s21, $0x0  }
0xc: {  	s0 =	smax.u32 s0, $0x1;
	s5 =	sadd.s32 $0x4AD200, s4;
	p0 =	por !p0, !p1  }
0xd: {  	s4 =	sadd.s32 s7, s4;
	s24 =	smul.u32 $0x4C0000, s23;
	p0 =	por !p0, !p0  }
0xe: {  	s26 =	sshrl.u32 s25, $0x8;
	[dreg:$0x8] =	wrdreg s0;
	s8 =	simm.s32 @!p0 $0x0  }
0xf: {  	s4 =	sadd.s32 $0x400, s4;
	s10 =	smul.u32 $0x4C0000, s26;
	s8 =	ssub.s32 s9, s8  }
0x10: {  	s1 =	sor.u32 s1, s24;
	s9 =	sshll.u32 s25, $0x9;
	s8 =	smul.u32 $0x4C0000, s8  }
0x11: {  	s6 =	sshll.u32 s21, $0xA;
	s1 =	sshrl.u32 s1, $0x3;
	s28 =	sand.u32 $0x1FC00, s9  }
0x12: {  	s29 =	sor.u32 s28, s10;
	s6 =	sor.u32 s6, s8;
	s8 =	sadd.s32 $0x8, s3  }
0x13: {  	[dreg:$0x3] =	wrdreg s4;
	s4 =	sshrl.u32 s29, $0x3;
	s1 =	sadd.s32 s1, s8  }
0x14: {  	v0 =	vlaneseq.u32;
	s22 =	simm.s32 $0x4;
	s30 =	sadd.s32 s3, s4;
	[dreg:$0x5] =	wrdreg s1  }
0x15: {  	v0 =	vmul.u32 $0x130, v0;
	s6 =	sshrl.u32 s6, $0x3;
	s31 =	sadd.s32 s4, s8;
	[dreg:$0x6] =	wrdreg s30  }
0x16: {  	s7 =	simm.s32 $0x1;
	s6 =	sadd.s32 s3, s6;
	[dreg:$0x7] =	wrdreg s31  }
0x17: {  	v1 =	vadd.s32 $0x1300, v0;
	v2 =	vadd.s32 $0x2600, v0;
	v3 =	vadd.s32 $0x3900, v0;
	s21 =	simm.s32 $0x3;
	s1 =	simm.s32 $0x0;
	[dreg:$0x4] =	wrdreg s6  }
.LBB2_1:
0x18: {  	[dreg:$0x9] =	wrdreg s1  }
0x19: {  	s26 =	simm.s32 $0x0;
	s0 =	rddreg [dreg:$0x3];
	s4 =	simm.s32 $0x5  }
0x1a: {  	[tilespmem:s26], [sflag:$0x5] =	stream.linear.gather [hbm4b:s0+s26], $0x6400, $0x38;
	[tilespmem:$0x19400] =	vst v63  }
0x1b: {  	_ =	swait.ge [sflag:s4], $0x6400  }
0x1c: {  	s30 =	simm.s32 $0x1;
	[sflag:s4] =	ssyncset.done $0x0  }
0x1d: {  	v4 =	vmov s30;
	[sflag:s4] =	ssyncadd.s32 $0xFFFF9C00  }
0x1e: {  	v5 =	vand.u32 $0x1FD, v4;
	[tilespmem:s16], [sflag:$0x1] =	stream.indirect.gather [hbm4b:s5+s15], $0x130, s26, s15, $0xb8;
	[tilespmem:$0x19400] =	vst v63  }
0x1f: {  	v4 =	vadd.s32 v0, v5  }
0x20: {  	[tilespmem:s17], [sflag:$0x2] =	stream.indirect.gather [hbm4b:s5+s15], $0x130, s15, s15, $0xb8;
	[tilespmem:$0x19400] =	vst v63  }
0x21: {  	_ =	swait.ge [sflag:s7], $0x4C00  }
0x22: {  	[sflag:s7] =	ssyncset.done $0x0  }
0x23: {  	s31 =	simm.s32 $0x2;
	[sflag:s7] =	ssyncadd.s32 $0xFFFFB400  }
0x24: {  	v6 =	vmov s31;
	v4 =	vld.idx.msk [tilespmem:v4+s16+$0x0], $0xffff  }
0x25: {  	v9 =	vand.u32 $0x1FE, v6;
	v6 =	vadd.s32 v1, v5;
	s4 =	simm.s32 $0x0  }
0x26: {  	s6 =	simm.s32 $0x40;
	v8 =	vmov s26;
	v7 =	vadd.s32 v0, v9;
	s0 =	sand.u32 $0x7E00, s4  }
0x27: {  	s9 =	simm.s32 $0x3;
	s1 =	sand.u32 $0x140, s6;
	v8 =	vand.u32 $0x1FC, v8;
	s6 =	sadd.s32 $0xFC00, s0  }
0x28: {  	v10 =	vmov s9;
	v11 =	vadd.s32 v0, v8;
	s1 =	sor.u32 s1, s6  }
0x29: {  	v10 =	vand.u32 $0x1FF, v10;
	[tilespmem:s1+$0x0] =	vst v4  }
0x2a: {  	s10 =	simm.s32 $0x5;
	v12 =	vadd.s32 v0, v10;
	v6 =	vld.idx.msk [tilespmem:v6+s16+$0x0], $0xffff  }
0x2b: {  	v13 =	vadd.s32 v2, v5;
	v7 =	vld.idx.msk [tilespmem:v7+s16+$0x0], $0xffff;
	v4 =	vmov s10  }
0x2c: {  	s12 =	simm.s32 $0x6;
	v14 =	vadd.s32 v1, v9;
	v15 =	vand.u32 $0x1FD, v4  }
0x2d: {  	s13 =	simm.s32 $0x80;
	v11 =	vld.idx.msk [tilespmem:v11+s16+$0x0], $0xffff;
	v4 =	vmov s12;
	v16 =	vadd.s32 v0, v15  }
0x2e: {  	s14 =	sand.u32 $0x180, s13;
	v17 =	vadd.s32 v1, v8;
	v4 =	vand.u32 $0x1FE, v4  }
0x2f: {  	s23 =	simm.s32 $0x7;
	s25 =	sor.u32 s14, s6;
	v12 =	vld.idx.msk [tilespmem:v12+s16+$0x0], $0xffff;
	v18 =	vadd.s32 v0, v4;
	[tilespmem:s1+$0x10] =	vst v6  }
0x30: {  	v19 =	vadd.s32 v3, v5;
	v5 =	vmov s23;
	[tilespmem:s25+$0x0] =	vst v7;
	v7 =	vld.idx.msk [tilespmem:v13+s16+$0x0], $0xffff;
	v13 =	vadd.s32 v1, v10  }
0x31: {  	v5 =	vand.u32 $0x1FF, v5;
	s0 =	simm.s32 $0xFC20;
	v14 =	vld.idx.msk [tilespmem:v14+s16+$0x0], $0xffff  }
0x32: {  	s20 =	simm.s32 $0x4;
	s9 =	sand.u32 $0x1C0, s11;
	v21 =	vadd.s32 v0, v5;
	[tilespmem:s0+$0xFFFFFFE0] =	vst v11;
	v11 =	vld.idx.msk [tilespmem:v16+s16+$0x0], $0xffff  }
0x33: {  	s24 =	simm.s32 $0x100;
	s26 =	sor.u32 s9, s6;
	v17 =	vld.idx.msk [tilespmem:v17+s16+$0x0], $0xffff;
	v20 =	vadd.s32 v1, v15;
	v6 =	vmov s20  }
0x34: {  	s30 =	simm.s32 $0x140;
	s4 =	sand.u32 $0x7E00, s24;
	[tilespmem:s26+$0x0] =	vst v12;
	v6 =	vand.u32 $0x1FC, v6;
	v12 =	vld.idx.msk [tilespmem:v18+s16+$0x0], $0xffff;
	v18 =	vadd.s32 v2, v8  }
0x35: {  	s4 =	sadd.s32 $0xFC00, s4;
	s6 =	sand.u32 $0x140, s30;
	v16 =	vadd.s32 v0, v6;
	[tilespmem:s1+$0x20] =	vst v7;
	v7 =	vld.idx.msk [tilespmem:v13+s16+$0x0], $0xffff  }
0x36: {  	s28 =	sor.u32 s6, s4;
	v13 =	vld.idx.msk [tilespmem:v19+s16+$0x0], $0xffff;
	v19 =	vadd.s32 v2, v9  }
0x37: {  	s31 =	simm.s32 $0x180;
	v21 =	vld.idx.msk [tilespmem:v21+s16+$0x0], $0xffff;
	[tilespmem:s28+$0x0] =	vst v11;
	v11 =	vadd.s32 v2, v10  }
0x38: {  	s6 =	sand.u32 $0x180, s31;
	[tilespmem:s0+$0xFFFFFFF0] =	vst v17;
	v17 =	vld.idx.msk [tilespmem:v20+s16+$0x0], $0xffff;
	v20 =	vadd.s32 v1, v4  }
0x39: {  	s9 =	simm.s32 $0x9;
	s24 =	sor.u32 s6, s4;
	[tilespmem:s25+$0x10] =	vst v14;
	v14 =	vld.idx.msk [tilespmem:v18+s16+$0x0], $0xffff;
	v18 =	vadd.s32 v2, v15  }
0x3a: {  	v23 =	vadd.s32 v3, v8;
	s10 =	simm.s32 $0xA;
	v16 =	vld.idx.msk [tilespmem:v16+s16+$0x0], $0xffff;
	[tilespmem:s24+$0x0] =	vst v12;
	v12 =	vmov s9  }
0x3b: {  	v22 =	vadd.s32 v1, v6;
	v8 =	vand.u32 $0x1FD, v12;
	v12 =	vmov s10;
	[tilespmem:s26+$0x10] =	vst v7;
	v19 =	vld.idx.msk [tilespmem:v19+s16+$0x0], $0xffff  }
0x3c: {  	v24 =	vadd.s32 v0, v8;
	v7 =	vand.u32 $0x1FE, v12;
	[tilespmem:s1+$0x30] =	vst v13;
	v11 =	vld.idx.msk [tilespmem:v11+s16+$0x0], $0xffff  }
0x3d: {  	s12 =	simm.s32 $0x1C0;
	v12 =	vadd.s32 v0, v7;
	v13 =	vld.idx.msk [tilespmem:v20+s16+$0x0], $0xffff;
	[tilespmem:s28+$0x10] =	vst v17  }
0x3e: {  	s6 =	sand.u32 $0x1C0, s12;
	s1 =	simm.s32 $0xFD20;
	[tilespmem:s0+$0x0] =	vst v14;
	v14 =	vadd.s32 v1, v5;
	v18 =	vld.idx.msk [tilespmem:v18+s16+$0x0], $0xffff  }
0x3f: {  	s13 =	simm.s32 $0x8;
	s29 =	sor.u32 s6, s4;
	v9 =	vadd.s32 v3, v9;
	[tilespmem:s1+$0xFFFFFFE0] =	vst v16;
	v20 =	vld.idx.msk [tilespmem:v23+s16+$0x0], $0xffff  }
0x40: {  	[tilespmem:s29+$0x0] =	vst v21;
	v17 =	vadd.s32 v3, v10;
	v10 =	vmov s13;
	v16 =	vld.idx.msk [tilespmem:v22+s16+$0x0], $0xffff  }
0x41: {  	v10 =	vand.u32 $0x1FC, v10;
	v23 =	vld.idx.msk [tilespmem:v24+s16+$0x0], $0xffff;
	v22 =	vadd.s32 v3, v15;
	[tilespmem:s25+$0x20] =	vst v19  }
0x42: {  	v63 =	vadd.s32 v0, v10;
	v25 =	vld.idx.msk [tilespmem:v12+s16+$0x0], $0xffff;
	[tilespmem:s26+$0x20] =	vst v11  }
0x43: {  	s14 =	simm.s32 $0x200;
	s20 =	simm.s32 $0xB;
	v26 =	vadd.s32 v1, v8;
	[tilespmem:s24+$0x10] =	vst v13;
	v14 =	vld.idx.msk [tilespmem:v14+s16+$0x0], $0xffff  }
0x44: {  	s23 =	simm.s32 $0x240;
	s4 =	sand.u32 $0x7E00, s14;
	v15 =	vld.idx.msk [tilespmem:v9+s16+$0x0], $0xffff;
	v9 =	vmov s20;
	[tilespmem:s28+$0x20] =	vst v18  }
0x45: {  	s30 =	sand.u32 $0x140, s23;
	s31 =	simm.s32 $0x280;
	v21 =	vadd.s32 v2, v6;
	s13 =	sadd.s32 $0xFC00, s4;
	v12 =	vld.idx.msk [tilespmem:v17+s16+$0x0], $0xffff;
	[tilespmem:s0+$0x10] =	vst v20;
	v9 =	vand.u32 $0x1FF, v9  }
0x46: {  	s4 =	sand.u32 $0x180, s31;
	s6 =	sor.u32 s30, s13;
	[tilespmem:s1+$0xFFFFFFF0] =	vst v16;
	v13 =	vld.idx.msk [tilespmem:v22+s16+$0x0], $0xffff;
	v22 =	vadd.s32 v0, v9  }
0x47: {  	s14 =	sor.u32 s4, s13;
	v11 =	vadd.s32 v1, v10;
	v19 =	vadd.s32 v2, v4;
	v17 =	vld.idx.msk [tilespmem:v63+s16+$0x0], $0xffff;
	[tilespmem:s6+$0x0] =	vst v23  }
0x48: {  	s9 =	simm.s32 $0xC;
	s20 =	simm.s32 $0x2C0;
	v18 =	vadd.s32 v2, v5;
	v20 =	vadd.s32 v1, v7;
	s0 =	simm.s32 $0xFD20;
	v16 =	vld.idx.msk [tilespmem:v26+s16+$0x0], $0xffff;
	[tilespmem:s14+$0x0] =	vst v25  }
.LBB2_2:
0x49: {  	s10 =	sadd.s32 $0x1, s9;
	s30 =	sadd.s32 $0x3, s9;
	s31 =	smov.u32 s9  }
0x4a: {  	v21 =	vld.idx.msk [tilespmem:v21+s16+$0x0], $0xffff;
	v23 =	vadd.s32 v3, v6;
	[tilespmem:s25+$0x30] =	vst v15;
	v6 =	vmov v10;
	s4 =	sadd.s32 $0x4, s9;
	s25 =	smov.u32 s24;
	s24 =	smov.u32 s14  }
0x4b: {  	p0 =	slt.u32 s9, $0x12C;
	v24 =	vadd.s32 v2, v8;
	v10 =	vmov s10;
	s10 =	sadd.s32 $0x2, s31;
	v15 =	vmov s30;
	v22 =	vld.idx.msk [tilespmem:v22+s16+$0x0], $0xffff;
	[tilespmem:s26+$0x30] =	vst v12;
	s26 =	smov.u32 s29  }
0x4c: {  	v12 =	vand.u32 $0x1FD, v10;
	v10 =	vmov s10;
	v15 =	vand.u32 $0x1FF, v15;
	v19 =	vld.idx.msk [tilespmem:v19+s16+$0x0], $0xffff;
	[tilespmem:s26+$0x10] =	vst v14  }
0x4d: {  	s1 =	sadd.s32 $0x100, s1;
	v14 =	vadd.s32 v0, v12;
	v10 =	vand.u32 $0x1FE, v10;
	[tilespmem:s28+$0x30] =	vst v13;
	v13 =	vld.idx.msk [tilespmem:v18+s16+$0x0], $0xffff;
	s28 =	smov.u32 s6  }
0x4e: {  	v18 =	vadd.s32 v0, v10;
	[tilespmem:s1+$0xFFFFFFE0] =	vst v17;
	v17 =	vld.idx.msk [tilespmem:v20+s16+$0x0], $0xffff  }
0x4f: {  	v25 =	vadd.s32 v3, v5;
	v5 =	vmov v9;
	s6 =	sand.u32 $0x1C0, s20;
	v20 =	vld.idx.msk [tilespmem:v11+s16+$0x0], $0xffff;
	[tilespmem:s28+$0x10] =	vst v16;
	v16 =	vadd.s32 v3, v4  }
0x50: {  	v9 =	vmov v15;
	s29 =	sor.u32 s6, s13;
	v4 =	vmov v7;
	v7 =	vmov v10;
	v24 =	vld.idx.msk [tilespmem:v24+s16+$0x0], $0xffff;
	[tilespmem:s0+$0x0] =	vst v21  }
0x51: {  	v26 =	vadd.s32 v1, v5;
	v10 =	vmov s31;
	[tilespmem:s29+$0x0] =	vst v22;
	v23 =	vld.idx.msk [tilespmem:v23+s16+$0x0], $0xffff  }
0x52: {  	v28 =	vadd.s32 v3, v8;
	v8 =	vmov v12;
	v10 =	vand.u32 $0x1FC, v10;
	v27 =	vld.idx.msk [tilespmem:v14+s16+$0x0], $0xffff;
	[tilespmem:s25+$0x20] =	vst v19  }
0x53: {  	s20 =	sadd.s32 $0x100, s20;
	v29 =	vadd.s32 v0, v10;
	v11 =	vadd.s32 v1, v10;
	v30 =	vld.idx.msk [tilespmem:v18+s16+$0x0], $0xffff;
	[tilespmem:s26+$0x20] =	vst v13  }
0x54: {  	s6 =	sadd.s32 $0xFFFFFF40, s20;
	v31 =	vadd.s32 v1, v8;
	[tilespmem:s24+$0x10] =	vst v17;
	v15 =	vld.idx.msk [tilespmem:v16+s16+$0x0], $0xffff  }
.Ltmp0:
0x55: {  	s9 =	sadd.s32 $0xFFFFFF80, s20;
	s6 =	sand.u32 $0x7E00, s6;
	v21 =	vadd.s32 v2, v6;
	[tilespmem:s1+$0xFFFFFFF0] =	vst v20;
	v12 =	vld.idx.msk [tilespmem:v25+s16+$0x0], $0xffff;
	(pc) =	sbr.rel @p0 .LBB2_2-.Ltmp0, $4  }
0x56: {  	s10 =	sadd.s32 $0xFFFFFFC0, s20;
	s9 =	sand.u32 $0x140, s9;
	s13 =	sadd.s32 $0xFC00, s6;
	v22 =	vadd.s32 v0, v9;
	[tilespmem:s28+$0x20] =	vst v24;
	v14 =	vld.idx.msk [tilespmem:v26+s16+$0x0], $0xffff  }
0x57: {  	s6 =	sor.u32 s9, s13;
	s9 =	sand.u32 $0x180, s10;
	v19 =	vadd.s32 v2, v4;
	v13 =	vld.idx.msk [tilespmem:v28+s16+$0x0], $0xffff;
	[tilespmem:s0+$0x10] =	vst v23;
	s0 =	smov.u32 s1  }
0x58: {  	s14 =	sor.u32 s9, s13;
	v18 =	vadd.s32 v2, v5;
	v17 =	vld.idx.msk [tilespmem:v29+s16+$0x0], $0xffff;
	[tilespmem:s6+$0x0] =	vst v27  }
0x59: {  	s9 =	smov.u32 s4;
	v20 =	vadd.s32 v1, v7;
	v16 =	vld.idx.msk [tilespmem:v31+s16+$0x0], $0xffff;
	[tilespmem:s14+$0x0] =	vst v30  }
0x5a: {  	_ =	sdelay $0x3  }
0x5b: {  	[tilespmem:s25+$0x30] =	vst v15;
	v50 =	vld.idx.msk [tilespmem:v22+s16+$0x0], $0xffff  }
0x5c: {  	[tilespmem:s26+$0x30] =	vst v12;
	v51 =	vadd.s32 v1, v9  }
0x5d: {  	v21 =	vld.idx.msk [tilespmem:v21+s16+$0x0], $0xffff;
	[tilespmem:s29+$0x10] =	vst v14  }
0x5e: {  	s1 =	sadd.s32 $0x100, s1;
	v52 =	vadd.s32 v2, v8;
	v19 =	vld.idx.msk [tilespmem:v19+s16+$0x0], $0xffff;
	s4 =	sand.u32 $0x1C0, s20;
	[tilespmem:s28+$0x30] =	vst v13  }
0x5f: {  	v6 =	vadd.s32 v3, v6;
	v53 =	vld.idx.msk [tilespmem:v20+s16+$0x0], $0xffff;
	s4 =	sor.u32 s4, s13;
	[tilespmem:s1+$0xFFFFFFE0] =	vst v17  }
0x60: {  	v55 =	vadd.s32 v2, v7;
	v11 =	vld.idx.msk [tilespmem:v11+s16+$0x0], $0xffff;
	[tilespmem:s4+$0x0] =	vst v50  }
0x61: {  	v54 =	vadd.s32 v2, v10;
	[tilespmem:s6+$0x10] =	vst v16;
	v12 =	vld.idx.msk [tilespmem:v51+s16+$0x0], $0xffff  }
0x62: {  	v57 =	vadd.s32 v2, v9;
	v56 =	vld.idx.msk [tilespmem:v18+s16+$0x0], $0xffff;
	[tilespmem:s0+$0x0] =	vst v21  }
0x63: {  	v4 =	vadd.s32 v3, v4;
	v14 =	vld.idx.msk [tilespmem:v52+s16+$0x0], $0xffff;
	[tilespmem:s24+$0x20] =	vst v19  }
0x64: {  	v5 =	vadd.s32 v3, v5;
	[tilespmem:s14+$0x10] =	vst v53;
	v6 =	vld.idx.msk [tilespmem:v6+s16+$0x0], $0xffff  }
0x65: {  	v58 =	vadd.s32 v3, v8;
	v13 =	vld.idx.msk [tilespmem:v55+s16+$0x0], $0xffff;
	[tilespmem:s1+$0xFFFFFFF0] =	vst v11  }
0x66: {  	v60 =	vadd.s32 v3, v7;
	v11 =	vld.idx.msk [tilespmem:v54+s16+$0x0], $0xffff;
	[tilespmem:s4+$0x10] =	vst v12  }
0x67: {  	v59 =	vadd.s32 v3, v10;
	[tilespmem:s29+$0x20] =	vst v56;
	v12 =	vld.idx.msk [tilespmem:v57+s16+$0x0], $0xffff  }
0x68: {  	v61 =	vadd.s32 v3, v9;
	v4 =	vld.idx.msk [tilespmem:v4+s16+$0x0], $0xffff;
	[tilespmem:s6+$0x20] =	vst v14  }
0x69: {  	v5 =	vld.idx.msk [tilespmem:v5+s16+$0x0], $0xffff;
	[tilespmem:s0+$0x10] =	vst v6  }
0x6a: {  	v62 =	vld.idx.msk [tilespmem:v58+s16+$0x0], $0xffff;
	[tilespmem:s14+$0x20] =	vst v13  }
0x6b: {  	v7 =	vld.idx.msk [tilespmem:v60+s16+$0x0], $0xffff;
	[tilespmem:s1+$0x0] =	vst v11  }
0x6c: {  	v63 =	vld.idx.msk [tilespmem:v59+s16+$0x0], $0xffff;
	[tilespmem:s4+$0x20] =	vst v12  }
0x6d: {  	[tilespmem:s24+$0x30] =	vst v4;
	v4 =	vld.idx.msk [tilespmem:v61+s16+$0x0], $0xffff  }
0x6e: {  	[tilespmem:s29+$0x30] =	vst v5  }
0x6f: {  	[tilespmem:s6+$0x30] =	vst v62  }
0x70: {  	[tilespmem:s14+$0x30] =	vst v7  }
0x71: {  	[tilespmem:s1+$0x10] =	vst v63  }
0x72: {  	[tilespmem:s4+$0x30] =	vst v4  }
0x73: {  	s31 =	simm.s32 $0xFC00;
	s0 =	simm.s32 $0x800;
	s1 =	rddreg [dreg:$0x4]  }
0x74: {  	[hbm4b:s1+s15] =	stream.strided.scatter [tilespmem:s31], [sflag:$0x3], $0x200, s18, s15, $0x38;
	[tilespmem:$0x19400] =	vst v63  }
.LBB2_4:
0x75: {  	p0 =	sne.s32 s0, $0x12800  }
.Ltmp1:
0x76: {  	_ = 	snop;
	(pc) =	sbr.rel @p0 .LBB2_4-.Ltmp1, $4  }
0x77: {  	_ = 	snop  }
0x78: {  	s4 =	sshra.s32 s0, $0x2;
	s0 =	sadd.s32 $0x800, s0  }
0x79: {  	s1 =	sadd.s32 $0x4000, s1;
	s4 =	sadd.s32 $0xFC00, s4  }
0x7a: {  	[hbm4b:s1+s15] =	stream.strided.scatter [tilespmem:s4], [sflag:$0x3], $0x200, s18, s15, $0x38;
	[tilespmem:$0x19400] =	vst v63  }
0x7b: {  	s0 =	simm.s32 $0x1  }
0x7c: {  	v4 =	vmov s0  }
0x7d: {  	v5 =	vand.u32 $0x1FD, v4  }
0x7e: {  	v4 =	vadd.s32 v0, v5  }
0x7f: {  	[tilespmem:s16], [sflag:$0x1] =	stream.indirect.gather [hbm4b:s5+s15], $0x130, s18, s15, $0xb8;
	[tilespmem:$0x19400] =	vst v63  }
0x80: {  	_ =	swait.ge [sflag:s19], $0x4C00  }
0x81: {  	[sflag:s19] =	ssyncset.done $0x0  }
0x82: {  	s1 =	simm.s32 $0x2;
	[sflag:s19] =	ssyncadd.s32 $0xFFFFB400  }
0x83: {  	v6 =	vmov s1;
	v4 =	vld.idx.msk [tilespmem:v4+s17+$0x0], $0xffff  }
0x84: {  	s4 =	simm.s32 $0x0;
	s1 =	simm.s32 $0x0;
	v9 =	vand.u32 $0x1FE, v6;
	v6 =	vadd.s32 v1, v5  }
0x85: {  	s9 =	simm.s32 $0x40;
	v8 =	vmov s4;
	s6 =	sand.u32 $0x7E00, s1;
	v7 =	vadd.s32 v0, v9  }
0x86: {  	s4 =	simm.s32 $0x3;
	v8 =	vand.u32 $0x1FC, v8;
	s1 =	sand.u32 $0x140, s9;
	s6 =	sadd.s32 $0x14800, s6  }
0x87: {  	v10 =	vmov s4;
	v11 =	vadd.s32 v0, v8;
	s1 =	sor.u32 s1, s6  }
0x88: {  	v10 =	vand.u32 $0x1FF, v10;
	[tilespmem:s1+$0x0] =	vst v4  }
0x89: {  	s10 =	simm.s32 $0x5;
	v12 =	vadd.s32 v0, v10;
	v6 =	vld.idx.msk [tilespmem:v6+s17+$0x0], $0xffff  }
0x8a: {  	v13 =	vadd.s32 v2, v5;
	v7 =	vld.idx.msk [tilespmem:v7+s17+$0x0], $0xffff;
	v4 =	vmov s10  }
0x8b: {  	s12 =	simm.s32 $0x6;
	v14 =	vadd.s32 v1, v9;
	v15 =	vand.u32 $0x1FD, v4  }
0x8c: {  	s13 =	simm.s32 $0x80;
	v11 =	vld.idx.msk [tilespmem:v11+s17+$0x0], $0xffff;
	v4 =	vmov s12;
	v16 =	vadd.s32 v0, v15  }
0x8d: {  	s14 =	sand.u32 $0x180, s13;
	v17 =	vadd.s32 v1, v8;
	v4 =	vand.u32 $0x1FE, v4  }
0x8e: {  	s9 =	simm.s32 $0x7;
	s25 =	sor.u32 s14, s6;
	v12 =	vld.idx.msk [tilespmem:v12+s17+$0x0], $0xffff;
	v18 =	vadd.s32 v0, v4;
	[tilespmem:s1+$0x10] =	vst v6  }
0x8f: {  	v19 =	vadd.s32 v3, v5;
	v5 =	vmov s9;
	[tilespmem:s25+$0x0] =	vst v7;
	v7 =	vld.idx.msk [tilespmem:v13+s17+$0x0], $0xffff;
	v13 =	vadd.s32 v1, v10  }
0x90: {  	s23 =	simm.s32 $0xC0;
	s0 =	simm.s32 $0x14820;
	v5 =	vand.u32 $0x1FF, v5;
	v14 =	vld.idx.msk [tilespmem:v14+s17+$0x0], $0xffff  }
0x91: {  	s20 =	simm.s32 $0x4;
	s4 =	sand.u32 $0x1C0, s23;
	v21 =	vadd.s32 v0, v5;
	[tilespmem:s0+$0xFFFFFFE0] =	vst v11;
	v11 =	vld.idx.msk [tilespmem:v16+s17+$0x0], $0xffff  }
0x92: {  	s24 =	simm.s32 $0x100;
	s26 =	sor.u32 s4, s6;
	v17 =	vld.idx.msk [tilespmem:v17+s17+$0x0], $0xffff;
	v20 =	vadd.s32 v1, v15;
	v6 =	vmov s20  }
0x93: {  	s30 =	simm.s32 $0x140;
	s4 =	sand.u32 $0x7E00, s24;
	[tilespmem:s26+$0x0] =	vst v12;
	v6 =	vand.u32 $0x1FC, v6;
	v12 =	vld.idx.msk [tilespmem:v18+s17+$0x0], $0xffff;
	v18 =	vadd.s32 v2, v8  }
0x94: {  	s6 =	sand.u32 $0x140, s30;
	s4 =	sadd.s32 $0x14800, s4;
	v16 =	vadd.s32 v0, v6;
	[tilespmem:s1+$0x20] =	vst v7;
	v7 =	vld.idx.msk [tilespmem:v13+s17+$0x0], $0xffff  }
0x95: {  	s28 =	sor.u32 s6, s4;
	v13 =	vld.idx.msk [tilespmem:v19+s17+$0x0], $0xffff;
	v19 =	vadd.s32 v2, v9  }
0x96: {  	s31 =	simm.s32 $0x180;
	v21 =	vld.idx.msk [tilespmem:v21+s17+$0x0], $0xffff;
	[tilespmem:s28+$0x0] =	vst v11;
	v11 =	vadd.s32 v2, v10  }
0x97: {  	s6 =	sand.u32 $0x180, s31;
	[tilespmem:s0+$0xFFFFFFF0] =	vst v17;
	v17 =	vld.idx.msk [tilespmem:v20+s17+$0x0], $0xffff;
	v20 =	vadd.s32 v1, v4  }
0x98: {  	s9 =	simm.s32 $0x9;
	s24 =	sor.u32 s6, s4;
	[tilespmem:s25+$0x10] =	vst v14;
	v14 =	vld.idx.msk [tilespmem:v18+s17+$0x0], $0xffff;
	v18 =	vadd.s32 v2, v15  }
0x99: {  	v23 =	vadd.s32 v3, v8;
	s10 =	simm.s32 $0xA;
	v16 =	vld.idx.msk [tilespmem:v16+s17+$0x0], $0xffff;
	[tilespmem:s24+$0x0] =	vst v12;
	v12 =	vmov s9  }
0x9a: {  	v22 =	vadd.s32 v1, v6;
	v8 =	vand.u32 $0x1FD, v12;
	v12 =	vmov s10;
	[tilespmem:s26+$0x10] =	vst v7;
	v19 =	vld.idx.msk [tilespmem:v19+s17+$0x0], $0xffff  }
0x9b: {  	v24 =	vadd.s32 v0, v8;
	v7 =	vand.u32 $0x1FE, v12;
	[tilespmem:s1+$0x30] =	vst v13;
	v11 =	vld.idx.msk [tilespmem:v11+s17+$0x0], $0xffff  }
0x9c: {  	s12 =	simm.s32 $0x1C0;
	v12 =	vadd.s32 v0, v7;
	v13 =	vld.idx.msk [tilespmem:v20+s17+$0x0], $0xffff;
	[tilespmem:s28+$0x10] =	vst v17  }
0x9d: {  	s6 =	sand.u32 $0x1C0, s12;
	s1 =	simm.s32 $0x14920;
	[tilespmem:s0+$0x0] =	vst v14;
	v14 =	vadd.s32 v1, v5;
	v18 =	vld.idx.msk [tilespmem:v18+s17+$0x0], $0xffff  }
0x9e: {  	s13 =	simm.s32 $0x8;
	s29 =	sor.u32 s6, s4;
	v9 =	vadd.s32 v3, v9;
	[tilespmem:s1+$0xFFFFFFE0] =	vst v16;
	v20 =	vld.idx.msk [tilespmem:v23+s17+$0x0], $0xffff  }
0x9f: {  	[tilespmem:s29+$0x0] =	vst v21;
	v17 =	vadd.s32 v3, v10;
	v10 =	vmov s13;
	v16 =	vld.idx.msk [tilespmem:v22+s17+$0x0], $0xffff  }
0xa0: {  	v10 =	vand.u32 $0x1FC, v10;
	v23 =	vld.idx.msk [tilespmem:v24+s17+$0x0], $0xffff;
	v22 =	vadd.s32 v3, v15;
	[tilespmem:s25+$0x20] =	vst v19  }
0xa1: {  	v63 =	vadd.s32 v0, v10;
	v25 =	vld.idx.msk [tilespmem:v12+s17+$0x0], $0xffff;
	[tilespmem:s26+$0x20] =	vst v11  }
0xa2: {  	s14 =	simm.s32 $0x200;
	s20 =	simm.s32 $0xB;
	v26 =	vadd.s32 v1, v8;
	[tilespmem:s24+$0x10] =	vst v13;
	v14 =	vld.idx.msk [tilespmem:v14+s17+$0x0], $0xffff  }
0xa3: {  	s23 =	simm.s32 $0x240;
	s4 =	sand.u32 $0x7E00, s14;
	v15 =	vld.idx.msk [tilespmem:v9+s17+$0x0], $0xffff;
	v9 =	vmov s20;
	[tilespmem:s28+$0x20] =	vst v18  }
0xa4: {  	s30 =	sand.u32 $0x140, s23;
	s31 =	simm.s32 $0x280;
	v21 =	vadd.s32 v2, v6;
	s13 =	sadd.s32 $0x14800, s4;
	v12 =	vld.idx.msk [tilespmem:v17+s17+$0x0], $0xffff;
	[tilespmem:s0+$0x10] =	vst v20;
	v9 =	vand.u32 $0x1FF, v9  }
0xa5: {  	s4 =	sand.u32 $0x180, s31;
	s6 =	sor.u32 s30, s13;
	[tilespmem:s1+$0xFFFFFFF0] =	vst v16;
	v13 =	vld.idx.msk [tilespmem:v22+s17+$0x0], $0xffff;
	v22 =	vadd.s32 v0, v9  }
0xa6: {  	s14 =	sor.u32 s4, s13;
	v11 =	vadd.s32 v1, v10;
	v19 =	vadd.s32 v2, v4;
	v17 =	vld.idx.msk [tilespmem:v63+s17+$0x0], $0xffff;
	[tilespmem:s6+$0x0] =	vst v23  }
0xa7: {  	s9 =	simm.s32 $0xC;
	s20 =	simm.s32 $0x2C0;
	v18 =	vadd.s32 v2, v5;
	v20 =	vadd.s32 v1, v7;
	s0 =	simm.s32 $0x14920;
	v16 =	vld.idx.msk [tilespmem:v26+s17+$0x0], $0xffff;
	[tilespmem:s14+$0x0] =	vst v25  }
.LBB2_6:
0xa8: {  	s10 =	sadd.s32 $0x1, s9;
	s30 =	sadd.s32 $0x3, s9;
	s31 =	smov.u32 s9  }
0xa9: {  	v21 =	vld.idx.msk [tilespmem:v21+s17+$0x0], $0xffff;
	v23 =	vadd.s32 v3, v6;
	[tilespmem:s25+$0x30] =	vst v15;
	v6 =	vmov v10;
	s4 =	sadd.s32 $0x4, s9;
	s25 =	smov.u32 s24;
	s24 =	smov.u32 s14  }
0xaa: {  	p0 =	slt.u32 s9, $0x12C;
	v24 =	vadd.s32 v2, v8;
	v10 =	vmov s10;
	s10 =	sadd.s32 $0x2, s31;
	v15 =	vmov s30;
	v22 =	vld.idx.msk [tilespmem:v22+s17+$0x0], $0xffff;
	[tilespmem:s26+$0x30] =	vst v12;
	s26 =	smov.u32 s29  }
0xab: {  	v12 =	vand.u32 $0x1FD, v10;
	v10 =	vmov s10;
	v15 =	vand.u32 $0x1FF, v15;
	v19 =	vld.idx.msk [tilespmem:v19+s17+$0x0], $0xffff;
	[tilespmem:s26+$0x10] =	vst v14  }
0xac: {  	s1 =	sadd.s32 $0x100, s1;
	v14 =	vadd.s32 v0, v12;
	v10 =	vand.u32 $0x1FE, v10;
	[tilespmem:s28+$0x30] =	vst v13;
	v13 =	vld.idx.msk [tilespmem:v18+s17+$0x0], $0xffff;
	s28 =	smov.u32 s6  }
0xad: {  	v18 =	vadd.s32 v0, v10;
	[tilespmem:s1+$0xFFFFFFE0] =	vst v17;
	v17 =	vld.idx.msk [tilespmem:v20+s17+$0x0], $0xffff  }
0xae: {  	v25 =	vadd.s32 v3, v5;
	v5 =	vmov v9;
	s6 =	sand.u32 $0x1C0, s20;
	v20 =	vld.idx.msk [tilespmem:v11+s17+$0x0], $0xffff;
	[tilespmem:s28+$0x10] =	vst v16;
	v16 =	vadd.s32 v3, v4  }
0xaf: {  	v9 =	vmov v15;
	s29 =	sor.u32 s6, s13;
	v4 =	vmov v7;
	v7 =	vmov v10;
	v24 =	vld.idx.msk [tilespmem:v24+s17+$0x0], $0xffff;
	[tilespmem:s0+$0x0] =	vst v21  }
0xb0: {  	v26 =	vadd.s32 v1, v5;
	v10 =	vmov s31;
	[tilespmem:s29+$0x0] =	vst v22;
	v23 =	vld.idx.msk [tilespmem:v23+s17+$0x0], $0xffff  }
0xb1: {  	v28 =	vadd.s32 v3, v8;
	v8 =	vmov v12;
	v10 =	vand.u32 $0x1FC, v10;
	v27 =	vld.idx.msk [tilespmem:v14+s17+$0x0], $0xffff;
	[tilespmem:s25+$0x20] =	vst v19  }
0xb2: {  	s20 =	sadd.s32 $0x100, s20;
	v29 =	vadd.s32 v0, v10;
	v11 =	vadd.s32 v1, v10;
	v30 =	vld.idx.msk [tilespmem:v18+s17+$0x0], $0xffff;
	[tilespmem:s26+$0x20] =	vst v13  }
0xb3: {  	s6 =	sadd.s32 $0xFFFFFF40, s20;
	v31 =	vadd.s32 v1, v8;
	[tilespmem:s24+$0x10] =	vst v17;
	v15 =	vld.idx.msk [tilespmem:v16+s17+$0x0], $0xffff  }
.Ltmp2:
0xb4: {  	s9 =	sadd.s32 $0xFFFFFF80, s20;
	s6 =	sand.u32 $0x7E00, s6;
	v21 =	vadd.s32 v2, v6;
	[tilespmem:s1+$0xFFFFFFF0] =	vst v20;
	v12 =	vld.idx.msk [tilespmem:v25+s17+$0x0], $0xffff;
	(pc) =	sbr.rel @p0 .LBB2_6-.Ltmp2, $4  }
0xb5: {  	s10 =	sadd.s32 $0xFFFFFFC0, s20;
	s9 =	sand.u32 $0x140, s9;
	s13 =	sadd.s32 $0x14800, s6;
	v22 =	vadd.s32 v0, v9;
	[tilespmem:s28+$0x20] =	vst v24;
	v14 =	vld.idx.msk [tilespmem:v26+s17+$0x0], $0xffff  }
0xb6: {  	s6 =	sor.u32 s9, s13;
	s9 =	sand.u32 $0x180, s10;
	v19 =	vadd.s32 v2, v4;
	v13 =	vld.idx.msk [tilespmem:v28+s17+$0x0], $0xffff;
	[tilespmem:s0+$0x10] =	vst v23;
	s0 =	smov.u32 s1  }
0xb7: {  	s14 =	sor.u32 s9, s13;
	v18 =	vadd.s32 v2, v5;
	v17 =	vld.idx.msk [tilespmem:v29+s17+$0x0], $0xffff;
	[tilespmem:s6+$0x0] =	vst v27  }
0xb8: {  	s9 =	smov.u32 s4;
	v20 =	vadd.s32 v1, v7;
	v16 =	vld.idx.msk [tilespmem:v31+s17+$0x0], $0xffff;
	[tilespmem:s14+$0x0] =	vst v30  }
0xb9: {  	_ =	sdelay $0x3  }
0xba: {  	[tilespmem:s25+$0x30] =	vst v15;
	v50 =	vld.idx.msk [tilespmem:v22+s17+$0x0], $0xffff  }
0xbb: {  	[tilespmem:s26+$0x30] =	vst v12;
	v51 =	vadd.s32 v1, v9  }
0xbc: {  	v21 =	vld.idx.msk [tilespmem:v21+s17+$0x0], $0xffff;
	[tilespmem:s29+$0x10] =	vst v14  }
0xbd: {  	s1 =	sadd.s32 $0x100, s1;
	v52 =	vadd.s32 v2, v8;
	v19 =	vld.idx.msk [tilespmem:v19+s17+$0x0], $0xffff;
	s4 =	sand.u32 $0x1C0, s20;
	[tilespmem:s28+$0x30] =	vst v13  }
0xbe: {  	v6 =	vadd.s32 v3, v6;
	v53 =	vld.idx.msk [tilespmem:v20+s17+$0x0], $0xffff;
	s4 =	sor.u32 s4, s13;
	[tilespmem:s1+$0xFFFFFFE0] =	vst v17  }
0xbf: {  	v55 =	vadd.s32 v2, v7;
	v11 =	vld.idx.msk [tilespmem:v11+s17+$0x0], $0xffff;
	[tilespmem:s4+$0x0] =	vst v50  }
0xc0: {  	v54 =	vadd.s32 v2, v10;
	[tilespmem:s6+$0x10] =	vst v16;
	v12 =	vld.idx.msk [tilespmem:v51+s17+$0x0], $0xffff  }
0xc1: {  	v57 =	vadd.s32 v2, v9;
	v56 =	vld.idx.msk [tilespmem:v18+s17+$0x0], $0xffff;
	[tilespmem:s0+$0x0] =	vst v21  }
0xc2: {  	v4 =	vadd.s32 v3, v4;
	v14 =	vld.idx.msk [tilespmem:v52+s17+$0x0], $0xffff;
	[tilespmem:s24+$0x20] =	vst v19  }
0xc3: {  	v5 =	vadd.s32 v3, v5;
	[tilespmem:s14+$0x10] =	vst v53;
	v6 =	vld.idx.msk [tilespmem:v6+s17+$0x0], $0xffff  }
0xc4: {  	v58 =	vadd.s32 v3, v8;
	v13 =	vld.idx.msk [tilespmem:v55+s17+$0x0], $0xffff;
	[tilespmem:s1+$0xFFFFFFF0] =	vst v11  }
0xc5: {  	v60 =	vadd.s32 v3, v7;
	v11 =	vld.idx.msk [tilespmem:v54+s17+$0x0], $0xffff;
	[tilespmem:s4+$0x10] =	vst v12  }
0xc6: {  	v59 =	vadd.s32 v3, v10;
	[tilespmem:s29+$0x20] =	vst v56;
	v12 =	vld.idx.msk [tilespmem:v57+s17+$0x0], $0xffff  }
0xc7: {  	v61 =	vadd.s32 v3, v9;
	v4 =	vld.idx.msk [tilespmem:v4+s17+$0x0], $0xffff;
	[tilespmem:s6+$0x20] =	vst v14  }
0xc8: {  	v5 =	vld.idx.msk [tilespmem:v5+s17+$0x0], $0xffff;
	[tilespmem:s0+$0x10] =	vst v6  }
0xc9: {  	v62 =	vld.idx.msk [tilespmem:v58+s17+$0x0], $0xffff;
	[tilespmem:s14+$0x20] =	vst v13  }
0xca: {  	v7 =	vld.idx.msk [tilespmem:v60+s17+$0x0], $0xffff;
	[tilespmem:s1+$0x0] =	vst v11  }
0xcb: {  	v63 =	vld.idx.msk [tilespmem:v59+s17+$0x0], $0xffff;
	[tilespmem:s4+$0x20] =	vst v12  }
0xcc: {  	[tilespmem:s24+$0x30] =	vst v4;
	v4 =	vld.idx.msk [tilespmem:v61+s17+$0x0], $0xffff  }
0xcd: {  	[tilespmem:s29+$0x30] =	vst v5  }
0xce: {  	[tilespmem:s6+$0x30] =	vst v62  }
0xcf: {  	[tilespmem:s14+$0x30] =	vst v7  }
0xd0: {  	[tilespmem:s1+$0x10] =	vst v63  }
0xd1: {  	[tilespmem:s4+$0x30] =	vst v4  }
0xd2: {  	s31 =	simm.s32 $0x14800;
	s0 =	simm.s32 $0x800;
	s1 =	rddreg [dreg:$0x5]  }
0xd3: {  	[hbm4b:s1+s15] =	stream.strided.scatter [tilespmem:s31], [sflag:$0x4], $0x200, s18, s15, $0x38;
	[tilespmem:$0x19400] =	vst v63  }
.LBB2_8:
0xd4: {  	p0 =	sne.s32 s0, $0x12800  }
.Ltmp3:
0xd5: {  	_ = 	snop;
	(pc) =	sbr.rel @p0 .LBB2_8-.Ltmp3, $4  }
0xd6: {  	_ = 	snop  }
0xd7: {  	s4 =	sshra.s32 s0, $0x2;
	s0 =	sadd.s32 $0x800, s0  }
0xd8: {  	s1 =	sadd.s32 $0x4000, s1;
	s4 =	sadd.s32 $0x14800, s4  }
0xd9: {  	[hbm4b:s1+s15] =	stream.strided.scatter [tilespmem:s4], [sflag:$0x4], $0x200, s18, s15, $0x38;
	[tilespmem:$0x19400] =	vst v63  }
0xda: {  	[tilespmem:s17], [sflag:$0x2] =	stream.indirect.gather [hbm4b:s5+s15], $0x130, s11, s15, $0xb8;
	[tilespmem:$0x19400] =	vst v63  }
0xdb: {  	s24 =	simm.s32 $0x1  }
.LBB2_10:
0xdc: {  	s0 =	simm.s32 $0x1  }
0xdd: {  	v4 =	vmov s0  }
0xde: {  	_ =	swait.ge [sflag:s7], $0x4C00;
	v5 =	vand.u32 $0x1FD, v4  }
0xdf: {  	[sflag:s7] =	ssyncset.done $0x0;
	v4 =	vadd.s32 v0, v5  }
0xe0: {  	[sflag:s7] =	ssyncadd.s32 $0xFFFFB400  }
0xe1: {  	_ =	swait.ge [sflag:s21], $0x4C00  }
0xe2: {  	[sflag:s21] =	ssyncset.done $0x0  }
0xe3: {  	s23 =	simm.s32 $0x2;
	[sflag:s21] =	ssyncadd.s32 $0xFFFFB400  }
0xe4: {  	v6 =	vmov s23;
	v4 =	vld.idx.msk [tilespmem:v4+s16+$0x0], $0xffff  }
0xe5: {  	s25 =	simm.s32 $0x0;
	s1 =	simm.s32 $0x0;
	v9 =	vand.u32 $0x1FE, v6;
	v6 =	vadd.s32 v1, v5  }
0xe6: {  	s6 =	simm.s32 $0x40;
	v8 =	vmov s25;
	s26 =	sand.u32 $0x7E00, s1;
	v7 =	vadd.s32 v0, v9  }
0xe7: {  	s4 =	simm.s32 $0x3;
	s1 =	sand.u32 $0x140, s6;
	v8 =	vand.u32 $0x1FC, v8;
	s6 =	sadd.s32 $0xFC00, s26  }
0xe8: {  	v10 =	vmov s4;
	v11 =	vadd.s32 v0, v8;
	s1 =	sor.u32 s1, s6  }
0xe9: {  	v10 =	vand.u32 $0x1FF, v10;
	[tilespmem:s1+$0x0] =	vst v4  }
0xea: {  	s9 =	simm.s32 $0x5;
	v12 =	vadd.s32 v0, v10;
	v6 =	vld.idx.msk [tilespmem:v6+s16+$0x0], $0xffff  }
0xeb: {  	v13 =	vadd.s32 v2, v5;
	v7 =	vld.idx.msk [tilespmem:v7+s16+$0x0], $0xffff;
	v4 =	vmov s9  }
0xec: {  	s10 =	simm.s32 $0x6;
	v14 =	vadd.s32 v1, v9;
	v15 =	vand.u32 $0x1FD, v4  }
0xed: {  	s11 =	simm.s32 $0x80;
	v11 =	vld.idx.msk [tilespmem:v11+s16+$0x0], $0xffff;
	v4 =	vmov s10;
	v16 =	vadd.s32 v0, v15  }
0xee: {  	s12 =	sand.u32 $0x180, s11;
	v17 =	vadd.s32 v1, v8;
	v4 =	vand.u32 $0x1FE, v4  }
0xef: {  	s26 =	sor.u32 s12, s6;
	v12 =	vld.idx.msk [tilespmem:v12+s16+$0x0], $0xffff;
	s9 =	simm.s32 $0x7;
	v18 =	vadd.s32 v0, v4;
	[tilespmem:s1+$0x10] =	vst v6  }
0xf0: {  	v19 =	vadd.s32 v3, v5;
	[tilespmem:s26+$0x0] =	vst v7;
	v5 =	vmov s9;
	v7 =	vld.idx.msk [tilespmem:v13+s16+$0x0], $0xffff;
	v13 =	vadd.s32 v1, v10  }
0xf1: {  	s14 =	simm.s32 $0xC0;
	s0 =	simm.s32 $0xFC20;
	v14 =	vld.idx.msk [tilespmem:v14+s16+$0x0], $0xffff;
	v5 =	vand.u32 $0x1FF, v5  }
0xf2: {  	s13 =	simm.s32 $0x4;
	s4 =	sand.u32 $0x1C0, s14;
	[tilespmem:s0+$0xFFFFFFE0] =	vst v11;
	v21 =	vadd.s32 v0, v5;
	v11 =	vld.idx.msk [tilespmem:v16+s16+$0x0], $0xffff  }
0xf3: {  	s20 =	simm.s32 $0x100;
	s28 =	sor.u32 s4, s6;
	v17 =	vld.idx.msk [tilespmem:v17+s16+$0x0], $0xffff;
	v20 =	vadd.s32 v1, v15;
	v6 =	vmov s13  }
0xf4: {  	s23 =	simm.s32 $0x140;
	s4 =	sand.u32 $0x7E00, s20;
	[tilespmem:s28+$0x0] =	vst v12;
	v6 =	vand.u32 $0x1FC, v6;
	v12 =	vld.idx.msk [tilespmem:v18+s16+$0x0], $0xffff;
	v18 =	vadd.s32 v2, v8  }
0xf5: {  	s6 =	sand.u32 $0x140, s23;
	s4 =	sadd.s32 $0xFC00, s4;
	v16 =	vadd.s32 v0, v6;
	[tilespmem:s1+$0x20] =	vst v7;
	v7 =	vld.idx.msk [tilespmem:v13+s16+$0x0], $0xffff  }
0xf6: {  	s29 =	sor.u32 s6, s4;
	v13 =	vld.idx.msk [tilespmem:v19+s16+$0x0], $0xffff;
	v19 =	vadd.s32 v2, v9  }
0xf7: {  	s25 =	simm.s32 $0x180;
	v21 =	vld.idx.msk [tilespmem:v21+s16+$0x0], $0xffff;
	[tilespmem:s29+$0x0] =	vst v11;
	v11 =	vadd.s32 v2, v10  }
0xf8: {  	s6 =	sand.u32 $0x180, s25;
	[tilespmem:s0+$0xFFFFFFF0] =	vst v17;
	v17 =	vld.idx.msk [tilespmem:v20+s16+$0x0], $0xffff;
	v20 =	vadd.s32 v1, v4  }
0xf9: {  	s25 =	sor.u32 s6, s4;
	s9 =	simm.s32 $0x9;
	[tilespmem:s26+$0x10] =	vst v14;
	v14 =	vld.idx.msk [tilespmem:v18+s16+$0x0], $0xffff;
	v18 =	vadd.s32 v2, v15  }
0xfa: {  	v23 =	vadd.s32 v3, v8;
	s10 =	simm.s32 $0xA;
	v16 =	vld.idx.msk [tilespmem:v16+s16+$0x0], $0xffff;
	[tilespmem:s25+$0x0] =	vst v12;
	v12 =	vmov s9  }
0xfb: {  	v22 =	vadd.s32 v1, v6;
	v8 =	vand.u32 $0x1FD, v12;
	v12 =	vmov s10;
	[tilespmem:s28+$0x10] =	vst v7;
	v19 =	vld.idx.msk [tilespmem:v19+s16+$0x0], $0xffff  }
0xfc: {  	v24 =	vadd.s32 v0, v8;
	v7 =	vand.u32 $0x1FE, v12;
	[tilespmem:s1+$0x30] =	vst v13;
	v11 =	vld.idx.msk [tilespmem:v11+s16+$0x0], $0xffff  }
0xfd: {  	s11 =	simm.s32 $0x1C0;
	v12 =	vadd.s32 v0, v7;
	v13 =	vld.idx.msk [tilespmem:v20+s16+$0x0], $0xffff;
	[tilespmem:s29+$0x10] =	vst v17  }
0xfe: {  	s6 =	sand.u32 $0x1C0, s11;
	s1 =	simm.s32 $0xFD20;
	[tilespmem:s0+$0x0] =	vst v14;
	v14 =	vadd.s32 v1, v5;
	v18 =	vld.idx.msk [tilespmem:v18+s16+$0x0], $0xffff  }
0xff: {  	s12 =	simm.s32 $0x8;
	s30 =	sor.u32 s6, s4;
	v9 =	vadd.s32 v3, v9;
	[tilespmem:s1+$0xFFFFFFE0] =	vst v16;
	v20 =	vld.idx.msk [tilespmem:v23+s16+$0x0], $0xffff  }
0x100: {  	[tilespmem:s30+$0x0] =	vst v21;
	v17 =	vadd.s32 v3, v10;
	v10 =	vmov s12;
	v16 =	vld.idx.msk [tilespmem:v22+s16+$0x0], $0xffff  }
0x101: {  	v10 =	vand.u32 $0x1FC, v10;
	v23 =	vld.idx.msk [tilespmem:v24+s16+$0x0], $0xffff;
	v22 =	vadd.s32 v3, v15;
	[tilespmem:s26+$0x20] =	vst v19  }
0x102: {  	v63 =	vadd.s32 v0, v10;
	v25 =	vld.idx.msk [tilespmem:v12+s16+$0x0], $0xffff;
	[tilespmem:s28+$0x20] =	vst v11  }
0x103: {  	s14 =	simm.s32 $0xB;
	s13 =	simm.s32 $0x200;
	v26 =	vadd.s32 v1, v8;
	[tilespmem:s25+$0x10] =	vst v13;
	v14 =	vld.idx.msk [tilespmem:v14+s16+$0x0], $0xffff  }
0x104: {  	s20 =	simm.s32 $0x240;
	s4 =	sand.u32 $0x7E00, s13;
	v15 =	vld.idx.msk [tilespmem:v9+s16+$0x0], $0xffff;
	v9 =	vmov s14;
	[tilespmem:s29+$0x20] =	vst v18  }
0x105: {  	s23 =	simm.s32 $0x280;
	s6 =	sadd.s32 $0xFC00, s4;
	s9 =	sand.u32 $0x140, s20;
	v21 =	vadd.s32 v2, v6;
	v12 =	vld.idx.msk [tilespmem:v17+s16+$0x0], $0xffff;
	[tilespmem:s0+$0x10] =	vst v20;
	v9 =	vand.u32 $0x1FF, v9  }
0x106: {  	s4 =	sand.u32 $0x180, s23;
	s20 =	sor.u32 s9, s6;
	[tilespmem:s1+$0xFFFFFFF0] =	vst v16;
	v13 =	vld.idx.msk [tilespmem:v22+s16+$0x0], $0xffff;
	v22 =	vadd.s32 v0, v9  }
0x107: {  	s13 =	sor.u32 s4, s6;
	v11 =	vadd.s32 v1, v10;
	v19 =	vadd.s32 v2, v4;
	v17 =	vld.idx.msk [tilespmem:v63+s16+$0x0], $0xffff;
	[tilespmem:s20+$0x0] =	vst v23  }
0x108: {  	s31 =	simm.s32 $0x2C0;
	s9 =	simm.s32 $0xC;
	v18 =	vadd.s32 v2, v5;
	v20 =	vadd.s32 v1, v7;
	s0 =	simm.s32 $0xFD20;
	v16 =	vld.idx.msk [tilespmem:v26+s16+$0x0], $0xffff;
	[tilespmem:s13+$0x0] =	vst v25  }
.LBB2_11:
0x109: {  	s10 =	sadd.s32 $0x1, s9;
	s14 =	sadd.s32 $0x3, s9;
	s11 =	smov.u32 s9  }
0x10a: {  	v21 =	vld.idx.msk [tilespmem:v21+s16+$0x0], $0xffff;
	v23 =	vadd.s32 v3, v6;
	[tilespmem:s26+$0x30] =	vst v15;
	v6 =	vmov v10;
	s4 =	sadd.s32 $0x4, s9;
	s26 =	smov.u32 s25;
	s25 =	smov.u32 s13  }
0x10b: {  	p0 =	slt.u32 s9, $0x12C;
	v24 =	vadd.s32 v2, v8;
	v10 =	vmov s10;
	s10 =	sadd.s32 $0x2, s11;
	v15 =	vmov s14;
	v22 =	vld.idx.msk [tilespmem:v22+s16+$0x0], $0xffff;
	[tilespmem:s28+$0x30] =	vst v12;
	s28 =	smov.u32 s30  }
0x10c: {  	v12 =	vand.u32 $0x1FD, v10;
	v10 =	vmov s10;
	v15 =	vand.u32 $0x1FF, v15;
	v19 =	vld.idx.msk [tilespmem:v19+s16+$0x0], $0xffff;
	[tilespmem:s28+$0x10] =	vst v14  }
0x10d: {  	s1 =	sadd.s32 $0x100, s1;
	v14 =	vadd.s32 v0, v12;
	v10 =	vand.u32 $0x1FE, v10;
	[tilespmem:s29+$0x30] =	vst v13;
	v13 =	vld.idx.msk [tilespmem:v18+s16+$0x0], $0xffff;
	s29 =	smov.u32 s20  }
0x10e: {  	v18 =	vadd.s32 v0, v10;
	[tilespmem:s1+$0xFFFFFFE0] =	vst v17;
	v17 =	vld.idx.msk [tilespmem:v20+s16+$0x0], $0xffff  }
0x10f: {  	s9 =	sand.u32 $0x1C0, s31;
	v25 =	vadd.s32 v3, v5;
	v5 =	vmov v9;
	v20 =	vld.idx.msk [tilespmem:v11+s16+$0x0], $0xffff;
	[tilespmem:s29+$0x10] =	vst v16;
	v16 =	vadd.s32 v3, v4  }
0x110: {  	s30 =	sor.u32 s9, s6;
	v9 =	vmov v15;
	v4 =	vmov v7;
	v7 =	vmov v10;
	v24 =	vld.idx.msk [tilespmem:v24+s16+$0x0], $0xffff;
	[tilespmem:s0+$0x0] =	vst v21  }
0x111: {  	v26 =	vadd.s32 v1, v5;
	v10 =	vmov s11;
	[tilespmem:s30+$0x0] =	vst v22;
	v23 =	vld.idx.msk [tilespmem:v23+s16+$0x0], $0xffff  }
0x112: {  	v28 =	vadd.s32 v3, v8;
	v8 =	vmov v12;
	v10 =	vand.u32 $0x1FC, v10;
	v27 =	vld.idx.msk [tilespmem:v14+s16+$0x0], $0xffff;
	[tilespmem:s26+$0x20] =	vst v19  }
0x113: {  	s31 =	sadd.s32 $0x100, s31;
	v29 =	vadd.s32 v0, v10;
	v11 =	vadd.s32 v1, v10;
	v30 =	vld.idx.msk [tilespmem:v18+s16+$0x0], $0xffff;
	[tilespmem:s28+$0x20] =	vst v13  }
0x114: {  	s6 =	sadd.s32 $0xFFFFFF40, s31;
	v31 =	vadd.s32 v1, v8;
	[tilespmem:s25+$0x10] =	vst v17;
	v15 =	vld.idx.msk [tilespmem:v16+s16+$0x0], $0xffff  }
.Ltmp4:
0x115: {  	s9 =	sadd.s32 $0xFFFFFF80, s31;
	s6 =	sand.u32 $0x7E00, s6;
	v21 =	vadd.s32 v2, v6;
	[tilespmem:s1+$0xFFFFFFF0] =	vst v20;
	v12 =	vld.idx.msk [tilespmem:v25+s16+$0x0], $0xffff;
	(pc) =	sbr.rel @p0 .LBB2_11-.Ltmp4, $4  }
0x116: {  	s9 =	sand.u32 $0x140, s9;
	s10 =	sadd.s32 $0xFFFFFFC0, s31;
	s6 =	sadd.s32 $0xFC00, s6;
	v22 =	vadd.s32 v0, v9;
	[tilespmem:s29+$0x20] =	vst v24;
	v14 =	vld.idx.msk [tilespmem:v26+s16+$0x0], $0xffff  }
0x117: {  	s20 =	sor.u32 s9, s6;
	s9 =	sand.u32 $0x180, s10;
	v19 =	vadd.s32 v2, v4;
	v13 =	vld.idx.msk [tilespmem:v28+s16+$0x0], $0xffff;
	[tilespmem:s0+$0x10] =	vst v23;
	s0 =	smov.u32 s1  }
0x118: {  	s13 =	sor.u32 s9, s6;
	v18 =	vadd.s32 v2, v5;
	v17 =	vld.idx.msk [tilespmem:v29+s16+$0x0], $0xffff;
	[tilespmem:s20+$0x0] =	vst v27  }
0x119: {  	s9 =	smov.u32 s4;
	v20 =	vadd.s32 v1, v7;
	v16 =	vld.idx.msk [tilespmem:v31+s16+$0x0], $0xffff;
	[tilespmem:s13+$0x0] =	vst v30  }
0x11a: {  	_ =	sdelay $0x3  }
0x11b: {  	[tilespmem:s26+$0x30] =	vst v15;
	v50 =	vld.idx.msk [tilespmem:v22+s16+$0x0], $0xffff  }
0x11c: {  	[tilespmem:s28+$0x30] =	vst v12;
	v51 =	vadd.s32 v1, v9  }
0x11d: {  	v21 =	vld.idx.msk [tilespmem:v21+s16+$0x0], $0xffff;
	[tilespmem:s30+$0x10] =	vst v14  }
0x11e: {  	s1 =	sadd.s32 $0x100, s1;
	v52 =	vadd.s32 v2, v8;
	v19 =	vld.idx.msk [tilespmem:v19+s16+$0x0], $0xffff;
	s4 =	sand.u32 $0x1C0, s31;
	[tilespmem:s29+$0x30] =	vst v13  }
0x11f: {  	v6 =	vadd.s32 v3, v6;
	v53 =	vld.idx.msk [tilespmem:v20+s16+$0x0], $0xffff;
	s4 =	sor.u32 s4, s6;
	[tilespmem:s1+$0xFFFFFFE0] =	vst v17  }
0x120: {  	v55 =	vadd.s32 v2, v7;
	v11 =	vld.idx.msk [tilespmem:v11+s16+$0x0], $0xffff;
	[tilespmem:s4+$0x0] =	vst v50  }
0x121: {  	v54 =	vadd.s32 v2, v10;
	[tilespmem:s20+$0x10] =	vst v16;
	v12 =	vld.idx.msk [tilespmem:v51+s16+$0x0], $0xffff  }
0x122: {  	v57 =	vadd.s32 v2, v9;
	v56 =	vld.idx.msk [tilespmem:v18+s16+$0x0], $0xffff;
	[tilespmem:s0+$0x0] =	vst v21  }
0x123: {  	v4 =	vadd.s32 v3, v4;
	v14 =	vld.idx.msk [tilespmem:v52+s16+$0x0], $0xffff;
	[tilespmem:s25+$0x20] =	vst v19  }
0x124: {  	v5 =	vadd.s32 v3, v5;
	[tilespmem:s13+$0x10] =	vst v53;
	v6 =	vld.idx.msk [tilespmem:v6+s16+$0x0], $0xffff  }
0x125: {  	v58 =	vadd.s32 v3, v8;
	v13 =	vld.idx.msk [tilespmem:v55+s16+$0x0], $0xffff;
	[tilespmem:s1+$0xFFFFFFF0] =	vst v11  }
0x126: {  	v60 =	vadd.s32 v3, v7;
	v11 =	vld.idx.msk [tilespmem:v54+s16+$0x0], $0xffff;
	[tilespmem:s4+$0x10] =	vst v12  }
0x127: {  	v59 =	vadd.s32 v3, v10;
	[tilespmem:s30+$0x20] =	vst v56;
	v12 =	vld.idx.msk [tilespmem:v57+s16+$0x0], $0xffff  }
0x128: {  	v61 =	vadd.s32 v3, v9;
	v4 =	vld.idx.msk [tilespmem:v4+s16+$0x0], $0xffff;
	[tilespmem:s20+$0x20] =	vst v14  }
0x129: {  	v5 =	vld.idx.msk [tilespmem:v5+s16+$0x0], $0xffff;
	[tilespmem:s0+$0x10] =	vst v6  }
0x12a: {  	v62 =	vld.idx.msk [tilespmem:v58+s16+$0x0], $0xffff;
	[tilespmem:s13+$0x20] =	vst v13  }
0x12b: {  	s28 =	sshll.u32 s24, $0x1;
	v7 =	vld.idx.msk [tilespmem:v60+s16+$0x0], $0xffff;
	[tilespmem:s1+$0x0] =	vst v11  }
0x12c: {  	s0 =	sadd.s32 s2, s28;
	v63 =	vld.idx.msk [tilespmem:v59+s16+$0x0], $0xffff;
	[tilespmem:s4+$0x20] =	vst v12  }
0x12d: {  	[tilespmem:s25+$0x30] =	vst v4;
	s29 =	sshrl.u32 s0, $0x8;
	v4 =	vld.idx.msk [tilespmem:v61+s16+$0x0], $0xffff  }
0x12e: {  	s0 =	sshll.u32 s0, $0x9;
	[tilespmem:s30+$0x30] =	vst v5;
	s6 =	smul.u32 $0x4C0000, s29  }
0x12f: {  	s0 =	sand.u32 $0x1FC00, s0;
	[tilespmem:s20+$0x30] =	vst v62  }
0x130: {  	s0 =	sor.u32 s0, s6;
	[tilespmem:s13+$0x30] =	vst v7  }
0x131: {  	s25 =	sshrl.u32 s0, $0x3;
	[tilespmem:s1+$0x10] =	vst v63  }
0x132: {  	s31 =	simm.s32 $0xFC00;
	s0 =	sadd.s32 s3, s25;
	s1 =	simm.s32 $0x800;
	[tilespmem:s4+$0x30] =	vst v4  }
0x133: {  	[hbm4b:s0+s15] =	stream.strided.scatter [tilespmem:s31], [sflag:$0x3], $0x200, s18, s15, $0x38;
	[tilespmem:$0x19400] =	vst v63  }
.LBB2_13:
0x134: {  	p0 =	sne.s32 s1, $0x12800  }
.Ltmp5:
0x135: {  	_ = 	snop;
	(pc) =	sbr.rel @p0 .LBB2_13-.Ltmp5, $4  }
0x136: {  	_ = 	snop  }
0x137: {  	s4 =	sshra.s32 s1, $0x2;
	s1 =	sadd.s32 $0x800, s1  }
0x138: {  	s0 =	sadd.s32 $0x4000, s0;
	s4 =	sadd.s32 $0xFC00, s4  }
0x139: {  	[hbm4b:s0+s15] =	stream.strided.scatter [tilespmem:s4], [sflag:$0x3], $0x200, s18, s15, $0x38;
	[tilespmem:$0x19400] =	vst v63  }
0x13a: {  	s0 =	sshll.u32 s24, $0x7  }
0x13b: {  	s26 =	sand.u32 $0x3FFFFF80, s0  }
0x13c: {  	s1 =	simm.s32 $0x1;
	s0 =	sadd.s32 $0x80, s26  }
0x13d: {  	v4 =	vmov s1;
	[tilespmem:s16], [sflag:$0x1] =	stream.indirect.gather [hbm4b:s5+s15], $0x130, s0, s15, $0xb8;
	[tilespmem:$0x19400] =	vst v63  }
0x13e: {  	v5 =	vand.u32 $0x1FD, v4;
	_ =	swait.ge [sflag:s19], $0x4C00  }
0x13f: {  	v4 =	vadd.s32 v0, v5;
	[sflag:s19] =	ssyncset.done $0x0  }
0x140: {  	[sflag:s19] =	ssyncadd.s32 $0xFFFFB400  }
0x141: {  	_ =	swait.ge [sflag:s22], $0x4C00  }
0x142: {  	[sflag:s22] =	ssyncset.done $0x0  }
0x143: {  	s9 =	simm.s32 $0x2;
	[sflag:s22] =	ssyncadd.s32 $0xFFFFB400  }
0x144: {  	v6 =	vmov s9;
	v4 =	vld.idx.msk [tilespmem:v4+s17+$0x0], $0xffff  }
0x145: {  	s10 =	simm.s32 $0x0;
	s11 =	simm.s32 $0x0;
	v9 =	vand.u32 $0x1FE, v6;
	v6 =	vadd.s32 v1, v5  }
0x146: {  	s13 =	simm.s32 $0x40;
	v8 =	vmov s10;
	s12 =	sand.u32 $0x7E00, s11;
	v7 =	vadd.s32 v0, v9  }
0x147: {  	s4 =	simm.s32 $0x3;
	s1 =	sand.u32 $0x140, s13;
	v8 =	vand.u32 $0x1FC, v8;
	s9 =	sadd.s32 $0x14800, s12  }
0x148: {  	v10 =	vmov s4;
	v11 =	vadd.s32 v0, v8;
	s0 =	sor.u32 s1, s9  }
0x149: {  	v10 =	vand.u32 $0x1FF, v10;
	[tilespmem:s0+$0x0] =	vst v4  }
0x14a: {  	s14 =	simm.s32 $0x5;
	v12 =	vadd.s32 v0, v10;
	v6 =	vld.idx.msk [tilespmem:v6+s17+$0x0], $0xffff  }
0x14b: {  	v13 =	vadd.s32 v2, v5;
	v7 =	vld.idx.msk [tilespmem:v7+s17+$0x0], $0xffff;
	v4 =	vmov s14  }
0x14c: {  	s20 =	simm.s32 $0x6;
	v14 =	vadd.s32 v1, v9;
	v15 =	vand.u32 $0x1FD, v4  }
0x14d: {  	s23 =	simm.s32 $0x80;
	v11 =	vld.idx.msk [tilespmem:v11+s17+$0x0], $0xffff;
	v4 =	vmov s20;
	v16 =	vadd.s32 v0, v15  }
0x14e: {  	s6 =	sand.u32 $0x180, s23;
	v17 =	vadd.s32 v1, v8;
	v4 =	vand.u32 $0x1FE, v4  }
0x14f: {  	s12 =	simm.s32 $0x7;
	s29 =	sor.u32 s6, s9;
	v12 =	vld.idx.msk [tilespmem:v12+s17+$0x0], $0xffff;
	v18 =	vadd.s32 v0, v4;
	[tilespmem:s0+$0x10] =	vst v6  }
0x150: {  	v19 =	vadd.s32 v3, v5;
	v5 =	vmov s12;
	[tilespmem:s29+$0x0] =	vst v7;
	v7 =	vld.idx.msk [tilespmem:v13+s17+$0x0], $0xffff;
	v13 =	vadd.s32 v1, v10  }
0x151: {  	s11 =	simm.s32 $0xC0;
	s6 =	simm.s32 $0x14820;
	v5 =	vand.u32 $0x1FF, v5;
	v14 =	vld.idx.msk [tilespmem:v14+s17+$0x0], $0xffff  }
0x152: {  	s10 =	simm.s32 $0x4;
	s1 =	sand.u32 $0x1C0, s11;
	v21 =	vadd.s32 v0, v5;
	[tilespmem:s6+$0xFFFFFFE0] =	vst v11;
	v11 =	vld.idx.msk [tilespmem:v16+s17+$0x0], $0xffff  }
0x153: {  	s13 =	simm.s32 $0x100;
	s30 =	sor.u32 s1, s9;
	v17 =	vld.idx.msk [tilespmem:v17+s17+$0x0], $0xffff;
	v20 =	vadd.s32 v1, v15;
	v6 =	vmov s10  }
0x154: {  	s1 =	sand.u32 $0x7E00, s13;
	[tilespmem:s30+$0x0] =	vst v12;
	s14 =	simm.s32 $0x140;
	v6 =	vand.u32 $0x1FC, v6;
	v12 =	vld.idx.msk [tilespmem:v18+s17+$0x0], $0xffff;
	v18 =	vadd.s32 v2, v8  }
0x155: {  	s1 =	sadd.s32 $0x14800, s1;
	s4 =	sand.u32 $0x140, s14;
	v16 =	vadd.s32 v0, v6;
	[tilespmem:s0+$0x20] =	vst v7;
	v7 =	vld.idx.msk [tilespmem:v13+s17+$0x0], $0xffff  }
0x156: {  	s31 =	sor.u32 s4, s1;
	v13 =	vld.idx.msk [tilespmem:v19+s17+$0x0], $0xffff;
	v19 =	vadd.s32 v2, v9  }
0x157: {  	v21 =	vld.idx.msk [tilespmem:v21+s17+$0x0], $0xffff;
	s20 =	simm.s32 $0x180;
	[tilespmem:s31+$0x0] =	vst v11;
	v11 =	vadd.s32 v2, v10  }
0x158: {  	s4 =	sand.u32 $0x180, s20;
	[tilespmem:s6+$0xFFFFFFF0] =	vst v17;
	v17 =	vld.idx.msk [tilespmem:v20+s17+$0x0], $0xffff;
	v20 =	vadd.s32 v1, v4  }
0x159: {  	s23 =	simm.s32 $0x9;
	s28 =	sor.u32 s4, s1;
	[tilespmem:s29+$0x10] =	vst v14;
	v14 =	vld.idx.msk [tilespmem:v18+s17+$0x0], $0xffff;
	v18 =	vadd.s32 v2, v15  }
0x15a: {  	v23 =	vadd.s32 v3, v8;
	s9 =	simm.s32 $0xA;
	v16 =	vld.idx.msk [tilespmem:v16+s17+$0x0], $0xffff;
	[tilespmem:s28+$0x0] =	vst v12;
	v12 =	vmov s23  }
0x15b: {  	v22 =	vadd.s32 v1, v6;
	v8 =	vand.u32 $0x1FD, v12;
	v12 =	vmov s9;
	[tilespmem:s30+$0x10] =	vst v7;
	v19 =	vld.idx.msk [tilespmem:v19+s17+$0x0], $0xffff  }
0x15c: {  	v24 =	vadd.s32 v0, v8;
	v7 =	vand.u32 $0x1FE, v12;
	[tilespmem:s0+$0x30] =	vst v13;
	v11 =	vld.idx.msk [tilespmem:v11+s17+$0x0], $0xffff  }
0x15d: {  	s10 =	simm.s32 $0x1C0;
	v12 =	vadd.s32 v0, v7;
	v13 =	vld.idx.msk [tilespmem:v20+s17+$0x0], $0xffff;
	[tilespmem:s31+$0x10] =	vst v17  }
0x15e: {  	s4 =	sand.u32 $0x1C0, s10;
	s0 =	simm.s32 $0x14920;
	[tilespmem:s6+$0x0] =	vst v14;
	v14 =	vadd.s32 v1, v5;
	v18 =	vld.idx.msk [tilespmem:v18+s17+$0x0], $0xffff  }
0x15f: {  	s11 =	simm.s32 $0x8;
	s1 =	sor.u32 s4, s1;
	v9 =	vadd.s32 v3, v9;
	[tilespmem:s0+$0xFFFFFFE0] =	vst v16;
	v20 =	vld.idx.msk [tilespmem:v23+s17+$0x0], $0xffff  }
0x160: {  	[tilespmem:s1+$0x0] =	vst v21;
	v17 =	vadd.s32 v3, v10;
	v10 =	vmov s11;
	v16 =	vld.idx.msk [tilespmem:v22+s17+$0x0], $0xffff  }
0x161: {  	v10 =	vand.u32 $0x1FC, v10;
	v23 =	vld.idx.msk [tilespmem:v24+s17+$0x0], $0xffff;
	v22 =	vadd.s32 v3, v15;
	[tilespmem:s29+$0x20] =	vst v19  }
0x162: {  	v63 =	vadd.s32 v0, v10;
	v25 =	vld.idx.msk [tilespmem:v12+s17+$0x0], $0xffff;
	[tilespmem:s30+$0x20] =	vst v11  }
0x163: {  	s12 =	simm.s32 $0x200;
	s13 =	simm.s32 $0xB;
	v26 =	vadd.s32 v1, v8;
	[tilespmem:s28+$0x10] =	vst v13;
	v14 =	vld.idx.msk [tilespmem:v14+s17+$0x0], $0xffff  }
0x164: {  	s10 =	simm.s32 $0x240;
	s4 =	sand.u32 $0x7E00, s12;
	v15 =	vld.idx.msk [tilespmem:v9+s17+$0x0], $0xffff;
	v9 =	vmov s13;
	[tilespmem:s31+$0x20] =	vst v18  }
0x165: {  	s20 =	simm.s32 $0x280;
	s14 =	sand.u32 $0x140, s10;
	s4 =	sadd.s32 $0x14800, s4;
	v21 =	vadd.s32 v2, v6;
	v12 =	vld.idx.msk [tilespmem:v17+s17+$0x0], $0xffff;
	[tilespmem:s6+$0x10] =	vst v20;
	v9 =	vand.u32 $0x1FF, v9  }
0x166: {  	s23 =	sand.u32 $0x180, s20;
	s13 =	sor.u32 s14, s4;
	[tilespmem:s0+$0xFFFFFFF0] =	vst v16;
	v13 =	vld.idx.msk [tilespmem:v22+s17+$0x0], $0xffff;
	v22 =	vadd.s32 v0, v9  }
0x167: {  	s9 =	sor.u32 s23, s4;
	v11 =	vadd.s32 v1, v10;
	v19 =	vadd.s32 v2, v4;
	v17 =	vld.idx.msk [tilespmem:v63+s17+$0x0], $0xffff;
	[tilespmem:s13+$0x0] =	vst v23  }
0x168: {  	s20 =	simm.s32 $0x14920;
	s14 =	simm.s32 $0xC;
	s6 =	simm.s32 $0x2C0;
	v18 =	vadd.s32 v2, v5;
	v20 =	vadd.s32 v1, v7;
	v16 =	vld.idx.msk [tilespmem:v26+s17+$0x0], $0xffff;
	[tilespmem:s9+$0x0] =	vst v25  }
.LBB2_15:
0x169: {  	s11 =	sadd.s32 $0x1, s14;
	s12 =	sadd.s32 $0x3, s14;
	s23 =	smov.u32 s14  }
0x16a: {  	v21 =	vld.idx.msk [tilespmem:v21+s17+$0x0], $0xffff;
	v23 =	vadd.s32 v3, v6;
	[tilespmem:s29+$0x30] =	vst v15;
	v6 =	vmov v10;
	s10 =	sadd.s32 $0x4, s14;
	s29 =	smov.u32 s28;
	s28 =	smov.u32 s9  }
0x16b: {  	p0 =	slt.u32 s14, $0x12C;
	v24 =	vadd.s32 v2, v8;
	v10 =	vmov s11;
	s9 =	sadd.s32 $0x2, s23;
	v15 =	vmov s12;
	v22 =	vld.idx.msk [tilespmem:v22+s17+$0x0], $0xffff;
	[tilespmem:s30+$0x30] =	vst v12;
	s30 =	smov.u32 s1  }
0x16c: {  	v12 =	vand.u32 $0x1FD, v10;
	v10 =	vmov s9;
	v15 =	vand.u32 $0x1FF, v15;
	v19 =	vld.idx.msk [tilespmem:v19+s17+$0x0], $0xffff;
	[tilespmem:s30+$0x10] =	vst v14  }
0x16d: {  	s0 =	sadd.s32 $0x100, s0;
	v14 =	vadd.s32 v0, v12;
	v10 =	vand.u32 $0x1FE, v10;
	[tilespmem:s31+$0x30] =	vst v13;
	v13 =	vld.idx.msk [tilespmem:v18+s17+$0x0], $0xffff;
	s31 =	smov.u32 s13  }
0x16e: {  	v18 =	vadd.s32 v0, v10;
	[tilespmem:s0+$0xFFFFFFE0] =	vst v17;
	v17 =	vld.idx.msk [tilespmem:v20+s17+$0x0], $0xffff  }
0x16f: {  	v25 =	vadd.s32 v3, v5;
	v5 =	vmov v9;
	s1 =	sand.u32 $0x1C0, s6;
	v20 =	vld.idx.msk [tilespmem:v11+s17+$0x0], $0xffff;
	[tilespmem:s31+$0x10] =	vst v16;
	v16 =	vadd.s32 v3, v4  }
0x170: {  	s1 =	sor.u32 s1, s4;
	v9 =	vmov v15;
	v4 =	vmov v7;
	v7 =	vmov v10;
	v24 =	vld.idx.msk [tilespmem:v24+s17+$0x0], $0xffff;
	[tilespmem:s20+$0x0] =	vst v21  }
0x171: {  	v26 =	vadd.s32 v1, v5;
	v10 =	vmov s23;
	[tilespmem:s1+$0x0] =	vst v22;
	v23 =	vld.idx.msk [tilespmem:v23+s17+$0x0], $0xffff  }
0x172: {  	v28 =	vadd.s32 v3, v8;
	v8 =	vmov v12;
	v10 =	vand.u32 $0x1FC, v10;
	v27 =	vld.idx.msk [tilespmem:v14+s17+$0x0], $0xffff;
	[tilespmem:s29+$0x20] =	vst v19  }
0x173: {  	s6 =	sadd.s32 $0x100, s6;
	v29 =	vadd.s32 v0, v10;
	v11 =	vadd.s32 v1, v10;
	v30 =	vld.idx.msk [tilespmem:v18+s17+$0x0], $0xffff;
	[tilespmem:s30+$0x20] =	vst v13  }
0x174: {  	s4 =	sadd.s32 $0xFFFFFF40, s6;
	v31 =	vadd.s32 v1, v8;
	[tilespmem:s28+$0x10] =	vst v17;
	v15 =	vld.idx.msk [tilespmem:v16+s17+$0x0], $0xffff  }
.Ltmp6:
0x175: {  	s9 =	sadd.s32 $0xFFFFFF80, s6;
	s4 =	sand.u32 $0x7E00, s4;
	v21 =	vadd.s32 v2, v6;
	[tilespmem:s0+$0xFFFFFFF0] =	vst v20;
	v12 =	vld.idx.msk [tilespmem:v25+s17+$0x0], $0xffff;
	(pc) =	sbr.rel @p0 .LBB2_15-.Ltmp6, $4  }
0x176: {  	s11 =	sadd.s32 $0xFFFFFFC0, s6;
	s9 =	sand.u32 $0x140, s9;
	s4 =	sadd.s32 $0x14800, s4;
	v22 =	vadd.s32 v0, v9;
	[tilespmem:s31+$0x20] =	vst v24;
	v14 =	vld.idx.msk [tilespmem:v26+s17+$0x0], $0xffff  }
0x177: {  	s13 =	sor.u32 s9, s4;
	s9 =	sand.u32 $0x180, s11;
	v19 =	vadd.s32 v2, v4;
	v13 =	vld.idx.msk [tilespmem:v28+s17+$0x0], $0xffff;
	[tilespmem:s20+$0x10] =	vst v23;
	s20 =	smov.u32 s0  }
0x178: {  	s9 =	sor.u32 s9, s4;
	v18 =	vadd.s32 v2, v5;
	v17 =	vld.idx.msk [tilespmem:v29+s17+$0x0], $0xffff;
	[tilespmem:s13+$0x0] =	vst v27  }
0x179: {  	s14 =	smov.u32 s10;
	v20 =	vadd.s32 v1, v7;
	v16 =	vld.idx.msk [tilespmem:v31+s17+$0x0], $0xffff;
	[tilespmem:s9+$0x0] =	vst v30  }
0x17a: {  	_ =	sdelay $0x3  }
0x17b: {  	[tilespmem:s29+$0x30] =	vst v15;
	v50 =	vld.idx.msk [tilespmem:v22+s17+$0x0], $0xffff  }
0x17c: {  	[tilespmem:s30+$0x30] =	vst v12;
	v51 =	vadd.s32 v1, v9  }
0x17d: {  	v21 =	vld.idx.msk [tilespmem:v21+s17+$0x0], $0xffff;
	[tilespmem:s1+$0x10] =	vst v14  }
0x17e: {  	s0 =	sadd.s32 $0x100, s0;
	v52 =	vadd.s32 v2, v8;
	v19 =	vld.idx.msk [tilespmem:v19+s17+$0x0], $0xffff;
	s6 =	sand.u32 $0x1C0, s6;
	[tilespmem:s31+$0x30] =	vst v13  }
0x17f: {  	v6 =	vadd.s32 v3, v6;
	v53 =	vld.idx.msk [tilespmem:v20+s17+$0x0], $0xffff;
	s4 =	sor.u32 s6, s4;
	[tilespmem:s0+$0xFFFFFFE0] =	vst v17  }
0x180: {  	v55 =	vadd.s32 v2, v7;
	v11 =	vld.idx.msk [tilespmem:v11+s17+$0x0], $0xffff;
	[tilespmem:s4+$0x0] =	vst v50  }
0x181: {  	v54 =	vadd.s32 v2, v10;
	[tilespmem:s13+$0x10] =	vst v16;
	v12 =	vld.idx.msk [tilespmem:v51+s17+$0x0], $0xffff  }
0x182: {  	v57 =	vadd.s32 v2, v9;
	v56 =	vld.idx.msk [tilespmem:v18+s17+$0x0], $0xffff;
	[tilespmem:s20+$0x0] =	vst v21  }
0x183: {  	v4 =	vadd.s32 v3, v4;
	v14 =	vld.idx.msk [tilespmem:v52+s17+$0x0], $0xffff;
	[tilespmem:s28+$0x20] =	vst v19  }
0x184: {  	v5 =	vadd.s32 v3, v5;
	[tilespmem:s9+$0x10] =	vst v53;
	v6 =	vld.idx.msk [tilespmem:v6+s17+$0x0], $0xffff  }
0x185: {  	v58 =	vadd.s32 v3, v8;
	v13 =	vld.idx.msk [tilespmem:v55+s17+$0x0], $0xffff;
	[tilespmem:s0+$0xFFFFFFF0] =	vst v11  }
0x186: {  	v60 =	vadd.s32 v3, v7;
	v11 =	vld.idx.msk [tilespmem:v54+s17+$0x0], $0xffff;
	[tilespmem:s4+$0x10] =	vst v12  }
0x187: {  	v59 =	vadd.s32 v3, v10;
	[tilespmem:s1+$0x20] =	vst v56;
	v12 =	vld.idx.msk [tilespmem:v57+s17+$0x0], $0xffff  }
0x188: {  	v61 =	vadd.s32 v3, v9;
	v4 =	vld.idx.msk [tilespmem:v4+s17+$0x0], $0xffff;
	[tilespmem:s13+$0x20] =	vst v14  }
0x189: {  	v5 =	vld.idx.msk [tilespmem:v5+s17+$0x0], $0xffff;
	[tilespmem:s20+$0x10] =	vst v6  }
0x18a: {  	v62 =	vld.idx.msk [tilespmem:v58+s17+$0x0], $0xffff;
	[tilespmem:s9+$0x20] =	vst v13  }
0x18b: {  	v7 =	vld.idx.msk [tilespmem:v60+s17+$0x0], $0xffff;
	[tilespmem:s0+$0x0] =	vst v11  }
0x18c: {  	v63 =	vld.idx.msk [tilespmem:v59+s17+$0x0], $0xffff;
	[tilespmem:s4+$0x20] =	vst v12  }
0x18d: {  	[tilespmem:s28+$0x30] =	vst v4;
	v4 =	vld.idx.msk [tilespmem:v61+s17+$0x0], $0xffff  }
0x18e: {  	[tilespmem:s1+$0x30] =	vst v5  }
0x18f: {  	[tilespmem:s13+$0x30] =	vst v62  }
0x190: {  	[tilespmem:s9+$0x30] =	vst v7  }
0x191: {  	[tilespmem:s0+$0x10] =	vst v63  }
0x192: {  	s31 =	simm.s32 $0x14800;
	s1 =	simm.s32 $0x800;
	s0 =	sadd.s32 s25, s8;
	[tilespmem:s4+$0x30] =	vst v4  }
0x193: {  	[hbm4b:s0+s15] =	stream.strided.scatter [tilespmem:s31], [sflag:$0x4], $0x200, s18, s15, $0x38;
	[tilespmem:$0x19400] =	vst v63  }
.LBB2_17:
0x194: {  	p0 =	sne.s32 s1, $0x12800  }
.Ltmp7:
0x195: {  	_ = 	snop;
	(pc) =	sbr.rel @p0 .LBB2_17-.Ltmp7, $4  }
0x196: {  	_ = 	snop  }
0x197: {  	s4 =	sshra.s32 s1, $0x2;
	s1 =	sadd.s32 $0x800, s1  }
0x198: {  	s0 =	sadd.s32 $0x4000, s0;
	s4 =	sadd.s32 $0x14800, s4  }
0x199: {  	[hbm4b:s0+s15] =	stream.strided.scatter [tilespmem:s4], [sflag:$0x4], $0x200, s18, s15, $0x38;
	[tilespmem:$0x19400] =	vst v63  }
0x19a: {  	s24 =	sadd.s32 $0x1, s24  }
0x19b: {  	p0 =	sne.s32 s24, $0xC7  }
.Ltmp8:
0x19c: {  	_ = 	snop;
	(pc) =	sbr.rel @p0 .LBB2_10-.Ltmp8, $3  }
0x19d: {  	_ =	sdelay $0x1  }
0x19e: {  	s0 =	sadd.s32 $0xC0, s26  }
0x19f: {  	[tilespmem:s17], [sflag:$0x2] =	stream.indirect.gather [hbm4b:s5+s15], $0x130, s0, s15, $0xb8;
	[tilespmem:$0x19400] =	vst v63  }
0x1a0: {  	s0 =	simm.s32 $0x1  }
0x1a1: {  	v4 =	vmov s0  }
0x1a2: {  	_ =	swait.ge [sflag:s7], $0x4C00;
	v5 =	vand.u32 $0x1FD, v4  }
0x1a3: {  	[sflag:s7] =	ssyncset.done $0x0;
	v4 =	vadd.s32 v0, v5  }
0x1a4: {  	[sflag:s7] =	ssyncadd.s32 $0xFFFFB400  }
0x1a5: {  	_ =	swait.ge [sflag:s21], $0x4C00  }
0x1a6: {  	[sflag:s21] =	ssyncset.done $0x0  }
0x1a7: {  	s12 =	simm.s32 $0x2;
	[sflag:s21] =	ssyncadd.s32 $0xFFFFB400  }
0x1a8: {  	v6 =	vmov s12;
	v4 =	vld.idx.msk [tilespmem:v4+s16+$0x0], $0xffff  }
0x1a9: {  	s13 =	simm.s32 $0x0;
	s1 =	simm.s32 $0x0;
	v9 =	vand.u32 $0x1FE, v6;
	v6 =	vadd.s32 v1, v5  }
0x1aa: {  	s20 =	simm.s32 $0x40;
	v8 =	vmov s13;
	s14 =	sand.u32 $0x7E00, s1;
	v7 =	vadd.s32 v0, v9  }
0x1ab: {  	s4 =	simm.s32 $0x3;
	s1 =	sand.u32 $0x140, s20;
	v8 =	vand.u32 $0x1FC, v8;
	s9 =	sadd.s32 $0xFC00, s14  }
0x1ac: {  	v10 =	vmov s4;
	v11 =	vadd.s32 v0, v8;
	s0 =	sor.u32 s1, s9  }
0x1ad: {  	v10 =	vand.u32 $0x1FF, v10;
	[tilespmem:s0+$0x0] =	vst v4  }
0x1ae: {  	s23 =	simm.s32 $0x5;
	v12 =	vadd.s32 v0, v10;
	v6 =	vld.idx.msk [tilespmem:v6+s16+$0x0], $0xffff  }
0x1af: {  	v13 =	vadd.s32 v2, v5;
	v7 =	vld.idx.msk [tilespmem:v7+s16+$0x0], $0xffff;
	v4 =	vmov s23  }
0x1b0: {  	s24 =	simm.s32 $0x6;
	v14 =	vadd.s32 v1, v9;
	v15 =	vand.u32 $0x1FD, v4  }
0x1b1: {  	s25 =	simm.s32 $0x80;
	v11 =	vld.idx.msk [tilespmem:v11+s16+$0x0], $0xffff;
	v4 =	vmov s24;
	v16 =	vadd.s32 v0, v15  }
0x1b2: {  	s26 =	sand.u32 $0x180, s25;
	v17 =	vadd.s32 v1, v8;
	v4 =	vand.u32 $0x1FE, v4  }
0x1b3: {  	s31 =	simm.s32 $0x7;
	s25 =	sor.u32 s26, s9;
	v12 =	vld.idx.msk [tilespmem:v12+s16+$0x0], $0xffff;
	v18 =	vadd.s32 v0, v4;
	[tilespmem:s0+$0x10] =	vst v6  }
0x1b4: {  	v19 =	vadd.s32 v3, v5;
	v5 =	vmov s31;
	[tilespmem:s25+$0x0] =	vst v7;
	v7 =	vld.idx.msk [tilespmem:v13+s16+$0x0], $0xffff;
	v13 =	vadd.s32 v1, v10  }
0x1b5: {  	s30 =	simm.s32 $0xC0;
	s6 =	simm.s32 $0xFC20;
	v5 =	vand.u32 $0x1FF, v5;
	v14 =	vld.idx.msk [tilespmem:v14+s16+$0x0], $0xffff  }
0x1b6: {  	s29 =	simm.s32 $0x4;
	s1 =	sand.u32 $0x1C0, s30;
	v21 =	vadd.s32 v0, v5;
	[tilespmem:s6+$0xFFFFFFE0] =	vst v11;
	v11 =	vld.idx.msk [tilespmem:v16+s16+$0x0], $0xffff  }
0x1b7: {  	s4 =	simm.s32 $0x100;
	s26 =	sor.u32 s1, s9;
	v17 =	vld.idx.msk [tilespmem:v17+s16+$0x0], $0xffff;
	v20 =	vadd.s32 v1, v15;
	v6 =	vmov s29  }
0x1b8: {  	s1 =	sand.u32 $0x7E00, s4;
	s9 =	simm.s32 $0x140;
	[tilespmem:s26+$0x0] =	vst v12;
	v6 =	vand.u32 $0x1FC, v6;
	v12 =	vld.idx.msk [tilespmem:v18+s16+$0x0], $0xffff;
	v18 =	vadd.s32 v2, v8  }
0x1b9: {  	s4 =	sand.u32 $0x140, s9;
	s1 =	sadd.s32 $0xFC00, s1;
	v16 =	vadd.s32 v0, v6;
	[tilespmem:s0+$0x20] =	vst v7;
	v7 =	vld.idx.msk [tilespmem:v13+s16+$0x0], $0xffff  }
0x1ba: {  	s28 =	sor.u32 s4, s1;
	v13 =	vld.idx.msk [tilespmem:v19+s16+$0x0], $0xffff;
	v19 =	vadd.s32 v2, v9  }
0x1bb: {  	s10 =	simm.s32 $0x180;
	v21 =	vld.idx.msk [tilespmem:v21+s16+$0x0], $0xffff;
	[tilespmem:s28+$0x0] =	vst v11;
	v11 =	vadd.s32 v2, v10  }
0x1bc: {  	s4 =	sand.u32 $0x180, s10;
	[tilespmem:s6+$0xFFFFFFF0] =	vst v17;
	v17 =	vld.idx.msk [tilespmem:v20+s16+$0x0], $0xffff;
	v20 =	vadd.s32 v1, v4  }
0x1bd: {  	s11 =	simm.s32 $0x9;
	s24 =	sor.u32 s4, s1;
	[tilespmem:s25+$0x10] =	vst v14;
	v14 =	vld.idx.msk [tilespmem:v18+s16+$0x0], $0xffff;
	v18 =	vadd.s32 v2, v15  }
0x1be: {  	s12 =	simm.s32 $0xA;
	v23 =	vadd.s32 v3, v8;
	v16 =	vld.idx.msk [tilespmem:v16+s16+$0x0], $0xffff;
	[tilespmem:s24+$0x0] =	vst v12;
	v12 =	vmov s11  }
0x1bf: {  	v22 =	vadd.s32 v1, v6;
	v8 =	vand.u32 $0x1FD, v12;
	v12 =	vmov s12;
	[tilespmem:s26+$0x10] =	vst v7;
	v19 =	vld.idx.msk [tilespmem:v19+s16+$0x0], $0xffff  }
0x1c0: {  	v24 =	vadd.s32 v0, v8;
	v7 =	vand.u32 $0x1FE, v12;
	[tilespmem:s0+$0x30] =	vst v13;
	v11 =	vld.idx.msk [tilespmem:v11+s16+$0x0], $0xffff  }
0x1c1: {  	s13 =	simm.s32 $0x1C0;
	v12 =	vadd.s32 v0, v7;
	v13 =	vld.idx.msk [tilespmem:v20+s16+$0x0], $0xffff;
	[tilespmem:s28+$0x10] =	vst v17  }
0x1c2: {  	s4 =	sand.u32 $0x1C0, s13;
	s0 =	simm.s32 $0xFD20;
	[tilespmem:s6+$0x0] =	vst v14;
	v14 =	vadd.s32 v1, v5;
	v18 =	vld.idx.msk [tilespmem:v18+s16+$0x0], $0xffff  }
0x1c3: {  	s14 =	simm.s32 $0x8;
	s1 =	sor.u32 s4, s1;
	v9 =	vadd.s32 v3, v9;
	[tilespmem:s0+$0xFFFFFFE0] =	vst v16;
	v20 =	vld.idx.msk [tilespmem:v23+s16+$0x0], $0xffff  }
0x1c4: {  	[tilespmem:s1+$0x0] =	vst v21;
	v17 =	vadd.s32 v3, v10;
	v10 =	vmov s14;
	v16 =	vld.idx.msk [tilespmem:v22+s16+$0x0], $0xffff  }
0x1c5: {  	v10 =	vand.u32 $0x1FC, v10;
	v23 =	vld.idx.msk [tilespmem:v24+s16+$0x0], $0xffff;
	v22 =	vadd.s32 v3, v15;
	[tilespmem:s25+$0x20] =	vst v19  }
0x1c6: {  	v63 =	vadd.s32 v0, v10;
	v25 =	vld.idx.msk [tilespmem:v12+s16+$0x0], $0xffff;
	[tilespmem:s26+$0x20] =	vst v11  }
0x1c7: {  	s20 =	simm.s32 $0x200;
	s23 =	simm.s32 $0xB;
	v26 =	vadd.s32 v1, v8;
	[tilespmem:s24+$0x10] =	vst v13;
	v14 =	vld.idx.msk [tilespmem:v14+s16+$0x0], $0xffff  }
0x1c8: {  	s10 =	simm.s32 $0x240;
	s4 =	sand.u32 $0x7E00, s20;
	v15 =	vld.idx.msk [tilespmem:v9+s16+$0x0], $0xffff;
	v9 =	vmov s23;
	[tilespmem:s28+$0x20] =	vst v18  }
0x1c9: {  	s30 =	simm.s32 $0x280;
	s4 =	sadd.s32 $0xFC00, s4;
	s29 =	sand.u32 $0x140, s10;
	v21 =	vadd.s32 v2, v6;
	v12 =	vld.idx.msk [tilespmem:v17+s16+$0x0], $0xffff;
	[tilespmem:s6+$0x10] =	vst v20;
	v9 =	vand.u32 $0x1FF, v9  }
0x1ca: {  	s31 =	sand.u32 $0x180, s30;
	s13 =	sor.u32 s29, s4;
	[tilespmem:s0+$0xFFFFFFF0] =	vst v16;
	v13 =	vld.idx.msk [tilespmem:v22+s16+$0x0], $0xffff;
	v22 =	vadd.s32 v0, v9  }
0x1cb: {  	s9 =	sor.u32 s31, s4;
	v11 =	vadd.s32 v1, v10;
	v19 =	vadd.s32 v2, v4;
	v17 =	vld.idx.msk [tilespmem:v63+s16+$0x0], $0xffff;
	[tilespmem:s13+$0x0] =	vst v23  }
0x1cc: {  	s20 =	simm.s32 $0xFD20;
	s10 =	simm.s32 $0xC;
	s6 =	simm.s32 $0x2C0;
	v18 =	vadd.s32 v2, v5;
	v20 =	vadd.s32 v1, v7;
	v16 =	vld.idx.msk [tilespmem:v26+s16+$0x0], $0xffff;
	[tilespmem:s9+$0x0] =	vst v25  }
.LBB2_20:
0x1cd: {  	s11 =	sadd.s32 $0x1, s10;
	s12 =	sadd.s32 $0x3, s10;
	s23 =	smov.u32 s10  }
0x1ce: {  	v21 =	vld.idx.msk [tilespmem:v21+s16+$0x0], $0xffff;
	v23 =	vadd.s32 v3, v6;
	[tilespmem:s25+$0x30] =	vst v15;
	v6 =	vmov v10;
	s14 =	sadd.s32 $0x4, s10;
	s25 =	smov.u32 s24;
	s24 =	smov.u32 s9  }
0x1cf: {  	p0 =	slt.u32 s10, $0x12C;
	v24 =	vadd.s32 v2, v8;
	v10 =	vmov s11;
	s9 =	sadd.s32 $0x2, s23;
	v15 =	vmov s12;
	v22 =	vld.idx.msk [tilespmem:v22+s16+$0x0], $0xffff;
	[tilespmem:s26+$0x30] =	vst v12;
	s26 =	smov.u32 s1  }
0x1d0: {  	v12 =	vand.u32 $0x1FD, v10;
	v10 =	vmov s9;
	v15 =	vand.u32 $0x1FF, v15;
	v19 =	vld.idx.msk [tilespmem:v19+s16+$0x0], $0xffff;
	[tilespmem:s26+$0x10] =	vst v14  }
0x1d1: {  	s0 =	sadd.s32 $0x100, s0;
	v14 =	vadd.s32 v0, v12;
	v10 =	vand.u32 $0x1FE, v10;
	[tilespmem:s28+$0x30] =	vst v13;
	v13 =	vld.idx.msk [tilespmem:v18+s16+$0x0], $0xffff;
	s28 =	smov.u32 s13  }
0x1d2: {  	v18 =	vadd.s32 v0, v10;
	[tilespmem:s0+$0xFFFFFFE0] =	vst v17;
	v17 =	vld.idx.msk [tilespmem:v20+s16+$0x0], $0xffff  }
0x1d3: {  	v25 =	vadd.s32 v3, v5;
	v5 =	vmov v9;
	s1 =	sand.u32 $0x1C0, s6;
	v20 =	vld.idx.msk [tilespmem:v11+s16+$0x0], $0xffff;
	[tilespmem:s28+$0x10] =	vst v16;
	v16 =	vadd.s32 v3, v4  }
0x1d4: {  	s1 =	sor.u32 s1, s4;
	v9 =	vmov v15;
	v4 =	vmov v7;
	v7 =	vmov v10;
	v24 =	vld.idx.msk [tilespmem:v24+s16+$0x0], $0xffff;
	[tilespmem:s20+$0x0] =	vst v21  }
0x1d5: {  	v26 =	vadd.s32 v1, v5;
	v10 =	vmov s23;
	[tilespmem:s1+$0x0] =	vst v22;
	v23 =	vld.idx.msk [tilespmem:v23+s16+$0x0], $0xffff  }
0x1d6: {  	v28 =	vadd.s32 v3, v8;
	v8 =	vmov v12;
	v10 =	vand.u32 $0x1FC, v10;
	v27 =	vld.idx.msk [tilespmem:v14+s16+$0x0], $0xffff;
	[tilespmem:s25+$0x20] =	vst v19  }
0x1d7: {  	s6 =	sadd.s32 $0x100, s6;
	v29 =	vadd.s32 v0, v10;
	v11 =	vadd.s32 v1, v10;
	v30 =	vld.idx.msk [tilespmem:v18+s16+$0x0], $0xffff;
	[tilespmem:s26+$0x20] =	vst v13  }
0x1d8: {  	s4 =	sadd.s32 $0xFFFFFF40, s6;
	v31 =	vadd.s32 v1, v8;
	[tilespmem:s24+$0x10] =	vst v17;
	v15 =	vld.idx.msk [tilespmem:v16+s16+$0x0], $0xffff  }
.Ltmp9:
0x1d9: {  	s9 =	sadd.s32 $0xFFFFFF80, s6;
	s4 =	sand.u32 $0x7E00, s4;
	v21 =	vadd.s32 v2, v6;
	[tilespmem:s0+$0xFFFFFFF0] =	vst v20;
	v12 =	vld.idx.msk [tilespmem:v25+s16+$0x0], $0xffff;
	(pc) =	sbr.rel @p0 .LBB2_20-.Ltmp9, $4  }
0x1da: {  	s10 =	sadd.s32 $0xFFFFFFC0, s6;
	s9 =	sand.u32 $0x140, s9;
	s4 =	sadd.s32 $0xFC00, s4;
	v22 =	vadd.s32 v0, v9;
	[tilespmem:s28+$0x20] =	vst v24;
	v14 =	vld.idx.msk [tilespmem:v26+s16+$0x0], $0xffff  }
0x1db: {  	s13 =	sor.u32 s9, s4;
	s9 =	sand.u32 $0x180, s10;
	v19 =	vadd.s32 v2, v4;
	v13 =	vld.idx.msk [tilespmem:v28+s16+$0x0], $0xffff;
	[tilespmem:s20+$0x10] =	vst v23;
	s20 =	smov.u32 s0  }
0x1dc: {  	s9 =	sor.u32 s9, s4;
	v18 =	vadd.s32 v2, v5;
	v17 =	vld.idx.msk [tilespmem:v29+s16+$0x0], $0xffff;
	[tilespmem:s13+$0x0] =	vst v27  }
0x1dd: {  	s10 =	smov.u32 s14;
	v20 =	vadd.s32 v1, v7;
	v16 =	vld.idx.msk [tilespmem:v31+s16+$0x0], $0xffff;
	[tilespmem:s9+$0x0] =	vst v30  }
0x1de: {  	_ =	sdelay $0x3  }
0x1df: {  	[tilespmem:s25+$0x30] =	vst v15;
	v50 =	vld.idx.msk [tilespmem:v22+s16+$0x0], $0xffff  }
0x1e0: {  	[tilespmem:s26+$0x30] =	vst v12;
	v51 =	vadd.s32 v1, v9  }
0x1e1: {  	v21 =	vld.idx.msk [tilespmem:v21+s16+$0x0], $0xffff;
	[tilespmem:s1+$0x10] =	vst v14  }
0x1e2: {  	s0 =	sadd.s32 $0x100, s0;
	v52 =	vadd.s32 v2, v8;
	v19 =	vld.idx.msk [tilespmem:v19+s16+$0x0], $0xffff;
	s6 =	sand.u32 $0x1C0, s6;
	[tilespmem:s28+$0x30] =	vst v13  }
0x1e3: {  	v6 =	vadd.s32 v3, v6;
	v53 =	vld.idx.msk [tilespmem:v20+s16+$0x0], $0xffff;
	s4 =	sor.u32 s6, s4;
	[tilespmem:s0+$0xFFFFFFE0] =	vst v17  }
0x1e4: {  	v55 =	vadd.s32 v2, v7;
	v11 =	vld.idx.msk [tilespmem:v11+s16+$0x0], $0xffff;
	[tilespmem:s4+$0x0] =	vst v50  }
0x1e5: {  	v54 =	vadd.s32 v2, v10;
	[tilespmem:s13+$0x10] =	vst v16;
	v12 =	vld.idx.msk [tilespmem:v51+s16+$0x0], $0xffff  }
0x1e6: {  	v57 =	vadd.s32 v2, v9;
	v56 =	vld.idx.msk [tilespmem:v18+s16+$0x0], $0xffff;
	[tilespmem:s20+$0x0] =	vst v21  }
0x1e7: {  	v4 =	vadd.s32 v3, v4;
	v14 =	vld.idx.msk [tilespmem:v52+s16+$0x0], $0xffff;
	[tilespmem:s24+$0x20] =	vst v19  }
0x1e8: {  	v5 =	vadd.s32 v3, v5;
	[tilespmem:s9+$0x10] =	vst v53;
	v6 =	vld.idx.msk [tilespmem:v6+s16+$0x0], $0xffff  }
0x1e9: {  	v58 =	vadd.s32 v3, v8;
	v13 =	vld.idx.msk [tilespmem:v55+s16+$0x0], $0xffff;
	[tilespmem:s0+$0xFFFFFFF0] =	vst v11  }
0x1ea: {  	v60 =	vadd.s32 v3, v7;
	v11 =	vld.idx.msk [tilespmem:v54+s16+$0x0], $0xffff;
	[tilespmem:s4+$0x10] =	vst v12  }
0x1eb: {  	v59 =	vadd.s32 v3, v10;
	[tilespmem:s1+$0x20] =	vst v56;
	v12 =	vld.idx.msk [tilespmem:v57+s16+$0x0], $0xffff  }
0x1ec: {  	v61 =	vadd.s32 v3, v9;
	v4 =	vld.idx.msk [tilespmem:v4+s16+$0x0], $0xffff;
	[tilespmem:s13+$0x20] =	vst v14  }
0x1ed: {  	v5 =	vld.idx.msk [tilespmem:v5+s16+$0x0], $0xffff;
	[tilespmem:s20+$0x10] =	vst v6  }
0x1ee: {  	v62 =	vld.idx.msk [tilespmem:v58+s16+$0x0], $0xffff;
	[tilespmem:s9+$0x20] =	vst v13  }
0x1ef: {  	v7 =	vld.idx.msk [tilespmem:v60+s16+$0x0], $0xffff;
	[tilespmem:s0+$0x0] =	vst v11  }
0x1f0: {  	v63 =	vld.idx.msk [tilespmem:v59+s16+$0x0], $0xffff;
	[tilespmem:s4+$0x20] =	vst v12  }
0x1f1: {  	[tilespmem:s24+$0x30] =	vst v4;
	v4 =	vld.idx.msk [tilespmem:v61+s16+$0x0], $0xffff  }
0x1f2: {  	[tilespmem:s1+$0x30] =	vst v5  }
0x1f3: {  	[tilespmem:s13+$0x30] =	vst v62  }
0x1f4: {  	[tilespmem:s9+$0x30] =	vst v7  }
0x1f5: {  	[tilespmem:s0+$0x10] =	vst v63  }
0x1f6: {  	[tilespmem:s4+$0x30] =	vst v4  }
0x1f7: {  	s31 =	simm.s32 $0xFC00;
	s0 =	simm.s32 $0x800;
	s1 =	rddreg [dreg:$0x6]  }
0x1f8: {  	[hbm4b:s1+s15] =	stream.strided.scatter [tilespmem:s31], [sflag:$0x3], $0x200, s18, s15, $0x38;
	[tilespmem:$0x19400] =	vst v63  }
.LBB2_22:
0x1f9: {  	p0 =	sne.s32 s0, $0x12800  }
.Ltmp10:
0x1fa: {  	_ = 	snop;
	(pc) =	sbr.rel @p0 .LBB2_22-.Ltmp10, $4  }
0x1fb: {  	_ = 	snop  }
0x1fc: {  	s4 =	sshra.s32 s0, $0x2;
	s0 =	sadd.s32 $0x800, s0  }
0x1fd: {  	s1 =	sadd.s32 $0x4000, s1;
	s4 =	sadd.s32 $0xFC00, s4  }
0x1fe: {  	[hbm4b:s1+s15] =	stream.strided.scatter [tilespmem:s4], [sflag:$0x3], $0x200, s18, s15, $0x38;
	[tilespmem:$0x19400] =	vst v63  }
0x1ff: {  	_ =	swait.ge [sflag:s21], $0x4C00  }
0x200: {  	s0 =	simm.s32 $0x1;
	[sflag:s21] =	ssyncset.done $0x0  }
0x201: {  	v4 =	vmov s0;
	[sflag:s21] =	ssyncadd.s32 $0xFFFFB400  }
0x202: {  	v5 =	vand.u32 $0x1FD, v4;
	_ =	swait.ge [sflag:s19], $0x4C00  }
0x203: {  	v4 =	vadd.s32 v0, v5;
	[sflag:s19] =	ssyncset.done $0x0  }
0x204: {  	[sflag:s19] =	ssyncadd.s32 $0xFFFFB400  }
0x205: {  	_ =	swait.ge [sflag:s22], $0x4C00  }
0x206: {  	[sflag:s22] =	ssyncset.done $0x0  }
0x207: {  	s12 =	simm.s32 $0x2;
	[sflag:s22] =	ssyncadd.s32 $0xFFFFB400  }
0x208: {  	v6 =	vmov s12;
	v4 =	vld.idx.msk [tilespmem:v4+s17+$0x0], $0xffff  }
0x209: {  	s13 =	simm.s32 $0x0;
	s1 =	simm.s32 $0x0;
	v9 =	vand.u32 $0x1FE, v6;
	v6 =	vadd.s32 v1, v5  }
0x20a: {  	s20 =	simm.s32 $0x40;
	v8 =	vmov s13;
	s14 =	sand.u32 $0x7E00, s1;
	v7 =	vadd.s32 v0, v9  }
0x20b: {  	s4 =	simm.s32 $0x3;
	s1 =	sand.u32 $0x140, s20;
	v8 =	vand.u32 $0x1FC, v8;
	s9 =	sadd.s32 $0x14800, s14  }
0x20c: {  	v10 =	vmov s4;
	v11 =	vadd.s32 v0, v8;
	s0 =	sor.u32 s1, s9  }
0x20d: {  	v10 =	vand.u32 $0x1FF, v10;
	[tilespmem:s0+$0x0] =	vst v4  }
0x20e: {  	s23 =	simm.s32 $0x5;
	v12 =	vadd.s32 v0, v10;
	v6 =	vld.idx.msk [tilespmem:v6+s17+$0x0], $0xffff  }
0x20f: {  	v13 =	vadd.s32 v2, v5;
	v7 =	vld.idx.msk [tilespmem:v7+s17+$0x0], $0xffff;
	v4 =	vmov s23  }
0x210: {  	s24 =	simm.s32 $0x6;
	v14 =	vadd.s32 v1, v9;
	v15 =	vand.u32 $0x1FD, v4  }
0x211: {  	s25 =	simm.s32 $0x80;
	v11 =	vld.idx.msk [tilespmem:v11+s17+$0x0], $0xffff;
	v4 =	vmov s24;
	v16 =	vadd.s32 v0, v15  }
0x212: {  	s26 =	sand.u32 $0x180, s25;
	v17 =	vadd.s32 v1, v8;
	v4 =	vand.u32 $0x1FE, v4  }
0x213: {  	s31 =	simm.s32 $0x7;
	s25 =	sor.u32 s26, s9;
	v12 =	vld.idx.msk [tilespmem:v12+s17+$0x0], $0xffff;
	v18 =	vadd.s32 v0, v4;
	[tilespmem:s0+$0x10] =	vst v6  }
0x214: {  	v19 =	vadd.s32 v3, v5;
	v5 =	vmov s31;
	[tilespmem:s25+$0x0] =	vst v7;
	v7 =	vld.idx.msk [tilespmem:v13+s17+$0x0], $0xffff;
	v13 =	vadd.s32 v1, v10  }
0x215: {  	s30 =	simm.s32 $0xC0;
	s6 =	simm.s32 $0x14820;
	v5 =	vand.u32 $0x1FF, v5;
	v14 =	vld.idx.msk [tilespmem:v14+s17+$0x0], $0xffff  }
0x216: {  	s29 =	simm.s32 $0x4;
	s1 =	sand.u32 $0x1C0, s30;
	v21 =	vadd.s32 v0, v5;
	[tilespmem:s6+$0xFFFFFFE0] =	vst v11;
	v11 =	vld.idx.msk [tilespmem:v16+s17+$0x0], $0xffff  }
0x217: {  	s4 =	simm.s32 $0x100;
	s26 =	sor.u32 s1, s9;
	v17 =	vld.idx.msk [tilespmem:v17+s17+$0x0], $0xffff;
	v20 =	vadd.s32 v1, v15;
	v6 =	vmov s29  }
0x218: {  	s1 =	sand.u32 $0x7E00, s4;
	s9 =	simm.s32 $0x140;
	[tilespmem:s26+$0x0] =	vst v12;
	v6 =	vand.u32 $0x1FC, v6;
	v12 =	vld.idx.msk [tilespmem:v18+s17+$0x0], $0xffff;
	v18 =	vadd.s32 v2, v8  }
0x219: {  	s4 =	sand.u32 $0x140, s9;
	s1 =	sadd.s32 $0x14800, s1;
	v16 =	vadd.s32 v0, v6;
	[tilespmem:s0+$0x20] =	vst v7;
	v7 =	vld.idx.msk [tilespmem:v13+s17+$0x0], $0xffff  }
0x21a: {  	s28 =	sor.u32 s4, s1;
	v13 =	vld.idx.msk [tilespmem:v19+s17+$0x0], $0xffff;
	v19 =	vadd.s32 v2, v9  }
0x21b: {  	s10 =	simm.s32 $0x180;
	v21 =	vld.idx.msk [tilespmem:v21+s17+$0x0], $0xffff;
	[tilespmem:s28+$0x0] =	vst v11;
	v11 =	vadd.s32 v2, v10  }
0x21c: {  	s4 =	sand.u32 $0x180, s10;
	[tilespmem:s6+$0xFFFFFFF0] =	vst v17;
	v17 =	vld.idx.msk [tilespmem:v20+s17+$0x0], $0xffff;
	v20 =	vadd.s32 v1, v4  }
0x21d: {  	s11 =	simm.s32 $0x9;
	s24 =	sor.u32 s4, s1;
	[tilespmem:s25+$0x10] =	vst v14;
	v14 =	vld.idx.msk [tilespmem:v18+s17+$0x0], $0xffff;
	v18 =	vadd.s32 v2, v15  }
0x21e: {  	s12 =	simm.s32 $0xA;
	v23 =	vadd.s32 v3, v8;
	v16 =	vld.idx.msk [tilespmem:v16+s17+$0x0], $0xffff;
	[tilespmem:s24+$0x0] =	vst v12;
	v12 =	vmov s11  }
0x21f: {  	v22 =	vadd.s32 v1, v6;
	v8 =	vand.u32 $0x1FD, v12;
	v12 =	vmov s12;
	[tilespmem:s26+$0x10] =	vst v7;
	v19 =	vld.idx.msk [tilespmem:v19+s17+$0x0], $0xffff  }
0x220: {  	v24 =	vadd.s32 v0, v8;
	v7 =	vand.u32 $0x1FE, v12;
	[tilespmem:s0+$0x30] =	vst v13;
	v11 =	vld.idx.msk [tilespmem:v11+s17+$0x0], $0xffff  }
0x221: {  	s13 =	simm.s32 $0x1C0;
	v12 =	vadd.s32 v0, v7;
	v13 =	vld.idx.msk [tilespmem:v20+s17+$0x0], $0xffff;
	[tilespmem:s28+$0x10] =	vst v17  }
0x222: {  	s4 =	sand.u32 $0x1C0, s13;
	s0 =	simm.s32 $0x14920;
	[tilespmem:s6+$0x0] =	vst v14;
	v14 =	vadd.s32 v1, v5;
	v18 =	vld.idx.msk [tilespmem:v18+s17+$0x0], $0xffff  }
0x223: {  	s14 =	simm.s32 $0x8;
	s1 =	sor.u32 s4, s1;
	v9 =	vadd.s32 v3, v9;
	[tilespmem:s0+$0xFFFFFFE0] =	vst v16;
	v20 =	vld.idx.msk [tilespmem:v23+s17+$0x0], $0xffff  }
0x224: {  	[tilespmem:s1+$0x0] =	vst v21;
	v17 =	vadd.s32 v3, v10;
	v10 =	vmov s14;
	v16 =	vld.idx.msk [tilespmem:v22+s17+$0x0], $0xffff  }
0x225: {  	v10 =	vand.u32 $0x1FC, v10;
	v23 =	vld.idx.msk [tilespmem:v24+s17+$0x0], $0xffff;
	v22 =	vadd.s32 v3, v15;
	[tilespmem:s25+$0x20] =	vst v19  }
0x226: {  	v63 =	vadd.s32 v0, v10;
	v25 =	vld.idx.msk [tilespmem:v12+s17+$0x0], $0xffff;
	[tilespmem:s26+$0x20] =	vst v11  }
0x227: {  	s20 =	simm.s32 $0x200;
	s23 =	simm.s32 $0xB;
	v26 =	vadd.s32 v1, v8;
	[tilespmem:s24+$0x10] =	vst v13;
	v14 =	vld.idx.msk [tilespmem:v14+s17+$0x0], $0xffff  }
0x228: {  	s10 =	simm.s32 $0x240;
	s4 =	sand.u32 $0x7E00, s20;
	v15 =	vld.idx.msk [tilespmem:v9+s17+$0x0], $0xffff;
	v9 =	vmov s23;
	[tilespmem:s28+$0x20] =	vst v18  }
0x229: {  	s30 =	simm.s32 $0x280;
	s4 =	sadd.s32 $0x14800, s4;
	s29 =	sand.u32 $0x140, s10;
	v21 =	vadd.s32 v2, v6;
	v12 =	vld.idx.msk [tilespmem:v17+s17+$0x0], $0xffff;
	[tilespmem:s6+$0x10] =	vst v20;
	v9 =	vand.u32 $0x1FF, v9  }
0x22a: {  	s31 =	sand.u32 $0x180, s30;
	s13 =	sor.u32 s29, s4;
	[tilespmem:s0+$0xFFFFFFF0] =	vst v16;
	v13 =	vld.idx.msk [tilespmem:v22+s17+$0x0], $0xffff;
	v22 =	vadd.s32 v0, v9  }
0x22b: {  	s9 =	sor.u32 s31, s4;
	v11 =	vadd.s32 v1, v10;
	v19 =	vadd.s32 v2, v4;
	v17 =	vld.idx.msk [tilespmem:v63+s17+$0x0], $0xffff;
	[tilespmem:s13+$0x0] =	vst v23  }
0x22c: {  	s20 =	simm.s32 $0x14920;
	s10 =	simm.s32 $0xC;
	s6 =	simm.s32 $0x2C0;
	v18 =	vadd.s32 v2, v5;
	v20 =	vadd.s32 v1, v7;
	v16 =	vld.idx.msk [tilespmem:v26+s17+$0x0], $0xffff;
	[tilespmem:s9+$0x0] =	vst v25  }
.LBB2_24:
0x22d: {  	s11 =	sadd.s32 $0x1, s10;
	s12 =	sadd.s32 $0x3, s10;
	s23 =	smov.u32 s10  }
0x22e: {  	v21 =	vld.idx.msk [tilespmem:v21+s17+$0x0], $0xffff;
	v23 =	vadd.s32 v3, v6;
	[tilespmem:s25+$0x30] =	vst v15;
	v6 =	vmov v10;
	s14 =	sadd.s32 $0x4, s10;
	s25 =	smov.u32 s24;
	s24 =	smov.u32 s9  }
0x22f: {  	p0 =	slt.u32 s10, $0x12C;
	v24 =	vadd.s32 v2, v8;
	v10 =	vmov s11;
	s9 =	sadd.s32 $0x2, s23;
	v15 =	vmov s12;
	v22 =	vld.idx.msk [tilespmem:v22+s17+$0x0], $0xffff;
	[tilespmem:s26+$0x30] =	vst v12;
	s26 =	smov.u32 s1  }
0x230: {  	v12 =	vand.u32 $0x1FD, v10;
	v10 =	vmov s9;
	v15 =	vand.u32 $0x1FF, v15;
	v19 =	vld.idx.msk [tilespmem:v19+s17+$0x0], $0xffff;
	[tilespmem:s26+$0x10] =	vst v14  }
0x231: {  	s0 =	sadd.s32 $0x100, s0;
	v14 =	vadd.s32 v0, v12;
	v10 =	vand.u32 $0x1FE, v10;
	[tilespmem:s28+$0x30] =	vst v13;
	v13 =	vld.idx.msk [tilespmem:v18+s17+$0x0], $0xffff;
	s28 =	smov.u32 s13  }
0x232: {  	v18 =	vadd.s32 v0, v10;
	[tilespmem:s0+$0xFFFFFFE0] =	vst v17;
	v17 =	vld.idx.msk [tilespmem:v20+s17+$0x0], $0xffff  }
0x233: {  	v25 =	vadd.s32 v3, v5;
	v5 =	vmov v9;
	s1 =	sand.u32 $0x1C0, s6;
	v20 =	vld.idx.msk [tilespmem:v11+s17+$0x0], $0xffff;
	[tilespmem:s28+$0x10] =	vst v16;
	v16 =	vadd.s32 v3, v4  }
0x234: {  	s1 =	sor.u32 s1, s4;
	v9 =	vmov v15;
	v4 =	vmov v7;
	v7 =	vmov v10;
	v24 =	vld.idx.msk [tilespmem:v24+s17+$0x0], $0xffff;
	[tilespmem:s20+$0x0] =	vst v21  }
0x235: {  	v26 =	vadd.s32 v1, v5;
	v10 =	vmov s23;
	[tilespmem:s1+$0x0] =	vst v22;
	v23 =	vld.idx.msk [tilespmem:v23+s17+$0x0], $0xffff  }
0x236: {  	v28 =	vadd.s32 v3, v8;
	v8 =	vmov v12;
	v10 =	vand.u32 $0x1FC, v10;
	v27 =	vld.idx.msk [tilespmem:v14+s17+$0x0], $0xffff;
	[tilespmem:s25+$0x20] =	vst v19  }
0x237: {  	s6 =	sadd.s32 $0x100, s6;
	v29 =	vadd.s32 v0, v10;
	v11 =	vadd.s32 v1, v10;
	v30 =	vld.idx.msk [tilespmem:v18+s17+$0x0], $0xffff;
	[tilespmem:s26+$0x20] =	vst v13  }
0x238: {  	s4 =	sadd.s32 $0xFFFFFF40, s6;
	v31 =	vadd.s32 v1, v8;
	[tilespmem:s24+$0x10] =	vst v17;
	v15 =	vld.idx.msk [tilespmem:v16+s17+$0x0], $0xffff  }
.Ltmp11:
0x239: {  	s9 =	sadd.s32 $0xFFFFFF80, s6;
	s4 =	sand.u32 $0x7E00, s4;
	v21 =	vadd.s32 v2, v6;
	[tilespmem:s0+$0xFFFFFFF0] =	vst v20;
	v12 =	vld.idx.msk [tilespmem:v25+s17+$0x0], $0xffff;
	(pc) =	sbr.rel @p0 .LBB2_24-.Ltmp11, $4  }
0x23a: {  	s10 =	sadd.s32 $0xFFFFFFC0, s6;
	s9 =	sand.u32 $0x140, s9;
	s4 =	sadd.s32 $0x14800, s4;
	v22 =	vadd.s32 v0, v9;
	[tilespmem:s28+$0x20] =	vst v24;
	v14 =	vld.idx.msk [tilespmem:v26+s17+$0x0], $0xffff  }
0x23b: {  	s13 =	sor.u32 s9, s4;
	s9 =	sand.u32 $0x180, s10;
	v19 =	vadd.s32 v2, v4;
	v13 =	vld.idx.msk [tilespmem:v28+s17+$0x0], $0xffff;
	[tilespmem:s20+$0x10] =	vst v23;
	s20 =	smov.u32 s0  }
0x23c: {  	s9 =	sor.u32 s9, s4;
	v18 =	vadd.s32 v2, v5;
	v17 =	vld.idx.msk [tilespmem:v29+s17+$0x0], $0xffff;
	[tilespmem:s13+$0x0] =	vst v27  }
0x23d: {  	s10 =	smov.u32 s14;
	v20 =	vadd.s32 v1, v7;
	v16 =	vld.idx.msk [tilespmem:v31+s17+$0x0], $0xffff;
	[tilespmem:s9+$0x0] =	vst v30  }
0x23e: {  	_ =	sdelay $0x3  }
0x23f: {  	[tilespmem:s25+$0x30] =	vst v15;
	v50 =	vld.idx.msk [tilespmem:v22+s17+$0x0], $0xffff  }
0x240: {  	[tilespmem:s26+$0x30] =	vst v12;
	v51 =	vadd.s32 v1, v9  }
0x241: {  	v21 =	vld.idx.msk [tilespmem:v21+s17+$0x0], $0xffff;
	[tilespmem:s1+$0x10] =	vst v14  }
0x242: {  	s0 =	sadd.s32 $0x100, s0;
	v52 =	vadd.s32 v2, v8;
	v19 =	vld.idx.msk [tilespmem:v19+s17+$0x0], $0xffff;
	s6 =	sand.u32 $0x1C0, s6;
	[tilespmem:s28+$0x30] =	vst v13  }
0x243: {  	v6 =	vadd.s32 v3, v6;
	v53 =	vld.idx.msk [tilespmem:v20+s17+$0x0], $0xffff;
	s4 =	sor.u32 s6, s4;
	[tilespmem:s0+$0xFFFFFFE0] =	vst v17  }
0x244: {  	v55 =	vadd.s32 v2, v7;
	v11 =	vld.idx.msk [tilespmem:v11+s17+$0x0], $0xffff;
	[tilespmem:s4+$0x0] =	vst v50  }
0x245: {  	v54 =	vadd.s32 v2, v10;
	[tilespmem:s13+$0x10] =	vst v16;
	v12 =	vld.idx.msk [tilespmem:v51+s17+$0x0], $0xffff  }
0x246: {  	v57 =	vadd.s32 v2, v9;
	v56 =	vld.idx.msk [tilespmem:v18+s17+$0x0], $0xffff;
	[tilespmem:s20+$0x0] =	vst v21  }
0x247: {  	v4 =	vadd.s32 v3, v4;
	v14 =	vld.idx.msk [tilespmem:v52+s17+$0x0], $0xffff;
	[tilespmem:s24+$0x20] =	vst v19  }
0x248: {  	v5 =	vadd.s32 v3, v5;
	[tilespmem:s9+$0x10] =	vst v53;
	v6 =	vld.idx.msk [tilespmem:v6+s17+$0x0], $0xffff  }
0x249: {  	v58 =	vadd.s32 v3, v8;
	v13 =	vld.idx.msk [tilespmem:v55+s17+$0x0], $0xffff;
	[tilespmem:s0+$0xFFFFFFF0] =	vst v11  }
0x24a: {  	v60 =	vadd.s32 v3, v7;
	v11 =	vld.idx.msk [tilespmem:v54+s17+$0x0], $0xffff;
	[tilespmem:s4+$0x10] =	vst v12  }
0x24b: {  	v59 =	vadd.s32 v3, v10;
	[tilespmem:s1+$0x20] =	vst v56;
	v12 =	vld.idx.msk [tilespmem:v57+s17+$0x0], $0xffff  }
0x24c: {  	v61 =	vadd.s32 v3, v9;
	v4 =	vld.idx.msk [tilespmem:v4+s17+$0x0], $0xffff;
	[tilespmem:s13+$0x20] =	vst v14  }
0x24d: {  	v5 =	vld.idx.msk [tilespmem:v5+s17+$0x0], $0xffff;
	[tilespmem:s20+$0x10] =	vst v6  }
0x24e: {  	v62 =	vld.idx.msk [tilespmem:v58+s17+$0x0], $0xffff;
	[tilespmem:s9+$0x20] =	vst v13  }
0x24f: {  	v7 =	vld.idx.msk [tilespmem:v60+s17+$0x0], $0xffff;
	[tilespmem:s0+$0x0] =	vst v11  }
0x250: {  	v63 =	vld.idx.msk [tilespmem:v59+s17+$0x0], $0xffff;
	[tilespmem:s4+$0x20] =	vst v12  }
0x251: {  	[tilespmem:s24+$0x30] =	vst v4;
	v4 =	vld.idx.msk [tilespmem:v61+s17+$0x0], $0xffff  }
0x252: {  	[tilespmem:s1+$0x30] =	vst v5  }
0x253: {  	[tilespmem:s13+$0x30] =	vst v62  }
0x254: {  	[tilespmem:s9+$0x30] =	vst v7  }
0x255: {  	[tilespmem:s0+$0x10] =	vst v63  }
0x256: {  	[tilespmem:s4+$0x30] =	vst v4  }
0x257: {  	s31 =	simm.s32 $0x14800;
	s0 =	simm.s32 $0x800;
	s1 =	rddreg [dreg:$0x7]  }
0x258: {  	[hbm4b:s1+s15] =	stream.strided.scatter [tilespmem:s31], [sflag:$0x4], $0x200, s18, s15, $0x38;
	[tilespmem:$0x19400] =	vst v63  }
.LBB2_26:
0x259: {  	p0 =	sne.s32 s0, $0x12800  }
.Ltmp12:
0x25a: {  	_ = 	snop;
	(pc) =	sbr.rel @p0 .LBB2_26-.Ltmp12, $4  }
0x25b: {  	_ = 	snop  }
0x25c: {  	s4 =	sshra.s32 s0, $0x2;
	s0 =	sadd.s32 $0x800, s0  }
0x25d: {  	s1 =	sadd.s32 $0x4000, s1;
	s4 =	sadd.s32 $0x14800, s4  }
0x25e: {  	[hbm4b:s1+s15] =	stream.strided.scatter [tilespmem:s4], [sflag:$0x4], $0x200, s18, s15, $0x38;
	[tilespmem:$0x19400] =	vst v63  }
0x25f: {  	_ =	swait.ge [sflag:s22], $0x4C00  }
0x260: {  	s1 =	rddreg [dreg:$0x9]  }
0x261: {  	s0 =	rddreg [dreg:$0x8];
	s1 =	sadd.s32 $0x1, s1  }
0x262: {  	p0 =	sne.s32 s1, s0  }
.Ltmp13:
0x263: {  	_ = 	snop;
	(pc) =	sbr.rel @p0 .LBB2_1-.Ltmp13, $3  }
0x264: {  	_ =	sdelay $0x1  }
0x265: {  	[sflag:s22] =	ssyncset.done $0x0  }
0x266: {  	s11 =	simm.s32 $0xC0;
	[sflag:s22] =	ssyncadd.s32 $0xFFFFB400  }
0x267: {  	_ =	sfence.sel $0x180000  }
0x268: {  	[bflag:$0x0] =	sbarrier.arrive $0xFFFF  }
0x269: {  	_ =	strace $0x90000047  }
0x26a: {  	s0 =	stileid.u32;
	[bflag:$0x2] =	sbarrier.arrive $0xFFFF  }
0x26b: {  	p0 =	sne.s32 s0, $0x0;
	s0 =	rddreg [dreg:$0x2]  }
0x26c: {  	s0 =	sadd.s32 @!p0 $0x100000, s0  }
0x26d: {  	[sflag:s0] =	ssyncadd.tile.s32 @!p0 $0x1;
	_ =	shalt  }
.Lfunc_end2:
_tile_overlayer_lowered:
.L_overlay_start_2:
0x26e: {  	(tag) =	ssettag $0x2  }
0x26f: {  	s0 =	rddreg [dreg:$0x0];
	s2 =	stileid.u32  }
0x270: {  	s1 =	rddreg [dreg:$0x1];
	p0 =	sne.s32 s2, $0x0  }
0x271: {  	s3 =	rddreg [dreg:$0x2];
	[bflag:$0x3] =	sbarrier.arrive $0xFFFF;
	s2 =	simm.s32 @!p0 $0x1C05  }
0x272: {  	[timem:s3], [sflag:s2] =	dma.local @!p0 [hbm:s0], s1  }
0x273: {  	s0 =	simm.s32 @!p0 $0x5  }
0x274: {  	_ =	swait.ge @!p0 [sflag:s0], s1  }
0x275: {  	s1 =	ssub.s32 @!p0 $0x0, s1;
	[sflag:s0] =	ssyncset.done @!p0 $0x0  }
0x276: {  	[sflag:s0] =	ssyncadd.s32 @!p0 s1  }
0x277: {  	[bflag:$0x3] =	sbarrier.arrive $0xFFFF  }
0x278: {  	_ =	shalt  }

</sc_bundles>
